<compile_context>
chip_gen: v7x
topology: tpu7x:2x2x1
jax: 0.10.2.dev20260603
libtpu: 0.0.44.dev20260713+nightly
codegen_flags: <defaults>
</compile_context>

<pallas_src>
import functools

import jax
import jax.numpy as jnp
from jax import lax
from jax.experimental import pallas as pl
from jax.experimental.pallas import tpu as pltpu
from jax.experimental.pallas import tpu_sc as plsc

L, B, D = 50, 1024, 784
NC, NS, LANES = 2, 16, 16
NW = NC * NS
BPW = B // NW
NG = BPW // LANES


def _tc_body(x_ref, w_ref, b_ref, dsym_ref, mdtv_ref):
    i = pl.program_id(0)
    x = x_ref[0]
    logits = lax.dot_general(
        w_ref[...], x, (((0,), (0,)), ((), ())),
        preferred_element_type=jnp.float32) + b_ref[...]
    l0 = logits[0]
    l1 = logits[1]
    dtv = jnp.maximum(l0, l1)
    dsym_ref[0, 0, :] = (l1 > l0).astype(jnp.int32)

    @pl.when(i == 0)
    def _():
        mdtv_ref[0, :] = dtv

    @pl.when(i > 0)
    def _():
        mdtv_ref[0, :] = jnp.minimum(mdtv_ref[0, :], dtv)


def _tc_stage(xt, W_nn, b_nn):
    return pl.pallas_call(
        _tc_body,
        grid=(L,),
        in_specs=[
            pl.BlockSpec((1, D, B), lambda i: (i, 0, 0)),
            pl.BlockSpec((D, 2), lambda i: (0, 0)),
            pl.BlockSpec((2, 1), lambda i: (0, 0)),
        ],
        out_specs=[
            pl.BlockSpec((1, 1, B), lambda i: (i, 0, 0)),
            pl.BlockSpec((1, B), lambda i: (0, 0)),
        ],
        out_shape=[
            jax.ShapeDtypeStruct((L, 1, B), jnp.int32),
            jax.ShapeDtypeStruct((1, B), jnp.float32),
        ],
    )(xt, W_nn, b_nn.reshape(2, 1))


def _sc_body(dsym_hbm, mdtv_hbm, w_hbm, wi_hbm, pred_hbm, prev_hbm,
             dsym_v, mdtv_v, wf_v, wi_v, t_v, m_v, pred_v, prev_v):
    wid = lax.axis_index("s") * NC + lax.axis_index("c")
    blk = wid // 4
    sub = wid % 4
    base = blk * 128 + sub * BPW
    pltpu.sync_copy(w_hbm, wf_v)
    pltpu.sync_copy(wi_hbm, wi_v)
    pltpu.sync_copy(
        dsym_hbm.at[:, 0, pl.ds(pl.multiple_of(blk * 128, 128), 128)], dsym_v)
    pltpu.sync_copy(mdtv_hbm.at[0, pl.ds(base, BPW)], mdtv_v)

    ik = lax.iota(jnp.int32, LANES)
    zero16 = jnp.full((LANES,), 0, jnp.int32)
    one16 = jnp.full((LANES,), 1, jnp.int32)
    i0 = jnp.minimum(ik // 2, 1)
    i1 = ik % 2
    aw = plsc.load_gather(wf_v, [i0, i1, zero16])
    bw = plsc.load_gather(wf_v, [i0, i1, one16])
    wi0 = plsc.load_gather(wi_v, [zero16, zero16])
    wi1 = plsc.load_gather(wi_v, [zero16, one16])
    is4 = ik == 4
    a = jnp.where(is4, wi0, aw)
    b = jnp.where(is4, wi1, bw)

    t_v[...] = 1.0 / (1.0 + jnp.exp(-jnp.abs(a - b)))
    m_v[...] = jnp.where(b > a,
                         jnp.full((LANES,), 1, jnp.int32),
                         jnp.full((LANES,), 0, jnp.int32))

    init_idx = jnp.full((LANES,), 4, jnp.int32)
    for g in range(NG):
        first_truth = plsc.load_gather(t_v, [init_idx])
        prev = plsc.load_gather(m_v, [init_idx])
        mn = first_truth
        for i in range(L):
            ds = dsym_v[i, pl.ds(sub * BPW + g * LANES, LANES)]
            prev = plsc.load_gather(m_v, [ds * 2 + prev])
            mn = jnp.minimum(mn, plsc.load_gather(t_v, [ds * 2 + prev]))
        mn = jnp.minimum(mn, mdtv_v[pl.ds(g * LANES, LANES)])
        pred_v[pl.ds(g * LANES, LANES)] = mn
        prev_v[pl.ds(g * LANES, LANES)] = prev

    pltpu.sync_copy(pred_v, pred_hbm.at[pl.ds(base, BPW)])
    pltpu.sync_copy(prev_v, prev_hbm.at[pl.ds(base, BPW)])


@functools.cache
def _sc_stage():
    return pl.kernel(
        _sc_body,
        out_type=(jax.ShapeDtypeStruct((B,), jnp.float32),
                  jax.ShapeDtypeStruct((B,), jnp.int32)),
        mesh=plsc.VectorSubcoreMesh(core_axis_name="c", subcore_axis_name="s"),
        compiler_params=pltpu.CompilerParams(needs_layout_passes=False),
        scratch_types=[
            pltpu.VMEM((L, 128), jnp.int32),
            pltpu.VMEM((BPW,), jnp.float32),
            pltpu.VMEM((2, 2, 2), jnp.float32),
            pltpu.VMEM((1, 2), jnp.float32),
            pltpu.VMEM((LANES,), jnp.float32),
            pltpu.VMEM((LANES,), jnp.int32),
            pltpu.VMEM((BPW,), jnp.float32),
            pltpu.VMEM((BPW,), jnp.int32),
        ],
    )


def kernel(binary_list, weight_initial, weights, W_nn, b_nn, eval):
    xt = jnp.transpose(binary_list, (0, 2, 1))
    dsym, mdtv = _tc_stage(xt, W_nn, b_nn)
    pred, prev = _sc_stage()(dsym, mdtv, weights, weight_initial)
    return pred, prev.reshape(B, 1, 1)

# --- scband reference (transcript-rebuilt; emitter-appended) ---
"""Pipeline reference for scband-visual-parity-function-model-88854283419747 (READ-ONLY COPY).

The authoritative reference and input builder live on the scoring server;
editing this copy changes nothing except your own understanding.
"""

import jax, jax.numpy as jnp
import numpy as np

L, B, D = 50, 1024, 784

def setup_inputs(seed: int = 0) -> dict:
    key = jax.random.key(seed)
    k1, k2, k3, k4 = jax.random.split(key, 4)
    binary_list = jax.random.normal(k1, (L, B, D), dtype=jnp.float32)
    weight_initial = jax.random.normal(k2, (1, 2), dtype=jnp.float32)
    weights = jax.random.normal(k3, (2, 2, 2), dtype=jnp.float32)
    W_nn = jax.random.normal(k4, (D, 2), dtype=jnp.float32) * 0.02
    b_nn = jnp.zeros((2,), dtype=jnp.float32)
    return {"binary_list": binary_list, "weight_initial": weight_initial, "weights": weights, "W_nn": W_nn, "b_nn": b_nn, "eval": 1}

def reference(binary_list, weight_initial, weights, W_nn, b_nn, eval):
    # eval=True path of VisualParityFunctionModel.forward (deterministic branch of EpsilonGreedy:
    # torch.max(t, dim=-1, keepdim=True) -> (values, indices)).
    Bsz = binary_list.shape[1]
    p0 = jax.nn.softmax(weight_initial, axis=1)            # [1,2]
    p0r = jnp.tile(p0, (Bsz, 1))                           # [B,2]
    first_truth = jnp.max(p0r, axis=-1, keepdims=True)     # [B,1]
    prev = jnp.argmax(p0r, axis=-1)[:, None]               # [B,1] int
    sw = jax.nn.softmax(weights, axis=-1)                  # [2,2,2]
    truths = jnp.max(sw, axis=-1, keepdims=True)           # [2,2,1]
    matrix = jnp.argmax(sw, axis=-1)[..., None]            # [2,2,1] int
    tv_list = [first_truth.reshape(-1)]
    for i in range(binary_list.shape[0]):
        b = binary_list[i]                                 # [B,D]
        logits = b @ W_nn + b_nn                           # nn(b)[0] -> [B,2]
        dtv = jnp.max(logits, axis=-1, keepdims=True)      # [B,1]
        dsym = jnp.argmax(logits, axis=-1)[:, None]        # [B,1]
        prev = matrix[dsym.reshape(-1, 1), prev.reshape(-1, 1)]   # [B,1,1]
        tv_list.append(truths[jnp.squeeze(dsym), jnp.squeeze(prev)].reshape(-1, 1))
        tv_list.append(dtv.reshape(-1, 1))
    symbols_tv = jnp.concatenate([t.reshape(-1, 1) for t in tv_list], axis=1)  # [B, 1+2L]
    pred = jnp.min(symbols_tv, axis=1)                     # [B]
    return (pred, prev)

if __name__ == "__main__":
    import jax
    _d = setup_inputs()
    print(jax.jit(kernel)(*tuple(_d.values())))

</pallas_src>

<mosaic_0001>
#map = affine_map<(d0, d1) -> (0, 0, 0)>
#map1 = affine_map<(d0, d1) -> (0, 0)>
#map2 = affine_map<(d0, d1) -> (0)>
module attributes {stable_mosaic.version = 14 : i64} {
  func.func @_sc_body(%arg0: i32, %arg1: i32, %arg2: memref<50x1x1024xi32, #tpu.memory_space<hbm>>, %arg3: memref<1x1024xf32, #tpu.memory_space<hbm>>, %arg4: memref<2x2x2xf32, #tpu.memory_space<hbm>>, %arg5: memref<1x2xf32, #tpu.memory_space<hbm>>, %arg6: memref<1024xf32, #tpu.memory_space<hbm>>, %arg7: memref<1024xi32, #tpu.memory_space<hbm>>, %arg8: memref<50x128xi32, #tpu.memory_space<vmem>>, %arg9: memref<32xf32, #tpu.memory_space<vmem>>, %arg10: memref<2x2x2xf32, #tpu.memory_space<vmem>>, %arg11: memref<1x2xf32, #tpu.memory_space<vmem>>, %arg12: memref<16xf32, #tpu.memory_space<vmem>>, %arg13: memref<16xi32, #tpu.memory_space<vmem>>, %arg14: memref<32xf32, #tpu.memory_space<vmem>>, %arg15: memref<32xi32, #tpu.memory_space<vmem>>) attributes {dimension_semantics = [#tpu.dimension_semantics<core_parallel>, #tpu.dimension_semantics<subcore_parallel>], iteration_bounds = array<i64: 2, 16>, scalar_prefetch = 0 : i64, scratch_operands = 8 : i64, tpu.core_type = #tpu.core_type<sc_vector_subcore>, window_params = [{transform_indices = #map}, {transform_indices = #map1}, {transform_indices = #map}, {transform_indices = #map1}, {transform_indices = #map2}, {transform_indices = #map2}]} {
    %mul3A = arith.constant 2 : i32
    %mul3A_0 = arith.muli %arg1, %mul3A : i32
    %add3A = arith.addi %mul3A_0, %arg0 : i32
    %jit3A = arith.constant 4 : i32
    %div3A = arith.divsi %add3A, %jit3A : i32
    %sign3A = arith.constant 0 : i32
    %sign3A_1 = arith.cmpi sgt, %add3A, %sign3A : i32
    %sign3A_2 = arith.extui %sign3A_1 : i1 to i32
    %sign3A_3 = arith.constant 0 : i32
    %sign3A_4 = arith.cmpi slt, %add3A, %sign3A_3 : i32
    %sign3A_5 = arith.extui %sign3A_4 : i1 to i32
    %sign3A_6 = arith.subi %sign3A_2, %sign3A_5 : i32
    %sign3A_7 = arith.constant 0 : i32
    %sign3A_8 = arith.cmpi sgt, %jit3A, %sign3A_7 : i32
    %sign3A_9 = arith.extui %sign3A_8 : i1 to i32
    %sign3A_10 = arith.constant 0 : i32
    %sign3A_11 = arith.cmpi slt, %jit3A, %sign3A_10 : i32
    %sign3A_12 = arith.extui %sign3A_11 : i1 to i32
    %sign3A_13 = arith.subi %sign3A_9, %sign3A_12 : i32
    %ne3A = arith.cmpi ne, %sign3A_6, %sign3A_13 : i32
    %rem3A = arith.remsi %add3A, %jit3A : i32
    %ne3A_14 = arith.constant 0 : i32
    %ne3A_15 = arith.cmpi ne, %rem3A, %ne3A_14 : i32
    %and3A = arith.andi %ne3A, %ne3A_15 : i1
    %sub3A = arith.constant 1 : i32
    %sub3A_16 = arith.subi %div3A, %sub3A : i32
    %select_n3A = arith.select %and3A, %sub3A_16, %div3A : i32
    %jit3A_17 = arith.constant 4 : i32
    %eq3A = arith.constant 0 : i32
    %eq3A_18 = arith.cmpi eq, %jit3A_17, %eq3A : i32
    %jit3A_19 = arith.constant 1 : i32
    %select_n3A_20 = arith.select %eq3A_18, %jit3A_19, %jit3A_17 : i32
    %rem3A_21 = arith.remsi %add3A, %select_n3A_20 : i32
    %ne3A_22 = arith.constant 0 : i32
    %ne3A_23 = arith.cmpi ne, %rem3A_21, %ne3A_22 : i32
    %lt3A = arith.constant 0 : i32
    %lt3A_24 = arith.cmpi slt, %rem3A_21, %lt3A : i32
    %lt3A_25 = arith.constant 0 : i32
    %lt3A_26 = arith.cmpi slt, %select_n3A_20, %lt3A_25 : i32
    %ne3A_27 = arith.xori %lt3A_24, %lt3A_26 : i1
    %and3A_28 = arith.andi %ne3A_27, %ne3A_23 : i1
    %add3A_29 = arith.addi %rem3A_21, %select_n3A_20 : i32
    %select_n3A_30 = arith.select %and3A_28, %add3A_29, %rem3A_21 : i32
    %mul3A_31 = arith.constant 128 : i32
    %mul3A_32 = arith.muli %select_n3A, %mul3A_31 : i32
    %mul3A_33 = arith.constant 32 : i32
    %mul3A_34 = arith.muli %select_n3A_30, %mul3A_33 : i32
    %add3A_35 = arith.addi %mul3A_32, %mul3A_34 : i32
    "tpu.region"() ({
      %run_scoped3A_2041 = tpu.sem_alloc : memref<!tpu.dma_semaphore, #tpu.memory_space<semaphore_mem>>
      tpu.enqueue_dma source(%arg4 : memref<2x2x2xf32, #tpu.memory_space<hbm>>) target(%arg10 : memref<2x2x2xf32, #tpu.memory_space<vmem>>) target_semaphore(%run_scoped3A_2041 : memref<!tpu.dma_semaphore, #tpu.memory_space<semaphore_mem>>)
      tpu.wait_dma2 semaphore(%run_scoped3A_2041 : memref<!tpu.dma_semaphore, #tpu.memory_space<semaphore_mem>>) src(%arg4 : memref<2x2x2xf32, #tpu.memory_space<hbm>>) dst(%arg10 : memref<2x2x2xf32, #tpu.memory_space<vmem>>)
      tpu.yield
    }) : () -> ()
    "tpu.region"() ({
      %run_scoped3A_2041 = tpu.sem_alloc : memref<!tpu.dma_semaphore, #tpu.memory_space<semaphore_mem>>
      tpu.enqueue_dma source(%arg5 : memref<1x2xf32, #tpu.memory_space<hbm>>) target(%arg11 : memref<1x2xf32, #tpu.memory_space<vmem>>) target_semaphore(%run_scoped3A_2041 : memref<!tpu.dma_semaphore, #tpu.memory_space<semaphore_mem>>)
      tpu.wait_dma2 semaphore(%run_scoped3A_2041 : memref<!tpu.dma_semaphore, #tpu.memory_space<semaphore_mem>>) src(%arg5 : memref<1x2xf32, #tpu.memory_space<hbm>>) dst(%arg11 : memref<1x2xf32, #tpu.memory_space<vmem>>)
      tpu.yield
    }) : () -> ()
    %mul3A_36 = arith.constant 128 : i32
    %mul3A_37 = arith.muli %select_n3A, %mul3A_36 : i32
    %multiple_of3A = tpu.assume_multiple %mul3A_37, 128 : i32
    %run_scoped3A = arith.constant 0 : i32
    "tpu.region"() ({
      %run_scoped3A_2041 = tpu.sem_alloc : memref<!tpu.dma_semaphore, #tpu.memory_space<semaphore_mem>>
      %dma_start3A = arith.constant 0 : i32
      %dma_start3A_2042 = tpu.memref_slice %arg2[%dma_start3A, %run_scoped3A, %multiple_of3A] : memref<50x1x1024xi32, #tpu.memory_space<hbm>> -> memref<50x1x128xi32, #tpu.memory_space<hbm>>
      %dma_start3A_2043 = tpu.memref_squeeze %dma_start3A_2042 : memref<50x1x128xi32, #tpu.memory_space<hbm>> -> memref<50x128xi32, #tpu.memory_space<hbm>>
      %dma_start3A_2044 = arith.constant 0 : i32
      %dma_start3A_2045 = tpu.memref_slice %arg2[%dma_start3A_2044, %run_scoped3A, %multiple_of3A] : memref<50x1x1024xi32, #tpu.memory_space<hbm>> -> memref<50x1x128xi32, #tpu.memory_space<hbm>>
      %dma_start3A_2046 = tpu.memref_squeeze %dma_start3A_2045 : memref<50x1x128xi32, #tpu.memory_space<hbm>> -> memref<50x128xi32, #tpu.memory_space<hbm>>
      tpu.enqueue_dma source(%dma_start3A_2046 : memref<50x128xi32, #tpu.memory_space<hbm>>) target(%arg8 : memref<50x128xi32, #tpu.memory_space<vmem>>) target_semaphore(%run_scoped3A_2041 : memref<!tpu.dma_semaphore, #tpu.memory_space<semaphore_mem>>)
      %dma_wait3A = arith.constant 0 : i32
      %dma_wait3A_2047 = tpu.memref_slice %arg2[%dma_wait3A, %run_scoped3A, %multiple_of3A] : memref<50x1x1024xi32, #tpu.memory_space<hbm>> -> memref<50x1x128xi32, #tpu.memory_space<hbm>>
      %dma_wait3A_2048 = tpu.memref_squeeze %dma_wait3A_2047 : memref<50x1x128xi32, #tpu.memory_space<hbm>> -> memref<50x128xi32, #tpu.memory_space<hbm>>
      %dma_wait3A_2049 = arith.constant 0 : i32
      %dma_wait3A_2050 = tpu.memref_slice %arg2[%dma_wait3A_2049, %run_scoped3A, %multiple_of3A] : memref<50x1x1024xi32, #tpu.memory_space<hbm>> -> memref<50x1x128xi32, #tpu.memory_space<hbm>>
      %dma_wait3A_2051 = tpu.memref_squeeze %dma_wait3A_2050 : memref<50x1x128xi32, #tpu.memory_space<hbm>> -> memref<50x128xi32, #tpu.memory_space<hbm>>
      tpu.wait_dma2 semaphore(%run_scoped3A_2041 : memref<!tpu.dma_semaphore, #tpu.memory_space<semaphore_mem>>) src(%dma_wait3A_2051 : memref<50x128xi32, #tpu.memory_space<hbm>>) dst(%arg8 : memref<50x128xi32, #tpu.memory_space<vmem>>)
      tpu.yield
    }) : () -> ()
    %run_scoped3A_38 = arith.constant 0 : i32
    "tpu.region"() ({
      %run_scoped3A_2041 = tpu.sem_alloc : memref<!tpu.dma_semaphore, #tpu.memory_space<semaphore_mem>>
      %dma_start3A = tpu.memref_slice %arg3[%run_scoped3A_38, %add3A_35] : memref<1x1024xf32, #tpu.memory_space<hbm>> -> memref<1x32xf32, #tpu.memory_space<hbm>>
      %dma_start3A_2042 = tpu.memref_squeeze %dma_start3A : memref<1x32xf32, #tpu.memory_space<hbm>> -> memref<32xf32, #tpu.memory_space<hbm>>
      %dma_start3A_2043 = tpu.memref_slice %arg3[%run_scoped3A_38, %add3A_35] : memref<1x1024xf32, #tpu.memory_space<hbm>> -> memref<1x32xf32, #tpu.memory_space<hbm>>
      %dma_start3A_2044 = tpu.memref_squeeze %dma_start3A_2043 : memref<1x32xf32, #tpu.memory_space<hbm>> -> memref<32xf32, #tpu.memory_space<hbm>>
      tpu.enqueue_dma source(%dma_start3A_2044 : memref<32xf32, #tpu.memory_space<hbm>>) target(%arg9 : memref<32xf32, #tpu.memory_space<vmem>>) target_semaphore(%run_scoped3A_2041 : memref<!tpu.dma_semaphore, #tpu.memory_space<semaphore_mem>>)
      %dma_wait3A = tpu.memref_slice %arg3[%run_scoped3A_38, %add3A_35] : memref<1x1024xf32, #tpu.memory_space<hbm>> -> memref<1x32xf32, #tpu.memory_space<hbm>>
      %dma_wait3A_2045 = tpu.memref_squeeze %dma_wait3A : memref<1x32xf32, #tpu.memory_space<hbm>> -> memref<32xf32, #tpu.memory_space<hbm>>
      %dma_wait3A_2046 = tpu.memref_slice %arg3[%run_scoped3A_38, %add3A_35] : memref<1x1024xf32, #tpu.memory_space<hbm>> -> memref<1x32xf32, #tpu.memory_space<hbm>>
      %dma_wait3A_2047 = tpu.memref_squeeze %dma_wait3A_2046 : memref<1x32xf32, #tpu.memory_space<hbm>> -> memref<32xf32, #tpu.memory_space<hbm>>
      tpu.wait_dma2 semaphore(%run_scoped3A_2041 : memref<!tpu.dma_semaphore, #tpu.memory_space<semaphore_mem>>) src(%dma_wait3A_2047 : memref<32xf32, #tpu.memory_space<hbm>>) dst(%arg9 : memref<32xf32, #tpu.memory_space<vmem>>)
      tpu.yield
    }) : () -> ()
    %iota3A = tpu.iota {dimensions = array<i32: 0>} : vector<16xi32>
    %broadcast_in_dim3A = arith.constant 0 : i32
    %broadcast_in_dim3A_39 = vector.broadcast %broadcast_in_dim3A : i32 to vector<16xi32>
    %broadcast_in_dim3A_40 = arith.constant 1 : i32
    %broadcast_in_dim3A_41 = vector.broadcast %broadcast_in_dim3A_40 : i32 to vector<16xi32>
    %jit3A_42 = arith.constant 2 : i32
    %div3A_43 = vector.broadcast %jit3A_42 : i32 to vector<16xi32>
    %div3A_44 = arith.divsi %iota3A, %div3A_43 : vector<16xi32>
    %sign3A_45 = arith.constant 0 : i32
    %sign3A_46 = vector.broadcast %sign3A_45 : i32 to vector<16xi32>
    %sign3A_47 = arith.cmpi sgt, %iota3A, %sign3A_46 : vector<16xi32>
    %sign3A_48 = arith.extui %sign3A_47 : vector<16xi1> to vector<16xi32>
    %sign3A_49 = arith.constant 0 : i32
    %sign3A_50 = vector.broadcast %sign3A_49 : i32 to vector<16xi32>
    %sign3A_51 = arith.cmpi slt, %iota3A, %sign3A_50 : vector<16xi32>
    %sign3A_52 = arith.extui %sign3A_51 : vector<16xi1> to vector<16xi32>
    %sign3A_53 = arith.subi %sign3A_48, %sign3A_52 : vector<16xi32>
    %sign3A_54 = arith.constant 0 : i32
    %sign3A_55 = arith.cmpi sgt, %jit3A_42, %sign3A_54 : i32
    %sign3A_56 = arith.extui %sign3A_55 : i1 to i32
    %sign3A_57 = arith.constant 0 : i32
    %sign3A_58 = arith.cmpi slt, %jit3A_42, %sign3A_57 : i32
    %sign3A_59 = arith.extui %sign3A_58 : i1 to i32
    %sign3A_60 = arith.subi %sign3A_56, %sign3A_59 : i32
    %ne3A_61 = vector.broadcast %sign3A_60 : i32 to vector<16xi32>
    %ne3A_62 = arith.cmpi ne, %sign3A_53, %ne3A_61 : vector<16xi32>
    %rem3A_63 = vector.broadcast %jit3A_42 : i32 to vector<16xi32>
    %rem3A_64 = arith.remsi %iota3A, %rem3A_63 : vector<16xi32>
    %ne3A_65 = arith.constant 0 : i32
    %ne3A_66 = vector.broadcast %ne3A_65 : i32 to vector<16xi32>
    %ne3A_67 = arith.cmpi ne, %rem3A_64, %ne3A_66 : vector<16xi32>
    %and3A_68 = arith.andi %ne3A_62, %ne3A_67 : vector<16xi1>
    %sub3A_69 = arith.constant 1 : i32
    %sub3A_70 = vector.broadcast %sub3A_69 : i32 to vector<16xi32>
    %sub3A_71 = arith.subi %div3A_44, %sub3A_70 : vector<16xi32>
    %select_n3A_72 = arith.select %and3A_68, %sub3A_71, %div3A_44 : vector<16xi1>, vector<16xi32>
    %min3A = arith.constant 1 : i32
    %min3A_73 = vector.broadcast %min3A : i32 to vector<16xi32>
    %min3A_74 = arith.minsi %select_n3A_72, %min3A_73 : vector<16xi32>
    %jit3A_75 = arith.constant 2 : i32
    %eq3A_76 = arith.constant 0 : i32
    %eq3A_77 = arith.cmpi eq, %jit3A_75, %eq3A_76 : i32
    %jit3A_78 = arith.constant 1 : i32
    %select_n3A_79 = arith.select %eq3A_77, %jit3A_78, %jit3A_75 : i32
    %rem3A_80 = vector.broadcast %select_n3A_79 : i32 to vector<16xi32>
    %rem3A_81 = arith.remsi %iota3A, %rem3A_80 : vector<16xi32>
    %ne3A_82 = arith.constant 0 : i32
    %ne3A_83 = vector.broadcast %ne3A_82 : i32 to vector<16xi32>
    %ne3A_84 = arith.cmpi ne, %rem3A_81, %ne3A_83 : vector<16xi32>
    %lt3A_85 = arith.constant 0 : i32
    %lt3A_86 = vector.broadcast %lt3A_85 : i32 to vector<16xi32>
    %lt3A_87 = arith.cmpi slt, %rem3A_81, %lt3A_86 : vector<16xi32>
    %lt3A_88 = arith.constant 0 : i32
    %lt3A_89 = arith.cmpi slt, %select_n3A_79, %lt3A_88 : i32
    %ne3A_90 = vector.broadcast %lt3A_89 : i1 to vector<16xi1>
    %ne3A_91 = vector.broadcast %ne3A_90 : vector<16xi1> to vector<16xi1>
    %ne3A_92 = arith.xori %lt3A_87, %ne3A_91 : vector<16xi1>
    %and3A_93 = arith.andi %ne3A_92, %ne3A_84 : vector<16xi1>
    %add3A_94 = vector.broadcast %select_n3A_79 : i32 to vector<16xi32>
    %add3A_95 = arith.addi %rem3A_81, %add3A_94 : vector<16xi32>
    %select_n3A_96 = arith.select %and3A_93, %add3A_95, %rem3A_81 : vector<16xi1>, vector<16xi32>
    %gather3A = tpu.vector_load_idx %arg10[%min3A_74, %select_n3A_96, %broadcast_in_dim3A_39] : memref<2x2x2xf32, #tpu.memory_space<vmem>>[vector<16xi32>, vector<16xi32>, vector<16xi32>], vector<16xf32>,
    %gather3A_97 = tpu.vector_load_idx %arg10[%min3A_74, %select_n3A_96, %broadcast_in_dim3A_41] : memref<2x2x2xf32, #tpu.memory_space<vmem>>[vector<16xi32>, vector<16xi32>, vector<16xi32>], vector<16xf32>,
    %gather3A_98 = tpu.vector_load_idx %arg11[%broadcast_in_dim3A_39, %broadcast_in_dim3A_39] : memref<1x2xf32, #tpu.memory_space<vmem>>[vector<16xi32>, vector<16xi32>], vector<16xf32>,
    %gather3A_99 = tpu.vector_load_idx %arg11[%broadcast_in_dim3A_39, %broadcast_in_dim3A_41] : memref<1x2xf32, #tpu.memory_space<vmem>>[vector<16xi32>, vector<16xi32>], vector<16xf32>,
    %eq3A_100 = arith.constant 4 : i32
    %eq3A_101 = vector.broadcast %eq3A_100 : i32 to vector<16xi32>
    %eq3A_102 = arith.cmpi eq, %iota3A, %eq3A_101 : vector<16xi32>
    %select_n3A_103 = arith.select %eq3A_102, %gather3A_98, %gather3A : vector<16xi1>, vector<16xf32>
    %select_n3A_104 = arith.select %eq3A_102, %gather3A_99, %gather3A_97 : vector<16xi1>, vector<16xf32>
    %sub3A_105 = arith.subf %select_n3A_103, %select_n3A_104 : vector<16xf32>
    %abs3A = math.absf %sub3A_105 : vector<16xf32>
    %neg3A = arith.constant 0.000000e+00 : f32
    %neg3A_106 = vector.broadcast %neg3A : f32 to vector<16xf32>
    %neg3A_107 = arith.subf %neg3A_106, %abs3A : vector<16xf32>
    %exp3A = math.exp %neg3A_107 : vector<16xf32>
    %add3A_108 = arith.constant 1.000000e+00 : f32
    %add3A_109 = vector.broadcast %add3A_108 : f32 to vector<16xf32>
    %add3A_110 = arith.addf %add3A_109, %exp3A : vector<16xf32>
    %div3A_111 = arith.constant 1.000000e+00 : f32
    %div3A_112 = vector.broadcast %div3A_111 : f32 to vector<16xf32>
    %div3A_113 = arith.divf %div3A_112, %add3A_110 : vector<16xf32>
    %swap3A = arith.constant 0 : index
    %swap3A_114 = tpu.vector_load %arg12[%swap3A] {strides = array<i32>} : memref<16xf32, #tpu.memory_space<vmem>>, vector<16xf32>,
    tpu.vector_store %arg12[%swap3A], %div3A_113 {strides = array<i32>} : memref<16xf32, #tpu.memory_space<vmem>>, vector<16xf32>,
    %gt3A = arith.cmpf ogt, %select_n3A_104, %select_n3A_103 : vector<16xf32>
    %broadcast_in_dim3A_115 = arith.constant 1 : i32
    %broadcast_in_dim3A_116 = vector.broadcast %broadcast_in_dim3A_115 : i32 to vector<16xi32>
    %broadcast_in_dim3A_117 = arith.constant 0 : i32
    %broadcast_in_dim3A_118 = vector.broadcast %broadcast_in_dim3A_117 : i32 to vector<16xi32>
    %select_n3A_119 = arith.select %gt3A, %broadcast_in_dim3A_116, %broadcast_in_dim3A_118 : vector<16xi1>, vector<16xi32>
    %swap3A_120 = arith.constant 0 : index
    %swap3A_121 = tpu.vector_load %arg13[%swap3A_120] {strides = array<i32>} : memref<16xi32, #tpu.memory_space<vmem>>, vector<16xi32>,
    tpu.vector_store %arg13[%swap3A_120], %select_n3A_119 {strides = array<i32>} : memref<16xi32, #tpu.memory_space<vmem>>, vector<16xi32>,
    %broadcast_in_dim3A_122 = arith.constant 4 : i32
    %broadcast_in_dim3A_123 = vector.broadcast %broadcast_in_dim3A_122 : i32 to vector<16xi32>
    %gather3A_124 = tpu.vector_load_idx %arg12[%broadcast_in_dim3A_123] : memref<16xf32, #tpu.memory_space<vmem>>[vector<16xi32>], vector<16xf32>,
    %gather3A_125 = tpu.vector_load_idx %arg13[%broadcast_in_dim3A_123] : memref<16xi32, #tpu.memory_space<vmem>>[vector<16xi32>], vector<16xi32>,
    %mul3A_126 = arith.constant 32 : i32
    %mul3A_127 = arith.muli %select_n3A_30, %mul3A_126 : i32
    %add3A_128 = arith.constant 0 : i32
    %add3A_129 = arith.addi %mul3A_127, %add3A_128 : i32
    %get3A = arith.constant 0 : i32
    %get3A_130 = arith.index_cast %get3A : i32 to index
    %get3A_131 = arith.index_cast %add3A_129 : i32 to index
    %get3A_132 = tpu.vector_load %arg8[%get3A_130, %get3A_131] {strides = array<i32>} : memref<50x128xi32, #tpu.memory_space<vmem>>, vector<16xi32>,
    %mul3A_133 = arith.constant 2 : i32
    %mul3A_134 = vector.broadcast %mul3A_133 : i32 to vector<16xi32>
    %mul3A_135 = arith.muli %get3A_132, %mul3A_134 : vector<16xi32>
    %add3A_136 = arith.addi %mul3A_135, %gather3A_125 : vector<16xi32>
    %gather3A_137 = tpu.vector_load_idx %arg13[%add3A_136] : memref<16xi32, #tpu.memory_space<vmem>>[vector<16xi32>], vector<16xi32>,
    %mul3A_138 = arith.constant 2 : i32
    %mul3A_139 = vector.broadcast %mul3A_138 : i32 to vector<16xi32>
    %mul3A_140 = arith.muli %get3A_132, %mul3A_139 : vector<16xi32>
    %add3A_141 = arith.addi %mul3A_140, %gather3A_137 : vector<16xi32>
    %gather3A_142 = tpu.vector_load_idx %arg12[%add3A_141] : memref<16xf32, #tpu.memory_space<vmem>>[vector<16xi32>], vector<16xf32>,
    %min3A_143 = arith.minimumf %gather3A_124, %gather3A_142 : vector<16xf32>
    %mul3A_144 = arith.constant 32 : i32
    %mul3A_145 = arith.muli %select_n3A_30, %mul3A_144 : i32
    %add3A_146 = arith.constant 0 : i32
    %add3A_147 = arith.addi %mul3A_145, %add3A_146 : i32
    %get3A_148 = arith.constant 1 : i32
    %get3A_149 = arith.index_cast %get3A_148 : i32 to index
    %get3A_150 = arith.index_cast %add3A_147 : i32 to index
    %get3A_151 = tpu.vector_load %arg8[%get3A_149, %get3A_150] {strides = array<i32>} : memref<50x128xi32, #tpu.memory_space<vmem>>, vector<16xi32>,
    %mul3A_152 = arith.constant 2 : i32
    %mul3A_153 = vector.broadcast %mul3A_152 : i32 to vector<16xi32>
    %mul3A_154 = arith.muli %get3A_151, %mul3A_153 : vector<16xi32>
    %add3A_155 = arith.addi %mul3A_154, %gather3A_137 : vector<16xi32>
    %gather3A_156 = tpu.vector_load_idx %arg13[%add3A_155] : memref<16xi32, #tpu.memory_space<vmem>>[vector<16xi32>], vector<16xi32>,
    %mul3A_157 = arith.constant 2 : i32
    %mul3A_158 = vector.broadcast %mul3A_157 : i32 to vector<16xi32>
    %mul3A_159 = arith.muli %get3A_151, %mul3A_158 : vector<16xi32>
    %add3A_160 = arith.addi %mul3A_159, %gather3A_156 : vector<16xi32>
    %gather3A_161 = tpu.vector_load_idx %arg12[%add3A_160] : memref<16xf32, #tpu.memory_space<vmem>>[vector<16xi32>], vector<16xf32>,
    %min3A_162 = arith.minimumf %min3A_143, %gather3A_161 : vector<16xf32>
    %mul3A_163 = arith.constant 32 : i32
    %mul3A_164 = arith.muli %select_n3A_30, %mul3A_163 : i32
    %add3A_165 = arith.constant 0 : i32
    %add3A_166 = arith.addi %mul3A_164, %add3A_165 : i32
    %get3A_167 = arith.constant 2 : i32
    %get3A_168 = arith.index_cast %get3A_167 : i32 to index
    %get3A_169 = arith.index_cast %add3A_166 : i32 to index
    %get3A_170 = tpu.vector_load %arg8[%get3A_168, %get3A_169] {strides = array<i32>} : memref<50x128xi32, #tpu.memory_space<vmem>>, vector<16xi32>,
    %mul3A_171 = arith.constant 2 : i32
    %mul3A_172 = vector.broadcast %mul3A_171 : i32 to vector<16xi32>
    %mul3A_173 = arith.muli %get3A_170, %mul3A_172 : vector<16xi32>
    %add3A_174 = arith.addi %mul3A_173, %gather3A_156 : vector<16xi32>
    %gather3A_175 = tpu.vector_load_idx %arg13[%add3A_174] : memref<16xi32, #tpu.memory_space<vmem>>[vector<16xi32>], vector<16xi32>,
    %mul3A_176 = arith.constant 2 : i32
    %mul3A_177 = vector.broadcast %mul3A_176 : i32 to vector<16xi32>
    %mul3A_178 = arith.muli %get3A_170, %mul3A_177 : vector<16xi32>
    %add3A_179 = arith.addi %mul3A_178, %gather3A_175 : vector<16xi32>
    %gather3A_180 = tpu.vector_load_idx %arg12[%add3A_179] : memref<16xf32, #tpu.memory_space<vmem>>[vector<16xi32>], vector<16xf32>,
    %min3A_181 = arith.minimumf %min3A_162, %gather3A_180 : vector<16xf32>
    %mul3A_182 = arith.constant 32 : i32
    %mul3A_183 = arith.muli %select_n3A_30, %mul3A_182 : i32
    %add3A_184 = arith.constant 0 : i32
    %add3A_185 = arith.addi %mul3A_183, %add3A_184 : i32
    %get3A_186 = arith.constant 3 : i32
    %get3A_187 = arith.index_cast %get3A_186 : i32 to index
    %get3A_188 = arith.index_cast %add3A_185 : i32 to index
    %get3A_189 = tpu.vector_load %arg8[%get3A_187, %get3A_188] {strides = array<i32>} : memref<50x128xi32, #tpu.memory_space<vmem>>, vector<16xi32>,
    %mul3A_190 = arith.constant 2 : i32
    %mul3A_191 = vector.broadcast %mul3A_190 : i32 to vector<16xi32>
    %mul3A_192 = arith.muli %get3A_189, %mul3A_191 : vector<16xi32>
    %add3A_193 = arith.addi %mul3A_192, %gather3A_175 : vector<16xi32>
    %gather3A_194 = tpu.vector_load_idx %arg13[%add3A_193] : memref<16xi32, #tpu.memory_space<vmem>>[vector<16xi32>], vector<16xi32>,
    %mul3A_195 = arith.constant 2 : i32
    %mul3A_196 = vector.broadcast %mul3A_195 : i32 to vector<16xi32>
    %mul3A_197 = arith.muli %get3A_189, %mul3A_196 : vector<16xi32>
    %add3A_198 = arith.addi %mul3A_197, %gather3A_194 : vector<16xi32>
    %gather3A_199 = tpu.vector_load_idx %arg12[%add3A_198] : memref<16xf32, #tpu.memory_space<vmem>>[vector<16xi32>], vector<16xf32>,
    %min3A_200 = arith.minimumf %min3A_181, %gather3A_199 : vector<16xf32>
    %mul3A_201 = arith.constant 32 : i32
    %mul3A_202 = arith.muli %select_n3A_30, %mul3A_201 : i32
    %add3A_203 = arith.constant 0 : i32
    %add3A_204 = arith.addi %mul3A_202, %add3A_203 : i32
    %get3A_205 = arith.constant 4 : i32
    %get3A_206 = arith.index_cast %get3A_205 : i32 to index
    %get3A_207 = arith.index_cast %add3A_204 : i32 to index
    %get3A_208 = tpu.vector_load %arg8[%get3A_206, %get3A_207] {strides = array<i32>} : memref<50x128xi32, #tpu.memory_space<vmem>>, vector<16xi32>,
    %mul3A_209 = arith.constant 2 : i32
    %mul3A_210 = vector.broadcast %mul3A_209 : i32 to vector<16xi32>
    %mul3A_211 = arith.muli %get3A_208, %mul3A_210 : vector<16xi32>
    %add3A_212 = arith.addi %mul3A_211, %gather3A_194 : vector<16xi32>
    %gather3A_213 = tpu.vector_load_idx %arg13[%add3A_212] : memref<16xi32, #tpu.memory_space<vmem>>[vector<16xi32>], vector<16xi32>,
    %mul3A_214 = arith.constant 2 : i32
    %mul3A_215 = vector.broadcast %mul3A_214 : i32 to vector<16xi32>
    %mul3A_216 = arith.muli %get3A_208, %mul3A_215 : vector<16xi32>
    %add3A_217 = arith.addi %mul3A_216, %gather3A_213 : vector<16xi32>
    %gather3A_218 = tpu.vector_load_idx %arg12[%add3A_217] : memref<16xf32, #tpu.memory_space<vmem>>[vector<16xi32>], vector<16xf32>,
    %min3A_219 = arith.minimumf %min3A_200, %gather3A_218 : vector<16xf32>
    %mul3A_220 = arith.constant 32 : i32
    %mul3A_221 = arith.muli %select_n3A_30, %mul3A_220 : i32
    %add3A_222 = arith.constant 0 : i32
    %add3A_223 = arith.addi %mul3A_221, %add3A_222 : i32
    %get3A_224 = arith.constant 5 : i32
    %get3A_225 = arith.index_cast %get3A_224 : i32 to index
    %get3A_226 = arith.index_cast %add3A_223 : i32 to index
    %get3A_227 = tpu.vector_load %arg8[%get3A_225, %get3A_226] {strides = array<i32>} : memref<50x128xi32, #tpu.memory_space<vmem>>, vector<16xi32>,
    %mul3A_228 = arith.constant 2 : i32
    %mul3A_229 = vector.broadcast %mul3A_228 : i32 to vector<16xi32>
    %mul3A_230 = arith.muli %get3A_227, %mul3A_229 : vector<16xi32>
    %add3A_231 = arith.addi %mul3A_230, %gather3A_213 : vector<16xi32>
    %gather3A_232 = tpu.vector_load_idx %arg13[%add3A_231] : memref<16xi32, #tpu.memory_space<vmem>>[vector<16xi32>], vector<16xi32>,
    %mul3A_233 = arith.constant 2 : i32
    %mul3A_234 = vector.broadcast %mul3A_233 : i32 to vector<16xi32>
    %mul3A_235 = arith.muli %get3A_227, %mul3A_234 : vector<16xi32>
    %add3A_236 = arith.addi %mul3A_235, %gather3A_232 : vector<16xi32>
    %gather3A_237 = tpu.vector_load_idx %arg12[%add3A_236] : memref<16xf32, #tpu.memory_space<vmem>>[vector<16xi32>], vector<16xf32>,
    %min3A_238 = arith.minimumf %min3A_219, %gather3A_237 : vector<16xf32>
    %mul3A_239 = arith.constant 32 : i32
    %mul3A_240 = arith.muli %select_n3A_30, %mul3A_239 : i32
    %add3A_241 = arith.constant 0 : i32
    %add3A_242 = arith.addi %mul3A_240, %add3A_241 : i32
    %get3A_243 = arith.constant 6 : i32
    %get3A_244 = arith.index_cast %get3A_243 : i32 to index
    %get3A_245 = arith.index_cast %add3A_242 : i32 to index
    %get3A_246 = tpu.vector_load %arg8[%get3A_244, %get3A_245] {strides = array<i32>} : memref<50x128xi32, #tpu.memory_space<vmem>>, vector<16xi32>,
    %mul3A_247 = arith.constant 2 : i32
    %mul3A_248 = vector.broadcast %mul3A_247 : i32 to vector<16xi32>
    %mul3A_249 = arith.muli %get3A_246, %mul3A_248 : vector<16xi32>
    %add3A_250 = arith.addi %mul3A_249, %gather3A_232 : vector<16xi32>
    %gather3A_251 = tpu.vector_load_idx %arg13[%add3A_250] : memref<16xi32, #tpu.memory_space<vmem>>[vector<16xi32>], vector<16xi32>,
    %mul3A_252 = arith.constant 2 : i32
    %mul3A_253 = vector.broadcast %mul3A_252 : i32 to vector<16xi32>
    %mul3A_254 = arith.muli %get3A_246, %mul3A_253 : vector<16xi32>
    %add3A_255 = arith.addi %mul3A_254, %gather3A_251 : vector<16xi32>
    %gather3A_256 = tpu.vector_load_idx %arg12[%add3A_255] : memref<16xf32, #tpu.memory_space<vmem>>[vector<16xi32>], vector<16xf32>,
    %min3A_257 = arith.minimumf %min3A_238, %gather3A_256 : vector<16xf32>
    %mul3A_258 = arith.constant 32 : i32
    %mul3A_259 = arith.muli %select_n3A_30, %mul3A_258 : i32
    %add3A_260 = arith.constant 0 : i32
    %add3A_261 = arith.addi %mul3A_259, %add3A_260 : i32
    %get3A_262 = arith.constant 7 : i32
    %get3A_263 = arith.index_cast %get3A_262 : i32 to index
    %get3A_264 = arith.index_cast %add3A_261 : i32 to index
    %get3A_265 = tpu.vector_load %arg8[%get3A_263, %get3A_264] {strides = array<i32>} : memref<50x128xi32, #tpu.memory_space<vmem>>, vector<16xi32>,
    %mul3A_266 = arith.constant 2 : i32
    %mul3A_267 = vector.broadcast %mul3A_266 : i32 to vector<16xi32>
    %mul3A_268 = arith.muli %get3A_265, %mul3A_267 : vector<16xi32>
    %add3A_269 = arith.addi %mul3A_268, %gather3A_251 : vector<16xi32>
    %gather3A_270 = tpu.vector_load_idx %arg13[%add3A_269] : memref<16xi32, #tpu.memory_space<vmem>>[vector<16xi32>], vector<16xi32>,
    %mul3A_271 = arith.constant 2 : i32
    %mul3A_272 = vector.broadcast %mul3A_271 : i32 to vector<16xi32>
    %mul3A_273 = arith.muli %get3A_265, %mul3A_272 : vector<16xi32>
    %add3A_274 = arith.addi %mul3A_273, %gather3A_270 : vector<16xi32>
    %gather3A_275 = tpu.vector_load_idx %arg12[%add3A_274] : memref<16xf32, #tpu.memory_space<vmem>>[vector<16xi32>], vector<16xf32>,
    %min3A_276 = arith.minimumf %min3A_257, %gather3A_275 : vector<16xf32>
    %mul3A_277 = arith.constant 32 : i32
    %mul3A_278 = arith.muli %select_n3A_30, %mul3A_277 : i32
    %add3A_279 = arith.constant 0 : i32
    %add3A_280 = arith.addi %mul3A_278, %add3A_279 : i32
    %get3A_281 = arith.constant 8 : i32
    %get3A_282 = arith.index_cast %get3A_281 : i32 to index
    %get3A_283 = arith.index_cast %add3A_280 : i32 to index
    %get3A_284 = tpu.vector_load %arg8[%get3A_282, %get3A_283] {strides = array<i32>} : memref<50x128xi32, #tpu.memory_space<vmem>>, vector<16xi32>,
    %mul3A_285 = arith.constant 2 : i32
    %mul3A_286 = vector.broadcast %mul3A_285 : i32 to vector<16xi32>
    %mul3A_287 = arith.muli %get3A_284, %mul3A_286 : vector<16xi32>
    %add3A_288 = arith.addi %mul3A_287, %gather3A_270 : vector<16xi32>
    %gather3A_289 = tpu.vector_load_idx %arg13[%add3A_288] : memref<16xi32, #tpu.memory_space<vmem>>[vector<16xi32>], vector<16xi32>,
    %mul3A_290 = arith.constant 2 : i32
    %mul3A_291 = vector.broadcast %mul3A_290 : i32 to vector<16xi32>
    %mul3A_292 = arith.muli %get3A_284, %mul3A_291 : vector<16xi32>
    %add3A_293 = arith.addi %mul3A_292, %gather3A_289 : vector<16xi32>
    %gather3A_294 = tpu.vector_load_idx %arg12[%add3A_293] : memref<16xf32, #tpu.memory_space<vmem>>[vector<16xi32>], vector<16xf32>,
    %min3A_295 = arith.minimumf %min3A_276, %gather3A_294 : vector<16xf32>
    %mul3A_296 = arith.constant 32 : i32
    %mul3A_297 = arith.muli %select_n3A_30, %mul3A_296 : i32
    %add3A_298 = arith.constant 0 : i32
    %add3A_299 = arith.addi %mul3A_297, %add3A_298 : i32
    %get3A_300 = arith.constant 9 : i32
    %get3A_301 = arith.index_cast %get3A_300 : i32 to index
    %get3A_302 = arith.index_cast %add3A_299 : i32 to index
    %get3A_303 = tpu.vector_load %arg8[%get3A_301, %get3A_302] {strides = array<i32>} : memref<50x128xi32, #tpu.memory_space<vmem>>, vector<16xi32>,
    %mul3A_304 = arith.constant 2 : i32
    %mul3A_305 = vector.broadcast %mul3A_304 : i32 to vector<16xi32>
    %mul3A_306 = arith.muli %get3A_303, %mul3A_305 : vector<16xi32>
    %add3A_307 = arith.addi %mul3A_306, %gather3A_289 : vector<16xi32>
    %gather3A_308 = tpu.vector_load_idx %arg13[%add3A_307] : memref<16xi32, #tpu.memory_space<vmem>>[vector<16xi32>], vector<16xi32>,
    %mul3A_309 = arith.constant 2 : i32
    %mul3A_310 = vector.broadcast %mul3A_309 : i32 to vector<16xi32>
    %mul3A_311 = arith.muli %get3A_303, %mul3A_310 : vector<16xi32>
    %add3A_312 = arith.addi %mul3A_311, %gather3A_308 : vector<16xi32>
    %gather3A_313 = tpu.vector_load_idx %arg12[%add3A_312] : memref<16xf32, #tpu.memory_space<vmem>>[vector<16xi32>], vector<16xf32>,
    %min3A_314 = arith.minimumf %min3A_295, %gather3A_313 : vector<16xf32>
    %mul3A_315 = arith.constant 32 : i32
    %mul3A_316 = arith.muli %select_n3A_30, %mul3A_315 : i32
    %add3A_317 = arith.constant 0 : i32
    %add3A_318 = arith.addi %mul3A_316, %add3A_317 : i32
    %get3A_319 = arith.constant 10 : i32
    %get3A_320 = arith.index_cast %get3A_319 : i32 to index
    %get3A_321 = arith.index_cast %add3A_318 : i32 to index
    %get3A_322 = tpu.vector_load %arg8[%get3A_320, %get3A_321] {strides = array<i32>} : memref<50x128xi32, #tpu.memory_space<vmem>>, vector<16xi32>,
    %mul3A_323 = arith.constant 2 : i32
    %mul3A_324 = vector.broadcast %mul3A_323 : i32 to vector<16xi32>
    %mul3A_325 = arith.muli %get3A_322, %mul3A_324 : vector<16xi32>
    %add3A_326 = arith.addi %mul3A_325, %gather3A_308 : vector<16xi32>
    %gather3A_327 = tpu.vector_load_idx %arg13[%add3A_326] : memref<16xi32, #tpu.memory_space<vmem>>[vector<16xi32>], vector<16xi32>,
    %mul3A_328 = arith.constant 2 : i32
    %mul3A_329 = vector.broadcast %mul3A_328 : i32 to vector<16xi32>
    %mul3A_330 = arith.muli %get3A_322, %mul3A_329 : vector<16xi32>
    %add3A_331 = arith.addi %mul3A_330, %gather3A_327 : vector<16xi32>
    %gather3A_332 = tpu.vector_load_idx %arg12[%add3A_331] : memref<16xf32, #tpu.memory_space<vmem>>[vector<16xi32>], vector<16xf32>,
    %min3A_333 = arith.minimumf %min3A_314, %gather3A_332 : vector<16xf32>
    %mul3A_334 = arith.constant 32 : i32
    %mul3A_335 = arith.muli %select_n3A_30, %mul3A_334 : i32
    %add3A_336 = arith.constant 0 : i32
    %add3A_337 = arith.addi %mul3A_335, %add3A_336 : i32
    %get3A_338 = arith.constant 11 : i32
    %get3A_339 = arith.index_cast %get3A_338 : i32 to index
    %get3A_340 = arith.index_cast %add3A_337 : i32 to index
    %get3A_341 = tpu.vector_load %arg8[%get3A_339, %get3A_340] {strides = array<i32>} : memref<50x128xi32, #tpu.memory_space<vmem>>, vector<16xi32>,
    %mul3A_342 = arith.constant 2 : i32
    %mul3A_343 = vector.broadcast %mul3A_342 : i32 to vector<16xi32>
    %mul3A_344 = arith.muli %get3A_341, %mul3A_343 : vector<16xi32>
    %add3A_345 = arith.addi %mul3A_344, %gather3A_327 : vector<16xi32>
    %gather3A_346 = tpu.vector_load_idx %arg13[%add3A_345] : memref<16xi32, #tpu.memory_space<vmem>>[vector<16xi32>], vector<16xi32>,
    %mul3A_347 = arith.constant 2 : i32
    %mul3A_348 = vector.broadcast %mul3A_347 : i32 to vector<16xi32>
    %mul3A_349 = arith.muli %get3A_341, %mul3A_348 : vector<16xi32>
    %add3A_350 = arith.addi %mul3A_349, %gather3A_346 : vector<16xi32>
    %gather3A_351 = tpu.vector_load_idx %arg12[%add3A_350] : memref<16xf32, #tpu.memory_space<vmem>>[vector<16xi32>], vector<16xf32>,
    %min3A_352 = arith.minimumf %min3A_333, %gather3A_351 : vector<16xf32>
    %mul3A_353 = arith.constant 32 : i32
    %mul3A_354 = arith.muli %select_n3A_30, %mul3A_353 : i32
    %add3A_355 = arith.constant 0 : i32
    %add3A_356 = arith.addi %mul3A_354, %add3A_355 : i32
    %get3A_357 = arith.constant 12 : i32
    %get3A_358 = arith.index_cast %get3A_357 : i32 to index
    %get3A_359 = arith.index_cast %add3A_356 : i32 to index
    %get3A_360 = tpu.vector_load %arg8[%get3A_358, %get3A_359] {strides = array<i32>} : memref<50x128xi32, #tpu.memory_space<vmem>>, vector<16xi32>,
    %mul3A_361 = arith.constant 2 : i32
    %mul3A_362 = vector.broadcast %mul3A_361 : i32 to vector<16xi32>
    %mul3A_363 = arith.muli %get3A_360, %mul3A_362 : vector<16xi32>
    %add3A_364 = arith.addi %mul3A_363, %gather3A_346 : vector<16xi32>
    %gather3A_365 = tpu.vector_load_idx %arg13[%add3A_364] : memref<16xi32, #tpu.memory_space<vmem>>[vector<16xi32>], vector<16xi32>,
    %mul3A_366 = arith.constant 2 : i32
    %mul3A_367 = vector.broadcast %mul3A_366 : i32 to vector<16xi32>
    %mul3A_368 = arith.muli %get3A_360, %mul3A_367 : vector<16xi32>
    %add3A_369 = arith.addi %mul3A_368, %gather3A_365 : vector<16xi32>
    %gather3A_370 = tpu.vector_load_idx %arg12[%add3A_369] : memref<16xf32, #tpu.memory_space<vmem>>[vector<16xi32>], vector<16xf32>,
    %min3A_371 = arith.minimumf %min3A_352, %gather3A_370 : vector<16xf32>
    %mul3A_372 = arith.constant 32 : i32
    %mul3A_373 = arith.muli %select_n3A_30, %mul3A_372 : i32
    %add3A_374 = arith.constant 0 : i32
    %add3A_375 = arith.addi %mul3A_373, %add3A_374 : i32
    %get3A_376 = arith.constant 13 : i32
    %get3A_377 = arith.index_cast %get3A_376 : i32 to index
    %get3A_378 = arith.index_cast %add3A_375 : i32 to index
    %get3A_379 = tpu.vector_load %arg8[%get3A_377, %get3A_378] {strides = array<i32>} : memref<50x128xi32, #tpu.memory_space<vmem>>, vector<16xi32>,
    %mul3A_380 = arith.constant 2 : i32
    %mul3A_381 = vector.broadcast %mul3A_380 : i32 to vector<16xi32>
    %mul3A_382 = arith.muli %get3A_379, %mul3A_381 : vector<16xi32>
    %add3A_383 = arith.addi %mul3A_382, %gather3A_365 : vector<16xi32>
    %gather3A_384 = tpu.vector_load_idx %arg13[%add3A_383] : memref<16xi32, #tpu.memory_space<vmem>>[vector<16xi32>], vector<16xi32>,
    %mul3A_385 = arith.constant 2 : i32
    %mul3A_386 = vector.broadcast %mul3A_385 : i32 to vector<16xi32>
    %mul3A_387 = arith.muli %get3A_379, %mul3A_386 : vector<16xi32>
    %add3A_388 = arith.addi %mul3A_387, %gather3A_384 : vector<16xi32>
    %gather3A_389 = tpu.vector_load_idx %arg12[%add3A_388] : memref<16xf32, #tpu.memory_space<vmem>>[vector<16xi32>], vector<16xf32>,
    %min3A_390 = arith.minimumf %min3A_371, %gather3A_389 : vector<16xf32>
    %mul3A_391 = arith.constant 32 : i32
    %mul3A_392 = arith.muli %select_n3A_30, %mul3A_391 : i32
    %add3A_393 = arith.constant 0 : i32
    %add3A_394 = arith.addi %mul3A_392, %add3A_393 : i32
    %get3A_395 = arith.constant 14 : i32
    %get3A_396 = arith.index_cast %get3A_395 : i32 to index
    %get3A_397 = arith.index_cast %add3A_394 : i32 to index
    %get3A_398 = tpu.vector_load %arg8[%get3A_396, %get3A_397] {strides = array<i32>} : memref<50x128xi32, #tpu.memory_space<vmem>>, vector<16xi32>,
    %mul3A_399 = arith.constant 2 : i32
    %mul3A_400 = vector.broadcast %mul3A_399 : i32 to vector<16xi32>
    %mul3A_401 = arith.muli %get3A_398, %mul3A_400 : vector<16xi32>
    %add3A_402 = arith.addi %mul3A_401, %gather3A_384 : vector<16xi32>
    %gather3A_403 = tpu.vector_load_idx %arg13[%add3A_402] : memref<16xi32, #tpu.memory_space<vmem>>[vector<16xi32>], vector<16xi32>,
    %mul3A_404 = arith.constant 2 : i32
    %mul3A_405 = vector.broadcast %mul3A_404 : i32 to vector<16xi32>
    %mul3A_406 = arith.muli %get3A_398, %mul3A_405 : vector<16xi32>
    %add3A_407 = arith.addi %mul3A_406, %gather3A_403 : vector<16xi32>
    %gather3A_408 = tpu.vector_load_idx %arg12[%add3A_407] : memref<16xf32, #tpu.memory_space<vmem>>[vector<16xi32>], vector<16xf32>,
    %min3A_409 = arith.minimumf %min3A_390, %gather3A_408 : vector<16xf32>
    %mul3A_410 = arith.constant 32 : i32
    %mul3A_411 = arith.muli %select_n3A_30, %mul3A_410 : i32
    %add3A_412 = arith.constant 0 : i32
    %add3A_413 = arith.addi %mul3A_411, %add3A_412 : i32
    %get3A_414 = arith.constant 15 : i32
    %get3A_415 = arith.index_cast %get3A_414 : i32 to index
    %get3A_416 = arith.index_cast %add3A_413 : i32 to index
    %get3A_417 = tpu.vector_load %arg8[%get3A_415, %get3A_416] {strides = array<i32>} : memref<50x128xi32, #tpu.memory_space<vmem>>, vector<16xi32>,
    %mul3A_418 = arith.constant 2 : i32
    %mul3A_419 = vector.broadcast %mul3A_418 : i32 to vector<16xi32>
    %mul3A_420 = arith.muli %get3A_417, %mul3A_419 : vector<16xi32>
    %add3A_421 = arith.addi %mul3A_420, %gather3A_403 : vector<16xi32>
    %gather3A_422 = tpu.vector_load_idx %arg13[%add3A_421] : memref<16xi32, #tpu.memory_space<vmem>>[vector<16xi32>], vector<16xi32>,
    %mul3A_423 = arith.constant 2 : i32
    %mul3A_424 = vector.broadcast %mul3A_423 : i32 to vector<16xi32>
    %mul3A_425 = arith.muli %get3A_417, %mul3A_424 : vector<16xi32>
    %add3A_426 = arith.addi %mul3A_425, %gather3A_422 : vector<16xi32>
    %gather3A_427 = tpu.vector_load_idx %arg12[%add3A_426] : memref<16xf32, #tpu.memory_space<vmem>>[vector<16xi32>], vector<16xf32>,
    %min3A_428 = arith.minimumf %min3A_409, %gather3A_427 : vector<16xf32>
    %mul3A_429 = arith.constant 32 : i32
    %mul3A_430 = arith.muli %select_n3A_30, %mul3A_429 : i32
    %add3A_431 = arith.constant 0 : i32
    %add3A_432 = arith.addi %mul3A_430, %add3A_431 : i32
    %get3A_433 = arith.constant 16 : i32
    %get3A_434 = arith.index_cast %get3A_433 : i32 to index
    %get3A_435 = arith.index_cast %add3A_432 : i32 to index
    %get3A_436 = tpu.vector_load %arg8[%get3A_434, %get3A_435] {strides = array<i32>} : memref<50x128xi32, #tpu.memory_space<vmem>>, vector<16xi32>,
    %mul3A_437 = arith.constant 2 : i32
    %mul3A_438 = vector.broadcast %mul3A_437 : i32 to vector<16xi32>
    %mul3A_439 = arith.muli %get3A_436, %mul3A_438 : vector<16xi32>
    %add3A_440 = arith.addi %mul3A_439, %gather3A_422 : vector<16xi32>
    %gather3A_441 = tpu.vector_load_idx %arg13[%add3A_440] : memref<16xi32, #tpu.memory_space<vmem>>[vector<16xi32>], vector<16xi32>,
    %mul3A_442 = arith.constant 2 : i32
    %mul3A_443 = vector.broadcast %mul3A_442 : i32 to vector<16xi32>
    %mul3A_444 = arith.muli %get3A_436, %mul3A_443 : vector<16xi32>
    %add3A_445 = arith.addi %mul3A_444, %gather3A_441 : vector<16xi32>
    %gather3A_446 = tpu.vector_load_idx %arg12[%add3A_445] : memref<16xf32, #tpu.memory_space<vmem>>[vector<16xi32>], vector<16xf32>,
    %min3A_447 = arith.minimumf %min3A_428, %gather3A_446 : vector<16xf32>
    %mul3A_448 = arith.constant 32 : i32
    %mul3A_449 = arith.muli %select_n3A_30, %mul3A_448 : i32
    %add3A_450 = arith.constant 0 : i32
    %add3A_451 = arith.addi %mul3A_449, %add3A_450 : i32
    %get3A_452 = arith.constant 17 : i32
    %get3A_453 = arith.index_cast %get3A_452 : i32 to index
    %get3A_454 = arith.index_cast %add3A_451 : i32 to index
    %get3A_455 = tpu.vector_load %arg8[%get3A_453, %get3A_454] {strides = array<i32>} : memref<50x128xi32, #tpu.memory_space<vmem>>, vector<16xi32>,
    %mul3A_456 = arith.constant 2 : i32
    %mul3A_457 = vector.broadcast %mul3A_456 : i32 to vector<16xi32>
    %mul3A_458 = arith.muli %get3A_455, %mul3A_457 : vector<16xi32>
    %add3A_459 = arith.addi %mul3A_458, %gather3A_441 : vector<16xi32>
    %gather3A_460 = tpu.vector_load_idx %arg13[%add3A_459] : memref<16xi32, #tpu.memory_space<vmem>>[vector<16xi32>], vector<16xi32>,
    %mul3A_461 = arith.constant 2 : i32
    %mul3A_462 = vector.broadcast %mul3A_461 : i32 to vector<16xi32>
    %mul3A_463 = arith.muli %get3A_455, %mul3A_462 : vector<16xi32>
    %add3A_464 = arith.addi %mul3A_463, %gather3A_460 : vector<16xi32>
    %gather3A_465 = tpu.vector_load_idx %arg12[%add3A_464] : memref<16xf32, #tpu.memory_space<vmem>>[vector<16xi32>], vector<16xf32>,
    %min3A_466 = arith.minimumf %min3A_447, %gather3A_465 : vector<16xf32>
    %mul3A_467 = arith.constant 32 : i32
    %mul3A_468 = arith.muli %select_n3A_30, %mul3A_467 : i32
    %add3A_469 = arith.constant 0 : i32
    %add3A_470 = arith.addi %mul3A_468, %add3A_469 : i32
    %get3A_471 = arith.constant 18 : i32
    %get3A_472 = arith.index_cast %get3A_471 : i32 to index
    %get3A_473 = arith.index_cast %add3A_470 : i32 to index
    %get3A_474 = tpu.vector_load %arg8[%get3A_472, %get3A_473] {strides = array<i32>} : memref<50x128xi32, #tpu.memory_space<vmem>>, vector<16xi32>,
    %mul3A_475 = arith.constant 2 : i32
    %mul3A_476 = vector.broadcast %mul3A_475 : i32 to vector<16xi32>
    %mul3A_477 = arith.muli %get3A_474, %mul3A_476 : vector<16xi32>
    %add3A_478 = arith.addi %mul3A_477, %gather3A_460 : vector<16xi32>
    %gather3A_479 = tpu.vector_load_idx %arg13[%add3A_478] : memref<16xi32, #tpu.memory_space<vmem>>[vector<16xi32>], vector<16xi32>,
    %mul3A_480 = arith.constant 2 : i32
    %mul3A_481 = vector.broadcast %mul3A_480 : i32 to vector<16xi32>
    %mul3A_482 = arith.muli %get3A_474, %mul3A_481 : vector<16xi32>
    %add3A_483 = arith.addi %mul3A_482, %gather3A_479 : vector<16xi32>
    %gather3A_484 = tpu.vector_load_idx %arg12[%add3A_483] : memref<16xf32, #tpu.memory_space<vmem>>[vector<16xi32>], vector<16xf32>,
    %min3A_485 = arith.minimumf %min3A_466, %gather3A_484 : vector<16xf32>
    %mul3A_486 = arith.constant 32 : i32
    %mul3A_487 = arith.muli %select_n3A_30, %mul3A_486 : i32
    %add3A_488 = arith.constant 0 : i32
    %add3A_489 = arith.addi %mul3A_487, %add3A_488 : i32
    %get3A_490 = arith.constant 19 : i32
    %get3A_491 = arith.index_cast %get3A_490 : i32 to index
    %get3A_492 = arith.index_cast %add3A_489 : i32 to index
    %get3A_493 = tpu.vector_load %arg8[%get3A_491, %get3A_492] {strides = array<i32>} : memref<50x128xi32, #tpu.memory_space<vmem>>, vector<16xi32>,
    %mul3A_494 = arith.constant 2 : i32
    %mul3A_495 = vector.broadcast %mul3A_494 : i32 to vector<16xi32>
    %mul3A_496 = arith.muli %get3A_493, %mul3A_495 : vector<16xi32>
    %add3A_497 = arith.addi %mul3A_496, %gather3A_479 : vector<16xi32>
    %gather3A_498 = tpu.vector_load_idx %arg13[%add3A_497] : memref<16xi32, #tpu.memory_space<vmem>>[vector<16xi32>], vector<16xi32>,
    %mul3A_499 = arith.constant 2 : i32
    %mul3A_500 = vector.broadcast %mul3A_499 : i32 to vector<16xi32>
    %mul3A_501 = arith.muli %get3A_493, %mul3A_500 : vector<16xi32>
    %add3A_502 = arith.addi %mul3A_501, %gather3A_498 : vector<16xi32>
    %gather3A_503 = tpu.vector_load_idx %arg12[%add3A_502] : memref<16xf32, #tpu.memory_space<vmem>>[vector<16xi32>], vector<16xf32>,
    %min3A_504 = arith.minimumf %min3A_485, %gather3A_503 : vector<16xf32>
    %mul3A_505 = arith.constant 32 : i32
    %mul3A_506 = arith.muli %select_n3A_30, %mul3A_505 : i32
    %add3A_507 = arith.constant 0 : i32
    %add3A_508 = arith.addi %mul3A_506, %add3A_507 : i32
    %get3A_509 = arith.constant 20 : i32
    %get3A_510 = arith.index_cast %get3A_509 : i32 to index
    %get3A_511 = arith.index_cast %add3A_508 : i32 to index
    %get3A_512 = tpu.vector_load %arg8[%get3A_510, %get3A_511] {strides = array<i32>} : memref<50x128xi32, #tpu.memory_space<vmem>>, vector<16xi32>,
    %mul3A_513 = arith.constant 2 : i32
    %mul3A_514 = vector.broadcast %mul3A_513 : i32 to vector<16xi32>
    %mul3A_515 = arith.muli %get3A_512, %mul3A_514 : vector<16xi32>
    %add3A_516 = arith.addi %mul3A_515, %gather3A_498 : vector<16xi32>
    %gather3A_517 = tpu.vector_load_idx %arg13[%add3A_516] : memref<16xi32, #tpu.memory_space<vmem>>[vector<16xi32>], vector<16xi32>,
    %mul3A_518 = arith.constant 2 : i32
    %mul3A_519 = vector.broadcast %mul3A_518 : i32 to vector<16xi32>
    %mul3A_520 = arith.muli %get3A_512, %mul3A_519 : vector<16xi32>
    %add3A_521 = arith.addi %mul3A_520, %gather3A_517 : vector<16xi32>
    %gather3A_522 = tpu.vector_load_idx %arg12[%add3A_521] : memref<16xf32, #tpu.memory_space<vmem>>[vector<16xi32>], vector<16xf32>,
    %min3A_523 = arith.minimumf %min3A_504, %gather3A_522 : vector<16xf32>
    %mul3A_524 = arith.constant 32 : i32
    %mul3A_525 = arith.muli %select_n3A_30, %mul3A_524 : i32
    %add3A_526 = arith.constant 0 : i32
    %add3A_527 = arith.addi %mul3A_525, %add3A_526 : i32
    %get3A_528 = arith.constant 21 : i32
    %get3A_529 = arith.index_cast %get3A_528 : i32 to index
    %get3A_530 = arith.index_cast %add3A_527 : i32 to index
    %get3A_531 = tpu.vector_load %arg8[%get3A_529, %get3A_530] {strides = array<i32>} : memref<50x128xi32, #tpu.memory_space<vmem>>, vector<16xi32>,
    %mul3A_532 = arith.constant 2 : i32
    %mul3A_533 = vector.broadcast %mul3A_532 : i32 to vector<16xi32>
    %mul3A_534 = arith.muli %get3A_531, %mul3A_533 : vector<16xi32>
    %add3A_535 = arith.addi %mul3A_534, %gather3A_517 : vector<16xi32>
    %gather3A_536 = tpu.vector_load_idx %arg13[%add3A_535] : memref<16xi32, #tpu.memory_space<vmem>>[vector<16xi32>], vector<16xi32>,
    %mul3A_537 = arith.constant 2 : i32
    %mul3A_538 = vector.broadcast %mul3A_537 : i32 to vector<16xi32>
    %mul3A_539 = arith.muli %get3A_531, %mul3A_538 : vector<16xi32>
    %add3A_540 = arith.addi %mul3A_539, %gather3A_536 : vector<16xi32>
    %gather3A_541 = tpu.vector_load_idx %arg12[%add3A_540] : memref<16xf32, #tpu.memory_space<vmem>>[vector<16xi32>], vector<16xf32>,
    %min3A_542 = arith.minimumf %min3A_523, %gather3A_541 : vector<16xf32>
    %mul3A_543 = arith.constant 32 : i32
    %mul3A_544 = arith.muli %select_n3A_30, %mul3A_543 : i32
    %add3A_545 = arith.constant 0 : i32
    %add3A_546 = arith.addi %mul3A_544, %add3A_545 : i32
    %get3A_547 = arith.constant 22 : i32
    %get3A_548 = arith.index_cast %get3A_547 : i32 to index
    %get3A_549 = arith.index_cast %add3A_546 : i32 to index
    %get3A_550 = tpu.vector_load %arg8[%get3A_548, %get3A_549] {strides = array<i32>} : memref<50x128xi32, #tpu.memory_space<vmem>>, vector<16xi32>,
    %mul3A_551 = arith.constant 2 : i32
    %mul3A_552 = vector.broadcast %mul3A_551 : i32 to vector<16xi32>
    %mul3A_553 = arith.muli %get3A_550, %mul3A_552 : vector<16xi32>
    %add3A_554 = arith.addi %mul3A_553, %gather3A_536 : vector<16xi32>
    %gather3A_555 = tpu.vector_load_idx %arg13[%add3A_554] : memref<16xi32, #tpu.memory_space<vmem>>[vector<16xi32>], vector<16xi32>,
    %mul3A_556 = arith.constant 2 : i32
    %mul3A_557 = vector.broadcast %mul3A_556 : i32 to vector<16xi32>
    %mul3A_558 = arith.muli %get3A_550, %mul3A_557 : vector<16xi32>
    %add3A_559 = arith.addi %mul3A_558, %gather3A_555 : vector<16xi32>
    %gather3A_560 = tpu.vector_load_idx %arg12[%add3A_559] : memref<16xf32, #tpu.memory_space<vmem>>[vector<16xi32>], vector<16xf32>,
    %min3A_561 = arith.minimumf %min3A_542, %gather3A_560 : vector<16xf32>
    %mul3A_562 = arith.constant 32 : i32
    %mul3A_563 = arith.muli %select_n3A_30, %mul3A_562 : i32
    %add3A_564 = arith.constant 0 : i32
    %add3A_565 = arith.addi %mul3A_563, %add3A_564 : i32
    %get3A_566 = arith.constant 23 : i32
    %get3A_567 = arith.index_cast %get3A_566 : i32 to index
    %get3A_568 = arith.index_cast %add3A_565 : i32 to index
    %get3A_569 = tpu.vector_load %arg8[%get3A_567, %get3A_568] {strides = array<i32>} : memref<50x128xi32, #tpu.memory_space<vmem>>, vector<16xi32>,
    %mul3A_570 = arith.constant 2 : i32
    %mul3A_571 = vector.broadcast %mul3A_570 : i32 to vector<16xi32>
    %mul3A_572 = arith.muli %get3A_569, %mul3A_571 : vector<16xi32>
    %add3A_573 = arith.addi %mul3A_572, %gather3A_555 : vector<16xi32>
    %gather3A_574 = tpu.vector_load_idx %arg13[%add3A_573] : memref<16xi32, #tpu.memory_space<vmem>>[vector<16xi32>], vector<16xi32>,
    %mul3A_575 = arith.constant 2 : i32
    %mul3A_576 = vector.broadcast %mul3A_575 : i32 to vector<16xi32>
    %mul3A_577 = arith.muli %get3A_569, %mul3A_576 : vector<16xi32>
    %add3A_578 = arith.addi %mul3A_577, %gather3A_574 : vector<16xi32>
    %gather3A_579 = tpu.vector_load_idx %arg12[%add3A_578] : memref<16xf32, #tpu.memory_space<vmem>>[vector<16xi32>], vector<16xf32>,
    %min3A_580 = arith.minimumf %min3A_561, %gather3A_579 : vector<16xf32>
    %mul3A_581 = arith.constant 32 : i32
    %mul3A_582 = arith.muli %select_n3A_30, %mul3A_581 : i32
    %add3A_583 = arith.constant 0 : i32
    %add3A_584 = arith.addi %mul3A_582, %add3A_583 : i32
    %get3A_585 = arith.constant 24 : i32
    %get3A_586 = arith.index_cast %get3A_585 : i32 to index
    %get3A_587 = arith.index_cast %add3A_584 : i32 to index
    %get3A_588 = tpu.vector_load %arg8[%get3A_586, %get3A_587] {strides = array<i32>} : memref<50x128xi32, #tpu.memory_space<vmem>>, vector<16xi32>,
    %mul3A_589 = arith.constant 2 : i32
    %mul3A_590 = vector.broadcast %mul3A_589 : i32 to vector<16xi32>
    %mul3A_591 = arith.muli %get3A_588, %mul3A_590 : vector<16xi32>
    %add3A_592 = arith.addi %mul3A_591, %gather3A_574 : vector<16xi32>
    %gather3A_593 = tpu.vector_load_idx %arg13[%add3A_592] : memref<16xi32, #tpu.memory_space<vmem>>[vector<16xi32>], vector<16xi32>,
    %mul3A_594 = arith.constant 2 : i32
    %mul3A_595 = vector.broadcast %mul3A_594 : i32 to vector<16xi32>
    %mul3A_596 = arith.muli %get3A_588, %mul3A_595 : vector<16xi32>
    %add3A_597 = arith.addi %mul3A_596, %gather3A_593 : vector<16xi32>
    %gather3A_598 = tpu.vector_load_idx %arg12[%add3A_597] : memref<16xf32, #tpu.memory_space<vmem>>[vector<16xi32>], vector<16xf32>,
    %min3A_599 = arith.minimumf %min3A_580, %gather3A_598 : vector<16xf32>
    %mul3A_600 = arith.constant 32 : i32
    %mul3A_601 = arith.muli %select_n3A_30, %mul3A_600 : i32
    %add3A_602 = arith.constant 0 : i32
    %add3A_603 = arith.addi %mul3A_601, %add3A_602 : i32
    %get3A_604 = arith.constant 25 : i32
    %get3A_605 = arith.index_cast %get3A_604 : i32 to index
    %get3A_606 = arith.index_cast %add3A_603 : i32 to index
    %get3A_607 = tpu.vector_load %arg8[%get3A_605, %get3A_606] {strides = array<i32>} : memref<50x128xi32, #tpu.memory_space<vmem>>, vector<16xi32>,
    %mul3A_608 = arith.constant 2 : i32
    %mul3A_609 = vector.broadcast %mul3A_608 : i32 to vector<16xi32>
    %mul3A_610 = arith.muli %get3A_607, %mul3A_609 : vector<16xi32>
    %add3A_611 = arith.addi %mul3A_610, %gather3A_593 : vector<16xi32>
    %gather3A_612 = tpu.vector_load_idx %arg13[%add3A_611] : memref<16xi32, #tpu.memory_space<vmem>>[vector<16xi32>], vector<16xi32>,
    %mul3A_613 = arith.constant 2 : i32
    %mul3A_614 = vector.broadcast %mul3A_613 : i32 to vector<16xi32>
    %mul3A_615 = arith.muli %get3A_607, %mul3A_614 : vector<16xi32>
    %add3A_616 = arith.addi %mul3A_615, %gather3A_612 : vector<16xi32>
    %gather3A_617 = tpu.vector_load_idx %arg12[%add3A_616] : memref<16xf32, #tpu.memory_space<vmem>>[vector<16xi32>], vector<16xf32>,
    %min3A_618 = arith.minimumf %min3A_599, %gather3A_617 : vector<16xf32>
    %mul3A_619 = arith.constant 32 : i32
    %mul3A_620 = arith.muli %select_n3A_30, %mul3A_619 : i32
    %add3A_621 = arith.constant 0 : i32
    %add3A_622 = arith.addi %mul3A_620, %add3A_621 : i32
    %get3A_623 = arith.constant 26 : i32
    %get3A_624 = arith.index_cast %get3A_623 : i32 to index
    %get3A_625 = arith.index_cast %add3A_622 : i32 to index
    %get3A_626 = tpu.vector_load %arg8[%get3A_624, %get3A_625] {strides = array<i32>} : memref<50x128xi32, #tpu.memory_space<vmem>>, vector<16xi32>,
    %mul3A_627 = arith.constant 2 : i32
    %mul3A_628 = vector.broadcast %mul3A_627 : i32 to vector<16xi32>
    %mul3A_629 = arith.muli %get3A_626, %mul3A_628 : vector<16xi32>
    %add3A_630 = arith.addi %mul3A_629, %gather3A_612 : vector<16xi32>
    %gather3A_631 = tpu.vector_load_idx %arg13[%add3A_630] : memref<16xi32, #tpu.memory_space<vmem>>[vector<16xi32>], vector<16xi32>,
    %mul3A_632 = arith.constant 2 : i32
    %mul3A_633 = vector.broadcast %mul3A_632 : i32 to vector<16xi32>
    %mul3A_634 = arith.muli %get3A_626, %mul3A_633 : vector<16xi32>
    %add3A_635 = arith.addi %mul3A_634, %gather3A_631 : vector<16xi32>
    %gather3A_636 = tpu.vector_load_idx %arg12[%add3A_635] : memref<16xf32, #tpu.memory_space<vmem>>[vector<16xi32>], vector<16xf32>,
    %min3A_637 = arith.minimumf %min3A_618, %gather3A_636 : vector<16xf32>
    %mul3A_638 = arith.constant 32 : i32
    %mul3A_639 = arith.muli %select_n3A_30, %mul3A_638 : i32
    %add3A_640 = arith.constant 0 : i32
    %add3A_641 = arith.addi %mul3A_639, %add3A_640 : i32
    %get3A_642 = arith.constant 27 : i32
    %get3A_643 = arith.index_cast %get3A_642 : i32 to index
    %get3A_644 = arith.index_cast %add3A_641 : i32 to index
    %get3A_645 = tpu.vector_load %arg8[%get3A_643, %get3A_644] {strides = array<i32>} : memref<50x128xi32, #tpu.memory_space<vmem>>, vector<16xi32>,
    %mul3A_646 = arith.constant 2 : i32
    %mul3A_647 = vector.broadcast %mul3A_646 : i32 to vector<16xi32>
    %mul3A_648 = arith.muli %get3A_645, %mul3A_647 : vector<16xi32>
    %add3A_649 = arith.addi %mul3A_648, %gather3A_631 : vector<16xi32>
    %gather3A_650 = tpu.vector_load_idx %arg13[%add3A_649] : memref<16xi32, #tpu.memory_space<vmem>>[vector<16xi32>], vector<16xi32>,
    %mul3A_651 = arith.constant 2 : i32
    %mul3A_652 = vector.broadcast %mul3A_651 : i32 to vector<16xi32>
    %mul3A_653 = arith.muli %get3A_645, %mul3A_652 : vector<16xi32>
    %add3A_654 = arith.addi %mul3A_653, %gather3A_650 : vector<16xi32>
    %gather3A_655 = tpu.vector_load_idx %arg12[%add3A_654] : memref<16xf32, #tpu.memory_space<vmem>>[vector<16xi32>], vector<16xf32>,
    %min3A_656 = arith.minimumf %min3A_637, %gather3A_655 : vector<16xf32>
    %mul3A_657 = arith.constant 32 : i32
    %mul3A_658 = arith.muli %select_n3A_30, %mul3A_657 : i32
    %add3A_659 = arith.constant 0 : i32
    %add3A_660 = arith.addi %mul3A_658, %add3A_659 : i32
    %get3A_661 = arith.constant 28 : i32
    %get3A_662 = arith.index_cast %get3A_661 : i32 to index
    %get3A_663 = arith.index_cast %add3A_660 : i32 to index
    %get3A_664 = tpu.vector_load %arg8[%get3A_662, %get3A_663] {strides = array<i32>} : memref<50x128xi32, #tpu.memory_space<vmem>>, vector<16xi32>,
    %mul3A_665 = arith.constant 2 : i32
    %mul3A_666 = vector.broadcast %mul3A_665 : i32 to vector<16xi32>
    %mul3A_667 = arith.muli %get3A_664, %mul3A_666 : vector<16xi32>
    %add3A_668 = arith.addi %mul3A_667, %gather3A_650 : vector<16xi32>
    %gather3A_669 = tpu.vector_load_idx %arg13[%add3A_668] : memref<16xi32, #tpu.memory_space<vmem>>[vector<16xi32>], vector<16xi32>,
    %mul3A_670 = arith.constant 2 : i32
    %mul3A_671 = vector.broadcast %mul3A_670 : i32 to vector<16xi32>
    %mul3A_672 = arith.muli %get3A_664, %mul3A_671 : vector<16xi32>
    %add3A_673 = arith.addi %mul3A_672, %gather3A_669 : vector<16xi32>
    %gather3A_674 = tpu.vector_load_idx %arg12[%add3A_673] : memref<16xf32, #tpu.memory_space<vmem>>[vector<16xi32>], vector<16xf32>,
    %min3A_675 = arith.minimumf %min3A_656, %gather3A_674 : vector<16xf32>
    %mul3A_676 = arith.constant 32 : i32
    %mul3A_677 = arith.muli %select_n3A_30, %mul3A_676 : i32
    %add3A_678 = arith.constant 0 : i32
    %add3A_679 = arith.addi %mul3A_677, %add3A_678 : i32
    %get3A_680 = arith.constant 29 : i32
    %get3A_681 = arith.index_cast %get3A_680 : i32 to index
    %get3A_682 = arith.index_cast %add3A_679 : i32 to index
    %get3A_683 = tpu.vector_load %arg8[%get3A_681, %get3A_682] {strides = array<i32>} : memref<50x128xi32, #tpu.memory_space<vmem>>, vector<16xi32>,
    %mul3A_684 = arith.constant 2 : i32
    %mul3A_685 = vector.broadcast %mul3A_684 : i32 to vector<16xi32>
    %mul3A_686 = arith.muli %get3A_683, %mul3A_685 : vector<16xi32>
    %add3A_687 = arith.addi %mul3A_686, %gather3A_669 : vector<16xi32>
    %gather3A_688 = tpu.vector_load_idx %arg13[%add3A_687] : memref<16xi32, #tpu.memory_space<vmem>>[vector<16xi32>], vector<16xi32>,
    %mul3A_689 = arith.constant 2 : i32
    %mul3A_690 = vector.broadcast %mul3A_689 : i32 to vector<16xi32>
    %mul3A_691 = arith.muli %get3A_683, %mul3A_690 : vector<16xi32>
    %add3A_692 = arith.addi %mul3A_691, %gather3A_688 : vector<16xi32>
    %gather3A_693 = tpu.vector_load_idx %arg12[%add3A_692] : memref<16xf32, #tpu.memory_space<vmem>>[vector<16xi32>], vector<16xf32>,
    %min3A_694 = arith.minimumf %min3A_675, %gather3A_693 : vector<16xf32>
    %mul3A_695 = arith.constant 32 : i32
    %mul3A_696 = arith.muli %select_n3A_30, %mul3A_695 : i32
    %add3A_697 = arith.constant 0 : i32
    %add3A_698 = arith.addi %mul3A_696, %add3A_697 : i32
    %get3A_699 = arith.constant 30 : i32
    %get3A_700 = arith.index_cast %get3A_699 : i32 to index
    %get3A_701 = arith.index_cast %add3A_698 : i32 to index
    %get3A_702 = tpu.vector_load %arg8[%get3A_700, %get3A_701] {strides = array<i32>} : memref<50x128xi32, #tpu.memory_space<vmem>>, vector<16xi32>,
    %mul3A_703 = arith.constant 2 : i32
    %mul3A_704 = vector.broadcast %mul3A_703 : i32 to vector<16xi32>
    %mul3A_705 = arith.muli %get3A_702, %mul3A_704 : vector<16xi32>
    %add3A_706 = arith.addi %mul3A_705, %gather3A_688 : vector<16xi32>
    %gather3A_707 = tpu.vector_load_idx %arg13[%add3A_706] : memref<16xi32, #tpu.memory_space<vmem>>[vector<16xi32>], vector<16xi32>,
    %mul3A_708 = arith.constant 2 : i32
    %mul3A_709 = vector.broadcast %mul3A_708 : i32 to vector<16xi32>
    %mul3A_710 = arith.muli %get3A_702, %mul3A_709 : vector<16xi32>
    %add3A_711 = arith.addi %mul3A_710, %gather3A_707 : vector<16xi32>
    %gather3A_712 = tpu.vector_load_idx %arg12[%add3A_711] : memref<16xf32, #tpu.memory_space<vmem>>[vector<16xi32>], vector<16xf32>,
    %min3A_713 = arith.minimumf %min3A_694, %gather3A_712 : vector<16xf32>
    %mul3A_714 = arith.constant 32 : i32
    %mul3A_715 = arith.muli %select_n3A_30, %mul3A_714 : i32
    %add3A_716 = arith.constant 0 : i32
    %add3A_717 = arith.addi %mul3A_715, %add3A_716 : i32
    %get3A_718 = arith.constant 31 : i32
    %get3A_719 = arith.index_cast %get3A_718 : i32 to index
    %get3A_720 = arith.index_cast %add3A_717 : i32 to index
    %get3A_721 = tpu.vector_load %arg8[%get3A_719, %get3A_720] {strides = array<i32>} : memref<50x128xi32, #tpu.memory_space<vmem>>, vector<16xi32>,
    %mul3A_722 = arith.constant 2 : i32
    %mul3A_723 = vector.broadcast %mul3A_722 : i32 to vector<16xi32>
    %mul3A_724 = arith.muli %get3A_721, %mul3A_723 : vector<16xi32>
    %add3A_725 = arith.addi %mul3A_724, %gather3A_707 : vector<16xi32>
    %gather3A_726 = tpu.vector_load_idx %arg13[%add3A_725] : memref<16xi32, #tpu.memory_space<vmem>>[vector<16xi32>], vector<16xi32>,
    %mul3A_727 = arith.constant 2 : i32
    %mul3A_728 = vector.broadcast %mul3A_727 : i32 to vector<16xi32>
    %mul3A_729 = arith.muli %get3A_721, %mul3A_728 : vector<16xi32>
    %add3A_730 = arith.addi %mul3A_729, %gather3A_726 : vector<16xi32>
    %gather3A_731 = tpu.vector_load_idx %arg12[%add3A_730] : memref<16xf32, #tpu.memory_space<vmem>>[vector<16xi32>], vector<16xf32>,
    %min3A_732 = arith.minimumf %min3A_713, %gather3A_731 : vector<16xf32>
    %mul3A_733 = arith.constant 32 : i32
    %mul3A_734 = arith.muli %select_n3A_30, %mul3A_733 : i32
    %add3A_735 = arith.constant 0 : i32
    %add3A_736 = arith.addi %mul3A_734, %add3A_735 : i32
    %get3A_737 = arith.constant 32 : i32
    %get3A_738 = arith.index_cast %get3A_737 : i32 to index
    %get3A_739 = arith.index_cast %add3A_736 : i32 to index
    %get3A_740 = tpu.vector_load %arg8[%get3A_738, %get3A_739] {strides = array<i32>} : memref<50x128xi32, #tpu.memory_space<vmem>>, vector<16xi32>,
    %mul3A_741 = arith.constant 2 : i32
    %mul3A_742 = vector.broadcast %mul3A_741 : i32 to vector<16xi32>
    %mul3A_743 = arith.muli %get3A_740, %mul3A_742 : vector<16xi32>
    %add3A_744 = arith.addi %mul3A_743, %gather3A_726 : vector<16xi32>
    %gather3A_745 = tpu.vector_load_idx %arg13[%add3A_744] : memref<16xi32, #tpu.memory_space<vmem>>[vector<16xi32>], vector<16xi32>,
    %mul3A_746 = arith.constant 2 : i32
    %mul3A_747 = vector.broadcast %mul3A_746 : i32 to vector<16xi32>
    %mul3A_748 = arith.muli %get3A_740, %mul3A_747 : vector<16xi32>
    %add3A_749 = arith.addi %mul3A_748, %gather3A_745 : vector<16xi32>
    %gather3A_750 = tpu.vector_load_idx %arg12[%add3A_749] : memref<16xf32, #tpu.memory_space<vmem>>[vector<16xi32>], vector<16xf32>,
    %min3A_751 = arith.minimumf %min3A_732, %gather3A_750 : vector<16xf32>
    %mul3A_752 = arith.constant 32 : i32
    %mul3A_753 = arith.muli %select_n3A_30, %mul3A_752 : i32
    %add3A_754 = arith.constant 0 : i32
    %add3A_755 = arith.addi %mul3A_753, %add3A_754 : i32
    %get3A_756 = arith.constant 33 : i32
    %get3A_757 = arith.index_cast %get3A_756 : i32 to index
    %get3A_758 = arith.index_cast %add3A_755 : i32 to index
    %get3A_759 = tpu.vector_load %arg8[%get3A_757, %get3A_758] {strides = array<i32>} : memref<50x128xi32, #tpu.memory_space<vmem>>, vector<16xi32>,
    %mul3A_760 = arith.constant 2 : i32
    %mul3A_761 = vector.broadcast %mul3A_760 : i32 to vector<16xi32>
    %mul3A_762 = arith.muli %get3A_759, %mul3A_761 : vector<16xi32>
    %add3A_763 = arith.addi %mul3A_762, %gather3A_745 : vector<16xi32>
    %gather3A_764 = tpu.vector_load_idx %arg13[%add3A_763] : memref<16xi32, #tpu.memory_space<vmem>>[vector<16xi32>], vector<16xi32>,
    %mul3A_765 = arith.constant 2 : i32
    %mul3A_766 = vector.broadcast %mul3A_765 : i32 to vector<16xi32>
    %mul3A_767 = arith.muli %get3A_759, %mul3A_766 : vector<16xi32>
    %add3A_768 = arith.addi %mul3A_767, %gather3A_764 : vector<16xi32>
    %gather3A_769 = tpu.vector_load_idx %arg12[%add3A_768] : memref<16xf32, #tpu.memory_space<vmem>>[vector<16xi32>], vector<16xf32>,
    %min3A_770 = arith.minimumf %min3A_751, %gather3A_769 : vector<16xf32>
    %mul3A_771 = arith.constant 32 : i32
    %mul3A_772 = arith.muli %select_n3A_30, %mul3A_771 : i32
    %add3A_773 = arith.constant 0 : i32
    %add3A_774 = arith.addi %mul3A_772, %add3A_773 : i32
    %get3A_775 = arith.constant 34 : i32
    %get3A_776 = arith.index_cast %get3A_775 : i32 to index
    %get3A_777 = arith.index_cast %add3A_774 : i32 to index
    %get3A_778 = tpu.vector_load %arg8[%get3A_776, %get3A_777] {strides = array<i32>} : memref<50x128xi32, #tpu.memory_space<vmem>>, vector<16xi32>,
    %mul3A_779 = arith.constant 2 : i32
    %mul3A_780 = vector.broadcast %mul3A_779 : i32 to vector<16xi32>
    %mul3A_781 = arith.muli %get3A_778, %mul3A_780 : vector<16xi32>
    %add3A_782 = arith.addi %mul3A_781, %gather3A_764 : vector<16xi32>
    %gather3A_783 = tpu.vector_load_idx %arg13[%add3A_782] : memref<16xi32, #tpu.memory_space<vmem>>[vector<16xi32>], vector<16xi32>,
    %mul3A_784 = arith.constant 2 : i32
    %mul3A_785 = vector.broadcast %mul3A_784 : i32 to vector<16xi32>
    %mul3A_786 = arith.muli %get3A_778, %mul3A_785 : vector<16xi32>
    %add3A_787 = arith.addi %mul3A_786, %gather3A_783 : vector<16xi32>
    %gather3A_788 = tpu.vector_load_idx %arg12[%add3A_787] : memref<16xf32, #tpu.memory_space<vmem>>[vector<16xi32>], vector<16xf32>,
    %min3A_789 = arith.minimumf %min3A_770, %gather3A_788 : vector<16xf32>
    %mul3A_790 = arith.constant 32 : i32
    %mul3A_791 = arith.muli %select_n3A_30, %mul3A_790 : i32
    %add3A_792 = arith.constant 0 : i32
    %add3A_793 = arith.addi %mul3A_791, %add3A_792 : i32
    %get3A_794 = arith.constant 35 : i32
    %get3A_795 = arith.index_cast %get3A_794 : i32 to index
    %get3A_796 = arith.index_cast %add3A_793 : i32 to index
    %get3A_797 = tpu.vector_load %arg8[%get3A_795, %get3A_796] {strides = array<i32>} : memref<50x128xi32, #tpu.memory_space<vmem>>, vector<16xi32>,
    %mul3A_798 = arith.constant 2 : i32
    %mul3A_799 = vector.broadcast %mul3A_798 : i32 to vector<16xi32>
    %mul3A_800 = arith.muli %get3A_797, %mul3A_799 : vector<16xi32>
    %add3A_801 = arith.addi %mul3A_800, %gather3A_783 : vector<16xi32>
    %gather3A_802 = tpu.vector_load_idx %arg13[%add3A_801] : memref<16xi32, #tpu.memory_space<vmem>>[vector<16xi32>], vector<16xi32>,
    %mul3A_803 = arith.constant 2 : i32
    %mul3A_804 = vector.broadcast %mul3A_803 : i32 to vector<16xi32>
    %mul3A_805 = arith.muli %get3A_797, %mul3A_804 : vector<16xi32>
    %add3A_806 = arith.addi %mul3A_805, %gather3A_802 : vector<16xi32>
    %gather3A_807 = tpu.vector_load_idx %arg12[%add3A_806] : memref<16xf32, #tpu.memory_space<vmem>>[vector<16xi32>], vector<16xf32>,
    %min3A_808 = arith.minimumf %min3A_789, %gather3A_807 : vector<16xf32>
    %mul3A_809 = arith.constant 32 : i32
    %mul3A_810 = arith.muli %select_n3A_30, %mul3A_809 : i32
    %add3A_811 = arith.constant 0 : i32
    %add3A_812 = arith.addi %mul3A_810, %add3A_811 : i32
    %get3A_813 = arith.constant 36 : i32
    %get3A_814 = arith.index_cast %get3A_813 : i32 to index
    %get3A_815 = arith.index_cast %add3A_812 : i32 to index
    %get3A_816 = tpu.vector_load %arg8[%get3A_814, %get3A_815] {strides = array<i32>} : memref<50x128xi32, #tpu.memory_space<vmem>>, vector<16xi32>,
    %mul3A_817 = arith.constant 2 : i32
    %mul3A_818 = vector.broadcast %mul3A_817 : i32 to vector<16xi32>
    %mul3A_819 = arith.muli %get3A_816, %mul3A_818 : vector<16xi32>
    %add3A_820 = arith.addi %mul3A_819, %gather3A_802 : vector<16xi32>
    %gather3A_821 = tpu.vector_load_idx %arg13[%add3A_820] : memref<16xi32, #tpu.memory_space<vmem>>[vector<16xi32>], vector<16xi32>,
    %mul3A_822 = arith.constant 2 : i32
    %mul3A_823 = vector.broadcast %mul3A_822 : i32 to vector<16xi32>
    %mul3A_824 = arith.muli %get3A_816, %mul3A_823 : vector<16xi32>
    %add3A_825 = arith.addi %mul3A_824, %gather3A_821 : vector<16xi32>
    %gather3A_826 = tpu.vector_load_idx %arg12[%add3A_825] : memref<16xf32, #tpu.memory_space<vmem>>[vector<16xi32>], vector<16xf32>,
    %min3A_827 = arith.minimumf %min3A_808, %gather3A_826 : vector<16xf32>
    %mul3A_828 = arith.constant 32 : i32
    %mul3A_829 = arith.muli %select_n3A_30, %mul3A_828 : i32
    %add3A_830 = arith.constant 0 : i32
    %add3A_831 = arith.addi %mul3A_829, %add3A_830 : i32
    %get3A_832 = arith.constant 37 : i32
    %get3A_833 = arith.index_cast %get3A_832 : i32 to index
    %get3A_834 = arith.index_cast %add3A_831 : i32 to index
    %get3A_835 = tpu.vector_load %arg8[%get3A_833, %get3A_834] {strides = array<i32>} : memref<50x128xi32, #tpu.memory_space<vmem>>, vector<16xi32>,
    %mul3A_836 = arith.constant 2 : i32
    %mul3A_837 = vector.broadcast %mul3A_836 : i32 to vector<16xi32>
    %mul3A_838 = arith.muli %get3A_835, %mul3A_837 : vector<16xi32>
    %add3A_839 = arith.addi %mul3A_838, %gather3A_821 : vector<16xi32>
    %gather3A_840 = tpu.vector_load_idx %arg13[%add3A_839] : memref<16xi32, #tpu.memory_space<vmem>>[vector<16xi32>], vector<16xi32>,
    %mul3A_841 = arith.constant 2 : i32
    %mul3A_842 = vector.broadcast %mul3A_841 : i32 to vector<16xi32>
    %mul3A_843 = arith.muli %get3A_835, %mul3A_842 : vector<16xi32>
    %add3A_844 = arith.addi %mul3A_843, %gather3A_840 : vector<16xi32>
    %gather3A_845 = tpu.vector_load_idx %arg12[%add3A_844] : memref<16xf32, #tpu.memory_space<vmem>>[vector<16xi32>], vector<16xf32>,
    %min3A_846 = arith.minimumf %min3A_827, %gather3A_845 : vector<16xf32>
    %mul3A_847 = arith.constant 32 : i32
    %mul3A_848 = arith.muli %select_n3A_30, %mul3A_847 : i32
    %add3A_849 = arith.constant 0 : i32
    %add3A_850 = arith.addi %mul3A_848, %add3A_849 : i32
    %get3A_851 = arith.constant 38 : i32
    %get3A_852 = arith.index_cast %get3A_851 : i32 to index
    %get3A_853 = arith.index_cast %add3A_850 : i32 to index
    %get3A_854 = tpu.vector_load %arg8[%get3A_852, %get3A_853] {strides = array<i32>} : memref<50x128xi32, #tpu.memory_space<vmem>>, vector<16xi32>,
    %mul3A_855 = arith.constant 2 : i32
    %mul3A_856 = vector.broadcast %mul3A_855 : i32 to vector<16xi32>
    %mul3A_857 = arith.muli %get3A_854, %mul3A_856 : vector<16xi32>
    %add3A_858 = arith.addi %mul3A_857, %gather3A_840 : vector<16xi32>
    %gather3A_859 = tpu.vector_load_idx %arg13[%add3A_858] : memref<16xi32, #tpu.memory_space<vmem>>[vector<16xi32>], vector<16xi32>,
    %mul3A_860 = arith.constant 2 : i32
    %mul3A_861 = vector.broadcast %mul3A_860 : i32 to vector<16xi32>
    %mul3A_862 = arith.muli %get3A_854, %mul3A_861 : vector<16xi32>
    %add3A_863 = arith.addi %mul3A_862, %gather3A_859 : vector<16xi32>
    %gather3A_864 = tpu.vector_load_idx %arg12[%add3A_863] : memref<16xf32, #tpu.memory_space<vmem>>[vector<16xi32>], vector<16xf32>,
    %min3A_865 = arith.minimumf %min3A_846, %gather3A_864 : vector<16xf32>
    %mul3A_866 = arith.constant 32 : i32
    %mul3A_867 = arith.muli %select_n3A_30, %mul3A_866 : i32
    %add3A_868 = arith.constant 0 : i32
    %add3A_869 = arith.addi %mul3A_867, %add3A_868 : i32
    %get3A_870 = arith.constant 39 : i32
    %get3A_871 = arith.index_cast %get3A_870 : i32 to index
    %get3A_872 = arith.index_cast %add3A_869 : i32 to index
    %get3A_873 = tpu.vector_load %arg8[%get3A_871, %get3A_872] {strides = array<i32>} : memref<50x128xi32, #tpu.memory_space<vmem>>, vector<16xi32>,
    %mul3A_874 = arith.constant 2 : i32
    %mul3A_875 = vector.broadcast %mul3A_874 : i32 to vector<16xi32>
    %mul3A_876 = arith.muli %get3A_873, %mul3A_875 : vector<16xi32>
    %add3A_877 = arith.addi %mul3A_876, %gather3A_859 : vector<16xi32>
    %gather3A_878 = tpu.vector_load_idx %arg13[%add3A_877] : memref<16xi32, #tpu.memory_space<vmem>>[vector<16xi32>], vector<16xi32>,
    %mul3A_879 = arith.constant 2 : i32
    %mul3A_880 = vector.broadcast %mul3A_879 : i32 to vector<16xi32>
    %mul3A_881 = arith.muli %get3A_873, %mul3A_880 : vector<16xi32>
    %add3A_882 = arith.addi %mul3A_881, %gather3A_878 : vector<16xi32>
    %gather3A_883 = tpu.vector_load_idx %arg12[%add3A_882] : memref<16xf32, #tpu.memory_space<vmem>>[vector<16xi32>], vector<16xf32>,
    %min3A_884 = arith.minimumf %min3A_865, %gather3A_883 : vector<16xf32>
    %mul3A_885 = arith.constant 32 : i32
    %mul3A_886 = arith.muli %select_n3A_30, %mul3A_885 : i32
    %add3A_887 = arith.constant 0 : i32
    %add3A_888 = arith.addi %mul3A_886, %add3A_887 : i32
    %get3A_889 = arith.constant 40 : i32
    %get3A_890 = arith.index_cast %get3A_889 : i32 to index
    %get3A_891 = arith.index_cast %add3A_888 : i32 to index
    %get3A_892 = tpu.vector_load %arg8[%get3A_890, %get3A_891] {strides = array<i32>} : memref<50x128xi32, #tpu.memory_space<vmem>>, vector<16xi32>,
    %mul3A_893 = arith.constant 2 : i32
    %mul3A_894 = vector.broadcast %mul3A_893 : i32 to vector<16xi32>
    %mul3A_895 = arith.muli %get3A_892, %mul3A_894 : vector<16xi32>
    %add3A_896 = arith.addi %mul3A_895, %gather3A_878 : vector<16xi32>
    %gather3A_897 = tpu.vector_load_idx %arg13[%add3A_896] : memref<16xi32, #tpu.memory_space<vmem>>[vector<16xi32>], vector<16xi32>,
    %mul3A_898 = arith.constant 2 : i32
    %mul3A_899 = vector.broadcast %mul3A_898 : i32 to vector<16xi32>
    %mul3A_900 = arith.muli %get3A_892, %mul3A_899 : vector<16xi32>
    %add3A_901 = arith.addi %mul3A_900, %gather3A_897 : vector<16xi32>
    %gather3A_902 = tpu.vector_load_idx %arg12[%add3A_901] : memref<16xf32, #tpu.memory_space<vmem>>[vector<16xi32>], vector<16xf32>,
    %min3A_903 = arith.minimumf %min3A_884, %gather3A_902 : vector<16xf32>
    %mul3A_904 = arith.constant 32 : i32
    %mul3A_905 = arith.muli %select_n3A_30, %mul3A_904 : i32
    %add3A_906 = arith.constant 0 : i32
    %add3A_907 = arith.addi %mul3A_905, %add3A_906 : i32
    %get3A_908 = arith.constant 41 : i32
    %get3A_909 = arith.index_cast %get3A_908 : i32 to index
    %get3A_910 = arith.index_cast %add3A_907 : i32 to index
    %get3A_911 = tpu.vector_load %arg8[%get3A_909, %get3A_910] {strides = array<i32>} : memref<50x128xi32, #tpu.memory_space<vmem>>, vector<16xi32>,
    %mul3A_912 = arith.constant 2 : i32
    %mul3A_913 = vector.broadcast %mul3A_912 : i32 to vector<16xi32>
    %mul3A_914 = arith.muli %get3A_911, %mul3A_913 : vector<16xi32>
    %add3A_915 = arith.addi %mul3A_914, %gather3A_897 : vector<16xi32>
    %gather3A_916 = tpu.vector_load_idx %arg13[%add3A_915] : memref<16xi32, #tpu.memory_space<vmem>>[vector<16xi32>], vector<16xi32>,
    %mul3A_917 = arith.constant 2 : i32
    %mul3A_918 = vector.broadcast %mul3A_917 : i32 to vector<16xi32>
    %mul3A_919 = arith.muli %get3A_911, %mul3A_918 : vector<16xi32>
    %add3A_920 = arith.addi %mul3A_919, %gather3A_916 : vector<16xi32>
    %gather3A_921 = tpu.vector_load_idx %arg12[%add3A_920] : memref<16xf32, #tpu.memory_space<vmem>>[vector<16xi32>], vector<16xf32>,
    %min3A_922 = arith.minimumf %min3A_903, %gather3A_921 : vector<16xf32>
    %mul3A_923 = arith.constant 32 : i32
    %mul3A_924 = arith.muli %select_n3A_30, %mul3A_923 : i32
    %add3A_925 = arith.constant 0 : i32
    %add3A_926 = arith.addi %mul3A_924, %add3A_925 : i32
    %get3A_927 = arith.constant 42 : i32
    %get3A_928 = arith.index_cast %get3A_927 : i32 to index
    %get3A_929 = arith.index_cast %add3A_926 : i32 to index
    %get3A_930 = tpu.vector_load %arg8[%get3A_928, %get3A_929] {strides = array<i32>} : memref<50x128xi32, #tpu.memory_space<vmem>>, vector<16xi32>,
    %mul3A_931 = arith.constant 2 : i32
    %mul3A_932 = vector.broadcast %mul3A_931 : i32 to vector<16xi32>
    %mul3A_933 = arith.muli %get3A_930, %mul3A_932 : vector<16xi32>
    %add3A_934 = arith.addi %mul3A_933, %gather3A_916 : vector<16xi32>
    %gather3A_935 = tpu.vector_load_idx %arg13[%add3A_934] : memref<16xi32, #tpu.memory_space<vmem>>[vector<16xi32>], vector<16xi32>,
    %mul3A_936 = arith.constant 2 : i32
    %mul3A_937 = vector.broadcast %mul3A_936 : i32 to vector<16xi32>
    %mul3A_938 = arith.muli %get3A_930, %mul3A_937 : vector<16xi32>
    %add3A_939 = arith.addi %mul3A_938, %gather3A_935 : vector<16xi32>
    %gather3A_940 = tpu.vector_load_idx %arg12[%add3A_939] : memref<16xf32, #tpu.memory_space<vmem>>[vector<16xi32>], vector<16xf32>,
    %min3A_941 = arith.minimumf %min3A_922, %gather3A_940 : vector<16xf32>
    %mul3A_942 = arith.constant 32 : i32
    %mul3A_943 = arith.muli %select_n3A_30, %mul3A_942 : i32
    %add3A_944 = arith.constant 0 : i32
    %add3A_945 = arith.addi %mul3A_943, %add3A_944 : i32
    %get3A_946 = arith.constant 43 : i32
    %get3A_947 = arith.index_cast %get3A_946 : i32 to index
    %get3A_948 = arith.index_cast %add3A_945 : i32 to index
    %get3A_949 = tpu.vector_load %arg8[%get3A_947, %get3A_948] {strides = array<i32>} : memref<50x128xi32, #tpu.memory_space<vmem>>, vector<16xi32>,
    %mul3A_950 = arith.constant 2 : i32
    %mul3A_951 = vector.broadcast %mul3A_950 : i32 to vector<16xi32>
    %mul3A_952 = arith.muli %get3A_949, %mul3A_951 : vector<16xi32>
    %add3A_953 = arith.addi %mul3A_952, %gather3A_935 : vector<16xi32>
    %gather3A_954 = tpu.vector_load_idx %arg13[%add3A_953] : memref<16xi32, #tpu.memory_space<vmem>>[vector<16xi32>], vector<16xi32>,
    %mul3A_955 = arith.constant 2 : i32
    %mul3A_956 = vector.broadcast %mul3A_955 : i32 to vector<16xi32>
    %mul3A_957 = arith.muli %get3A_949, %mul3A_956 : vector<16xi32>
    %add3A_958 = arith.addi %mul3A_957, %gather3A_954 : vector<16xi32>
    %gather3A_959 = tpu.vector_load_idx %arg12[%add3A_958] : memref<16xf32, #tpu.memory_space<vmem>>[vector<16xi32>], vector<16xf32>,
    %min3A_960 = arith.minimumf %min3A_941, %gather3A_959 : vector<16xf32>
    %mul3A_961 = arith.constant 32 : i32
    %mul3A_962 = arith.muli %select_n3A_30, %mul3A_961 : i32
    %add3A_963 = arith.constant 0 : i32
    %add3A_964 = arith.addi %mul3A_962, %add3A_963 : i32
    %get3A_965 = arith.constant 44 : i32
    %get3A_966 = arith.index_cast %get3A_965 : i32 to index
    %get3A_967 = arith.index_cast %add3A_964 : i32 to index
    %get3A_968 = tpu.vector_load %arg8[%get3A_966, %get3A_967] {strides = array<i32>} : memref<50x128xi32, #tpu.memory_space<vmem>>, vector<16xi32>,
    %mul3A_969 = arith.constant 2 : i32
    %mul3A_970 = vector.broadcast %mul3A_969 : i32 to vector<16xi32>
    %mul3A_971 = arith.muli %get3A_968, %mul3A_970 : vector<16xi32>
    %add3A_972 = arith.addi %mul3A_971, %gather3A_954 : vector<16xi32>
    %gather3A_973 = tpu.vector_load_idx %arg13[%add3A_972] : memref<16xi32, #tpu.memory_space<vmem>>[vector<16xi32>], vector<16xi32>,
    %mul3A_974 = arith.constant 2 : i32
    %mul3A_975 = vector.broadcast %mul3A_974 : i32 to vector<16xi32>
    %mul3A_976 = arith.muli %get3A_968, %mul3A_975 : vector<16xi32>
    %add3A_977 = arith.addi %mul3A_976, %gather3A_973 : vector<16xi32>
    %gather3A_978 = tpu.vector_load_idx %arg12[%add3A_977] : memref<16xf32, #tpu.memory_space<vmem>>[vector<16xi32>], vector<16xf32>,
    %min3A_979 = arith.minimumf %min3A_960, %gather3A_978 : vector<16xf32>
    %mul3A_980 = arith.constant 32 : i32
    %mul3A_981 = arith.muli %select_n3A_30, %mul3A_980 : i32
    %add3A_982 = arith.constant 0 : i32
    %add3A_983 = arith.addi %mul3A_981, %add3A_982 : i32
    %get3A_984 = arith.constant 45 : i32
    %get3A_985 = arith.index_cast %get3A_984 : i32 to index
    %get3A_986 = arith.index_cast %add3A_983 : i32 to index
    %get3A_987 = tpu.vector_load %arg8[%get3A_985, %get3A_986] {strides = array<i32>} : memref<50x128xi32, #tpu.memory_space<vmem>>, vector<16xi32>,
    %mul3A_988 = arith.constant 2 : i32
    %mul3A_989 = vector.broadcast %mul3A_988 : i32 to vector<16xi32>
    %mul3A_990 = arith.muli %get3A_987, %mul3A_989 : vector<16xi32>
    %add3A_991 = arith.addi %mul3A_990, %gather3A_973 : vector<16xi32>
    %gather3A_992 = tpu.vector_load_idx %arg13[%add3A_991] : memref<16xi32, #tpu.memory_space<vmem>>[vector<16xi32>], vector<16xi32>,
    %mul3A_993 = arith.constant 2 : i32
    %mul3A_994 = vector.broadcast %mul3A_993 : i32 to vector<16xi32>
    %mul3A_995 = arith.muli %get3A_987, %mul3A_994 : vector<16xi32>
    %add3A_996 = arith.addi %mul3A_995, %gather3A_992 : vector<16xi32>
    %gather3A_997 = tpu.vector_load_idx %arg12[%add3A_996] : memref<16xf32, #tpu.memory_space<vmem>>[vector<16xi32>], vector<16xf32>,
    %min3A_998 = arith.minimumf %min3A_979, %gather3A_997 : vector<16xf32>
    %mul3A_999 = arith.constant 32 : i32
    %mul3A_1000 = arith.muli %select_n3A_30, %mul3A_999 : i32
    %add3A_1001 = arith.constant 0 : i32
    %add3A_1002 = arith.addi %mul3A_1000, %add3A_1001 : i32
    %get3A_1003 = arith.constant 46 : i32
    %get3A_1004 = arith.index_cast %get3A_1003 : i32 to index
    %get3A_1005 = arith.index_cast %add3A_1002 : i32 to index
    %get3A_1006 = tpu.vector_load %arg8[%get3A_1004, %get3A_1005] {strides = array<i32>} : memref<50x128xi32, #tpu.memory_space<vmem>>, vector<16xi32>,
    %mul3A_1007 = arith.constant 2 : i32
    %mul3A_1008 = vector.broadcast %mul3A_1007 : i32 to vector<16xi32>
    %mul3A_1009 = arith.muli %get3A_1006, %mul3A_1008 : vector<16xi32>
    %add3A_1010 = arith.addi %mul3A_1009, %gather3A_992 : vector<16xi32>
    %gather3A_1011 = tpu.vector_load_idx %arg13[%add3A_1010] : memref<16xi32, #tpu.memory_space<vmem>>[vector<16xi32>], vector<16xi32>,
    %mul3A_1012 = arith.constant 2 : i32
    %mul3A_1013 = vector.broadcast %mul3A_1012 : i32 to vector<16xi32>
    %mul3A_1014 = arith.muli %get3A_1006, %mul3A_1013 : vector<16xi32>
    %add3A_1015 = arith.addi %mul3A_1014, %gather3A_1011 : vector<16xi32>
    %gather3A_1016 = tpu.vector_load_idx %arg12[%add3A_1015] : memref<16xf32, #tpu.memory_space<vmem>>[vector<16xi32>], vector<16xf32>,
    %min3A_1017 = arith.minimumf %min3A_998, %gather3A_1016 : vector<16xf32>
    %mul3A_1018 = arith.constant 32 : i32
    %mul3A_1019 = arith.muli %select_n3A_30, %mul3A_1018 : i32
    %add3A_1020 = arith.constant 0 : i32
    %add3A_1021 = arith.addi %mul3A_1019, %add3A_1020 : i32
    %get3A_1022 = arith.constant 47 : i32
    %get3A_1023 = arith.index_cast %get3A_1022 : i32 to index
    %get3A_1024 = arith.index_cast %add3A_1021 : i32 to index
    %get3A_1025 = tpu.vector_load %arg8[%get3A_1023, %get3A_1024] {strides = array<i32>} : memref<50x128xi32, #tpu.memory_space<vmem>>, vector<16xi32>,
    %mul3A_1026 = arith.constant 2 : i32
    %mul3A_1027 = vector.broadcast %mul3A_1026 : i32 to vector<16xi32>
    %mul3A_1028 = arith.muli %get3A_1025, %mul3A_1027 : vector<16xi32>
    %add3A_1029 = arith.addi %mul3A_1028, %gather3A_1011 : vector<16xi32>
    %gather3A_1030 = tpu.vector_load_idx %arg13[%add3A_1029] : memref<16xi32, #tpu.memory_space<vmem>>[vector<16xi32>], vector<16xi32>,
    %mul3A_1031 = arith.constant 2 : i32
    %mul3A_1032 = vector.broadcast %mul3A_1031 : i32 to vector<16xi32>
    %mul3A_1033 = arith.muli %get3A_1025, %mul3A_1032 : vector<16xi32>
    %add3A_1034 = arith.addi %mul3A_1033, %gather3A_1030 : vector<16xi32>
    %gather3A_1035 = tpu.vector_load_idx %arg12[%add3A_1034] : memref<16xf32, #tpu.memory_space<vmem>>[vector<16xi32>], vector<16xf32>,
    %min3A_1036 = arith.minimumf %min3A_1017, %gather3A_1035 : vector<16xf32>
    %mul3A_1037 = arith.constant 32 : i32
    %mul3A_1038 = arith.muli %select_n3A_30, %mul3A_1037 : i32
    %add3A_1039 = arith.constant 0 : i32
    %add3A_1040 = arith.addi %mul3A_1038, %add3A_1039 : i32
    %get3A_1041 = arith.constant 48 : i32
    %get3A_1042 = arith.index_cast %get3A_1041 : i32 to index
    %get3A_1043 = arith.index_cast %add3A_1040 : i32 to index
    %get3A_1044 = tpu.vector_load %arg8[%get3A_1042, %get3A_1043] {strides = array<i32>} : memref<50x128xi32, #tpu.memory_space<vmem>>, vector<16xi32>,
    %mul3A_1045 = arith.constant 2 : i32
    %mul3A_1046 = vector.broadcast %mul3A_1045 : i32 to vector<16xi32>
    %mul3A_1047 = arith.muli %get3A_1044, %mul3A_1046 : vector<16xi32>
    %add3A_1048 = arith.addi %mul3A_1047, %gather3A_1030 : vector<16xi32>
    %gather3A_1049 = tpu.vector_load_idx %arg13[%add3A_1048] : memref<16xi32, #tpu.memory_space<vmem>>[vector<16xi32>], vector<16xi32>,
    %mul3A_1050 = arith.constant 2 : i32
    %mul3A_1051 = vector.broadcast %mul3A_1050 : i32 to vector<16xi32>
    %mul3A_1052 = arith.muli %get3A_1044, %mul3A_1051 : vector<16xi32>
    %add3A_1053 = arith.addi %mul3A_1052, %gather3A_1049 : vector<16xi32>
    %gather3A_1054 = tpu.vector_load_idx %arg12[%add3A_1053] : memref<16xf32, #tpu.memory_space<vmem>>[vector<16xi32>], vector<16xf32>,
    %min3A_1055 = arith.minimumf %min3A_1036, %gather3A_1054 : vector<16xf32>
    %mul3A_1056 = arith.constant 32 : i32
    %mul3A_1057 = arith.muli %select_n3A_30, %mul3A_1056 : i32
    %add3A_1058 = arith.constant 0 : i32
    %add3A_1059 = arith.addi %mul3A_1057, %add3A_1058 : i32
    %get3A_1060 = arith.constant 49 : i32
    %get3A_1061 = arith.index_cast %get3A_1060 : i32 to index
    %get3A_1062 = arith.index_cast %add3A_1059 : i32 to index
    %get3A_1063 = tpu.vector_load %arg8[%get3A_1061, %get3A_1062] {strides = array<i32>} : memref<50x128xi32, #tpu.memory_space<vmem>>, vector<16xi32>,
    %mul3A_1064 = arith.constant 2 : i32
    %mul3A_1065 = vector.broadcast %mul3A_1064 : i32 to vector<16xi32>
    %mul3A_1066 = arith.muli %get3A_1063, %mul3A_1065 : vector<16xi32>
    %add3A_1067 = arith.addi %mul3A_1066, %gather3A_1049 : vector<16xi32>
    %gather3A_1068 = tpu.vector_load_idx %arg13[%add3A_1067] : memref<16xi32, #tpu.memory_space<vmem>>[vector<16xi32>], vector<16xi32>,
    %mul3A_1069 = arith.constant 2 : i32
    %mul3A_1070 = vector.broadcast %mul3A_1069 : i32 to vector<16xi32>
    %mul3A_1071 = arith.muli %get3A_1063, %mul3A_1070 : vector<16xi32>
    %add3A_1072 = arith.addi %mul3A_1071, %gather3A_1068 : vector<16xi32>
    %gather3A_1073 = tpu.vector_load_idx %arg12[%add3A_1072] : memref<16xf32, #tpu.memory_space<vmem>>[vector<16xi32>], vector<16xf32>,
    %min3A_1074 = arith.minimumf %min3A_1055, %gather3A_1073 : vector<16xf32>
    %get3A_1075 = arith.constant 0 : index
    %get3A_1076 = tpu.vector_load %arg9[%get3A_1075] {strides = array<i32>} : memref<32xf32, #tpu.memory_space<vmem>>, vector<16xf32>,
    %min3A_1077 = arith.minimumf %min3A_1074, %get3A_1076 : vector<16xf32>
    %swap3A_1078 = arith.constant 0 : index
    %swap3A_1079 = tpu.vector_load %arg14[%swap3A_1078] {strides = array<i32>} : memref<32xf32, #tpu.memory_space<vmem>>, vector<16xf32>,
    tpu.vector_store %arg14[%swap3A_1078], %min3A_1077 {strides = array<i32>} : memref<32xf32, #tpu.memory_space<vmem>>, vector<16xf32>,
    %swap3A_1080 = arith.constant 0 : index
    %swap3A_1081 = tpu.vector_load %arg15[%swap3A_1080] {strides = array<i32>} : memref<32xi32, #tpu.memory_space<vmem>>, vector<16xi32>,
    tpu.vector_store %arg15[%swap3A_1080], %gather3A_1068 {strides = array<i32>} : memref<32xi32, #tpu.memory_space<vmem>>, vector<16xi32>,
    %gather3A_1082 = tpu.vector_load_idx %arg12[%broadcast_in_dim3A_123] : memref<16xf32, #tpu.memory_space<vmem>>[vector<16xi32>], vector<16xf32>,
    %gather3A_1083 = tpu.vector_load_idx %arg13[%broadcast_in_dim3A_123] : memref<16xi32, #tpu.memory_space<vmem>>[vector<16xi32>], vector<16xi32>,
    %mul3A_1084 = arith.constant 32 : i32
    %mul3A_1085 = arith.muli %select_n3A_30, %mul3A_1084 : i32
    %add3A_1086 = arith.constant 16 : i32
    %add3A_1087 = arith.addi %mul3A_1085, %add3A_1086 : i32
    %get3A_1088 = arith.constant 0 : i32
    %get3A_1089 = arith.index_cast %get3A_1088 : i32 to index
    %get3A_1090 = arith.index_cast %add3A_1087 : i32 to index
    %get3A_1091 = tpu.vector_load %arg8[%get3A_1089, %get3A_1090] {strides = array<i32>} : memref<50x128xi32, #tpu.memory_space<vmem>>, vector<16xi32>,
    %mul3A_1092 = arith.constant 2 : i32
    %mul3A_1093 = vector.broadcast %mul3A_1092 : i32 to vector<16xi32>
    %mul3A_1094 = arith.muli %get3A_1091, %mul3A_1093 : vector<16xi32>
    %add3A_1095 = arith.addi %mul3A_1094, %gather3A_1083 : vector<16xi32>
    %gather3A_1096 = tpu.vector_load_idx %arg13[%add3A_1095] : memref<16xi32, #tpu.memory_space<vmem>>[vector<16xi32>], vector<16xi32>,
    %mul3A_1097 = arith.constant 2 : i32
    %mul3A_1098 = vector.broadcast %mul3A_1097 : i32 to vector<16xi32>
    %mul3A_1099 = arith.muli %get3A_1091, %mul3A_1098 : vector<16xi32>
    %add3A_1100 = arith.addi %mul3A_1099, %gather3A_1096 : vector<16xi32>
    %gather3A_1101 = tpu.vector_load_idx %arg12[%add3A_1100] : memref<16xf32, #tpu.memory_space<vmem>>[vector<16xi32>], vector<16xf32>,
    %min3A_1102 = arith.minimumf %gather3A_1082, %gather3A_1101 : vector<16xf32>
    %mul3A_1103 = arith.constant 32 : i32
    %mul3A_1104 = arith.muli %select_n3A_30, %mul3A_1103 : i32
    %add3A_1105 = arith.constant 16 : i32
    %add3A_1106 = arith.addi %mul3A_1104, %add3A_1105 : i32
    %get3A_1107 = arith.constant 1 : i32
    %get3A_1108 = arith.index_cast %get3A_1107 : i32 to index
    %get3A_1109 = arith.index_cast %add3A_1106 : i32 to index
    %get3A_1110 = tpu.vector_load %arg8[%get3A_1108, %get3A_1109] {strides = array<i32>} : memref<50x128xi32, #tpu.memory_space<vmem>>, vector<16xi32>,
    %mul3A_1111 = arith.constant 2 : i32
    %mul3A_1112 = vector.broadcast %mul3A_1111 : i32 to vector<16xi32>
    %mul3A_1113 = arith.muli %get3A_1110, %mul3A_1112 : vector<16xi32>
    %add3A_1114 = arith.addi %mul3A_1113, %gather3A_1096 : vector<16xi32>
    %gather3A_1115 = tpu.vector_load_idx %arg13[%add3A_1114] : memref<16xi32, #tpu.memory_space<vmem>>[vector<16xi32>], vector<16xi32>,
    %mul3A_1116 = arith.constant 2 : i32
    %mul3A_1117 = vector.broadcast %mul3A_1116 : i32 to vector<16xi32>
    %mul3A_1118 = arith.muli %get3A_1110, %mul3A_1117 : vector<16xi32>
    %add3A_1119 = arith.addi %mul3A_1118, %gather3A_1115 : vector<16xi32>
    %gather3A_1120 = tpu.vector_load_idx %arg12[%add3A_1119] : memref<16xf32, #tpu.memory_space<vmem>>[vector<16xi32>], vector<16xf32>,
    %min3A_1121 = arith.minimumf %min3A_1102, %gather3A_1120 : vector<16xf32>
    %mul3A_1122 = arith.constant 32 : i32
    %mul3A_1123 = arith.muli %select_n3A_30, %mul3A_1122 : i32
    %add3A_1124 = arith.constant 16 : i32
    %add3A_1125 = arith.addi %mul3A_1123, %add3A_1124 : i32
    %get3A_1126 = arith.constant 2 : i32
    %get3A_1127 = arith.index_cast %get3A_1126 : i32 to index
    %get3A_1128 = arith.index_cast %add3A_1125 : i32 to index
    %get3A_1129 = tpu.vector_load %arg8[%get3A_1127, %get3A_1128] {strides = array<i32>} : memref<50x128xi32, #tpu.memory_space<vmem>>, vector<16xi32>,
    %mul3A_1130 = arith.constant 2 : i32
    %mul3A_1131 = vector.broadcast %mul3A_1130 : i32 to vector<16xi32>
    %mul3A_1132 = arith.muli %get3A_1129, %mul3A_1131 : vector<16xi32>
    %add3A_1133 = arith.addi %mul3A_1132, %gather3A_1115 : vector<16xi32>
    %gather3A_1134 = tpu.vector_load_idx %arg13[%add3A_1133] : memref<16xi32, #tpu.memory_space<vmem>>[vector<16xi32>], vector<16xi32>,
    %mul3A_1135 = arith.constant 2 : i32
    %mul3A_1136 = vector.broadcast %mul3A_1135 : i32 to vector<16xi32>
    %mul3A_1137 = arith.muli %get3A_1129, %mul3A_1136 : vector<16xi32>
    %add3A_1138 = arith.addi %mul3A_1137, %gather3A_1134 : vector<16xi32>
    %gather3A_1139 = tpu.vector_load_idx %arg12[%add3A_1138] : memref<16xf32, #tpu.memory_space<vmem>>[vector<16xi32>], vector<16xf32>,
    %min3A_1140 = arith.minimumf %min3A_1121, %gather3A_1139 : vector<16xf32>
    %mul3A_1141 = arith.constant 32 : i32
    %mul3A_1142 = arith.muli %select_n3A_30, %mul3A_1141 : i32
    %add3A_1143 = arith.constant 16 : i32
    %add3A_1144 = arith.addi %mul3A_1142, %add3A_1143 : i32
    %get3A_1145 = arith.constant 3 : i32
    %get3A_1146 = arith.index_cast %get3A_1145 : i32 to index
    %get3A_1147 = arith.index_cast %add3A_1144 : i32 to index
    %get3A_1148 = tpu.vector_load %arg8[%get3A_1146, %get3A_1147] {strides = array<i32>} : memref<50x128xi32, #tpu.memory_space<vmem>>, vector<16xi32>,
    %mul3A_1149 = arith.constant 2 : i32
    %mul3A_1150 = vector.broadcast %mul3A_1149 : i32 to vector<16xi32>
    %mul3A_1151 = arith.muli %get3A_1148, %mul3A_1150 : vector<16xi32>
    %add3A_1152 = arith.addi %mul3A_1151, %gather3A_1134 : vector<16xi32>
    %gather3A_1153 = tpu.vector_load_idx %arg13[%add3A_1152] : memref<16xi32, #tpu.memory_space<vmem>>[vector<16xi32>], vector<16xi32>,
    %mul3A_1154 = arith.constant 2 : i32
    %mul3A_1155 = vector.broadcast %mul3A_1154 : i32 to vector<16xi32>
    %mul3A_1156 = arith.muli %get3A_1148, %mul3A_1155 : vector<16xi32>
    %add3A_1157 = arith.addi %mul3A_1156, %gather3A_1153 : vector<16xi32>
    %gather3A_1158 = tpu.vector_load_idx %arg12[%add3A_1157] : memref<16xf32, #tpu.memory_space<vmem>>[vector<16xi32>], vector<16xf32>,
    %min3A_1159 = arith.minimumf %min3A_1140, %gather3A_1158 : vector<16xf32>
    %mul3A_1160 = arith.constant 32 : i32
    %mul3A_1161 = arith.muli %select_n3A_30, %mul3A_1160 : i32
    %add3A_1162 = arith.constant 16 : i32
    %add3A_1163 = arith.addi %mul3A_1161, %add3A_1162 : i32
    %get3A_1164 = arith.constant 4 : i32
    %get3A_1165 = arith.index_cast %get3A_1164 : i32 to index
    %get3A_1166 = arith.index_cast %add3A_1163 : i32 to index
    %get3A_1167 = tpu.vector_load %arg8[%get3A_1165, %get3A_1166] {strides = array<i32>} : memref<50x128xi32, #tpu.memory_space<vmem>>, vector<16xi32>,
    %mul3A_1168 = arith.constant 2 : i32
    %mul3A_1169 = vector.broadcast %mul3A_1168 : i32 to vector<16xi32>
    %mul3A_1170 = arith.muli %get3A_1167, %mul3A_1169 : vector<16xi32>
    %add3A_1171 = arith.addi %mul3A_1170, %gather3A_1153 : vector<16xi32>
    %gather3A_1172 = tpu.vector_load_idx %arg13[%add3A_1171] : memref<16xi32, #tpu.memory_space<vmem>>[vector<16xi32>], vector<16xi32>,
    %mul3A_1173 = arith.constant 2 : i32
    %mul3A_1174 = vector.broadcast %mul3A_1173 : i32 to vector<16xi32>
    %mul3A_1175 = arith.muli %get3A_1167, %mul3A_1174 : vector<16xi32>
    %add3A_1176 = arith.addi %mul3A_1175, %gather3A_1172 : vector<16xi32>
    %gather3A_1177 = tpu.vector_load_idx %arg12[%add3A_1176] : memref<16xf32, #tpu.memory_space<vmem>>[vector<16xi32>], vector<16xf32>,
    %min3A_1178 = arith.minimumf %min3A_1159, %gather3A_1177 : vector<16xf32>
    %mul3A_1179 = arith.constant 32 : i32
    %mul3A_1180 = arith.muli %select_n3A_30, %mul3A_1179 : i32
    %add3A_1181 = arith.constant 16 : i32
    %add3A_1182 = arith.addi %mul3A_1180, %add3A_1181 : i32
    %get3A_1183 = arith.constant 5 : i32
    %get3A_1184 = arith.index_cast %get3A_1183 : i32 to index
    %get3A_1185 = arith.index_cast %add3A_1182 : i32 to index
    %get3A_1186 = tpu.vector_load %arg8[%get3A_1184, %get3A_1185] {strides = array<i32>} : memref<50x128xi32, #tpu.memory_space<vmem>>, vector<16xi32>,
    %mul3A_1187 = arith.constant 2 : i32
    %mul3A_1188 = vector.broadcast %mul3A_1187 : i32 to vector<16xi32>
    %mul3A_1189 = arith.muli %get3A_1186, %mul3A_1188 : vector<16xi32>
    %add3A_1190 = arith.addi %mul3A_1189, %gather3A_1172 : vector<16xi32>
    %gather3A_1191 = tpu.vector_load_idx %arg13[%add3A_1190] : memref<16xi32, #tpu.memory_space<vmem>>[vector<16xi32>], vector<16xi32>,
    %mul3A_1192 = arith.constant 2 : i32
    %mul3A_1193 = vector.broadcast %mul3A_1192 : i32 to vector<16xi32>
    %mul3A_1194 = arith.muli %get3A_1186, %mul3A_1193 : vector<16xi32>
    %add3A_1195 = arith.addi %mul3A_1194, %gather3A_1191 : vector<16xi32>
    %gather3A_1196 = tpu.vector_load_idx %arg12[%add3A_1195] : memref<16xf32, #tpu.memory_space<vmem>>[vector<16xi32>], vector<16xf32>,
    %min3A_1197 = arith.minimumf %min3A_1178, %gather3A_1196 : vector<16xf32>
    %mul3A_1198 = arith.constant 32 : i32
    %mul3A_1199 = arith.muli %select_n3A_30, %mul3A_1198 : i32
    %add3A_1200 = arith.constant 16 : i32
    %add3A_1201 = arith.addi %mul3A_1199, %add3A_1200 : i32
    %get3A_1202 = arith.constant 6 : i32
    %get3A_1203 = arith.index_cast %get3A_1202 : i32 to index
    %get3A_1204 = arith.index_cast %add3A_1201 : i32 to index
    %get3A_1205 = tpu.vector_load %arg8[%get3A_1203, %get3A_1204] {strides = array<i32>} : memref<50x128xi32, #tpu.memory_space<vmem>>, vector<16xi32>,
    %mul3A_1206 = arith.constant 2 : i32
    %mul3A_1207 = vector.broadcast %mul3A_1206 : i32 to vector<16xi32>
    %mul3A_1208 = arith.muli %get3A_1205, %mul3A_1207 : vector<16xi32>
    %add3A_1209 = arith.addi %mul3A_1208, %gather3A_1191 : vector<16xi32>
    %gather3A_1210 = tpu.vector_load_idx %arg13[%add3A_1209] : memref<16xi32, #tpu.memory_space<vmem>>[vector<16xi32>], vector<16xi32>,
    %mul3A_1211 = arith.constant 2 : i32
    %mul3A_1212 = vector.broadcast %mul3A_1211 : i32 to vector<16xi32>
    %mul3A_1213 = arith.muli %get3A_1205, %mul3A_1212 : vector<16xi32>
    %add3A_1214 = arith.addi %mul3A_1213, %gather3A_1210 : vector<16xi32>
    %gather3A_1215 = tpu.vector_load_idx %arg12[%add3A_1214] : memref<16xf32, #tpu.memory_space<vmem>>[vector<16xi32>], vector<16xf32>,
    %min3A_1216 = arith.minimumf %min3A_1197, %gather3A_1215 : vector<16xf32>
    %mul3A_1217 = arith.constant 32 : i32
    %mul3A_1218 = arith.muli %select_n3A_30, %mul3A_1217 : i32
    %add3A_1219 = arith.constant 16 : i32
    %add3A_1220 = arith.addi %mul3A_1218, %add3A_1219 : i32
    %get3A_1221 = arith.constant 7 : i32
    %get3A_1222 = arith.index_cast %get3A_1221 : i32 to index
    %get3A_1223 = arith.index_cast %add3A_1220 : i32 to index
    %get3A_1224 = tpu.vector_load %arg8[%get3A_1222, %get3A_1223] {strides = array<i32>} : memref<50x128xi32, #tpu.memory_space<vmem>>, vector<16xi32>,
    %mul3A_1225 = arith.constant 2 : i32
    %mul3A_1226 = vector.broadcast %mul3A_1225 : i32 to vector<16xi32>
    %mul3A_1227 = arith.muli %get3A_1224, %mul3A_1226 : vector<16xi32>
    %add3A_1228 = arith.addi %mul3A_1227, %gather3A_1210 : vector<16xi32>
    %gather3A_1229 = tpu.vector_load_idx %arg13[%add3A_1228] : memref<16xi32, #tpu.memory_space<vmem>>[vector<16xi32>], vector<16xi32>,
    %mul3A_1230 = arith.constant 2 : i32
    %mul3A_1231 = vector.broadcast %mul3A_1230 : i32 to vector<16xi32>
    %mul3A_1232 = arith.muli %get3A_1224, %mul3A_1231 : vector<16xi32>
    %add3A_1233 = arith.addi %mul3A_1232, %gather3A_1229 : vector<16xi32>
    %gather3A_1234 = tpu.vector_load_idx %arg12[%add3A_1233] : memref<16xf32, #tpu.memory_space<vmem>>[vector<16xi32>], vector<16xf32>,
    %min3A_1235 = arith.minimumf %min3A_1216, %gather3A_1234 : vector<16xf32>
    %mul3A_1236 = arith.constant 32 : i32
    %mul3A_1237 = arith.muli %select_n3A_30, %mul3A_1236 : i32
    %add3A_1238 = arith.constant 16 : i32
    %add3A_1239 = arith.addi %mul3A_1237, %add3A_1238 : i32
    %get3A_1240 = arith.constant 8 : i32
    %get3A_1241 = arith.index_cast %get3A_1240 : i32 to index
    %get3A_1242 = arith.index_cast %add3A_1239 : i32 to index
    %get3A_1243 = tpu.vector_load %arg8[%get3A_1241, %get3A_1242] {strides = array<i32>} : memref<50x128xi32, #tpu.memory_space<vmem>>, vector<16xi32>,
    %mul3A_1244 = arith.constant 2 : i32
    %mul3A_1245 = vector.broadcast %mul3A_1244 : i32 to vector<16xi32>
    %mul3A_1246 = arith.muli %get3A_1243, %mul3A_1245 : vector<16xi32>
    %add3A_1247 = arith.addi %mul3A_1246, %gather3A_1229 : vector<16xi32>
    %gather3A_1248 = tpu.vector_load_idx %arg13[%add3A_1247] : memref<16xi32, #tpu.memory_space<vmem>>[vector<16xi32>], vector<16xi32>,
    %mul3A_1249 = arith.constant 2 : i32
    %mul3A_1250 = vector.broadcast %mul3A_1249 : i32 to vector<16xi32>
    %mul3A_1251 = arith.muli %get3A_1243, %mul3A_1250 : vector<16xi32>
    %add3A_1252 = arith.addi %mul3A_1251, %gather3A_1248 : vector<16xi32>
    %gather3A_1253 = tpu.vector_load_idx %arg12[%add3A_1252] : memref<16xf32, #tpu.memory_space<vmem>>[vector<16xi32>], vector<16xf32>,
    %min3A_1254 = arith.minimumf %min3A_1235, %gather3A_1253 : vector<16xf32>
    %mul3A_1255 = arith.constant 32 : i32
    %mul3A_1256 = arith.muli %select_n3A_30, %mul3A_1255 : i32
    %add3A_1257 = arith.constant 16 : i32
    %add3A_1258 = arith.addi %mul3A_1256, %add3A_1257 : i32
    %get3A_1259 = arith.constant 9 : i32
    %get3A_1260 = arith.index_cast %get3A_1259 : i32 to index
    %get3A_1261 = arith.index_cast %add3A_1258 : i32 to index
    %get3A_1262 = tpu.vector_load %arg8[%get3A_1260, %get3A_1261] {strides = array<i32>} : memref<50x128xi32, #tpu.memory_space<vmem>>, vector<16xi32>,
    %mul3A_1263 = arith.constant 2 : i32
    %mul3A_1264 = vector.broadcast %mul3A_1263 : i32 to vector<16xi32>
    %mul3A_1265 = arith.muli %get3A_1262, %mul3A_1264 : vector<16xi32>
    %add3A_1266 = arith.addi %mul3A_1265, %gather3A_1248 : vector<16xi32>
    %gather3A_1267 = tpu.vector_load_idx %arg13[%add3A_1266] : memref<16xi32, #tpu.memory_space<vmem>>[vector<16xi32>], vector<16xi32>,
    %mul3A_1268 = arith.constant 2 : i32
    %mul3A_1269 = vector.broadcast %mul3A_1268 : i32 to vector<16xi32>
    %mul3A_1270 = arith.muli %get3A_1262, %mul3A_1269 : vector<16xi32>
    %add3A_1271 = arith.addi %mul3A_1270, %gather3A_1267 : vector<16xi32>
    %gather3A_1272 = tpu.vector_load_idx %arg12[%add3A_1271] : memref<16xf32, #tpu.memory_space<vmem>>[vector<16xi32>], vector<16xf32>,
    %min3A_1273 = arith.minimumf %min3A_1254, %gather3A_1272 : vector<16xf32>
    %mul3A_1274 = arith.constant 32 : i32
    %mul3A_1275 = arith.muli %select_n3A_30, %mul3A_1274 : i32
    %add3A_1276 = arith.constant 16 : i32
    %add3A_1277 = arith.addi %mul3A_1275, %add3A_1276 : i32
    %get3A_1278 = arith.constant 10 : i32
    %get3A_1279 = arith.index_cast %get3A_1278 : i32 to index
    %get3A_1280 = arith.index_cast %add3A_1277 : i32 to index
    %get3A_1281 = tpu.vector_load %arg8[%get3A_1279, %get3A_1280] {strides = array<i32>} : memref<50x128xi32, #tpu.memory_space<vmem>>, vector<16xi32>,
    %mul3A_1282 = arith.constant 2 : i32
    %mul3A_1283 = vector.broadcast %mul3A_1282 : i32 to vector<16xi32>
    %mul3A_1284 = arith.muli %get3A_1281, %mul3A_1283 : vector<16xi32>
    %add3A_1285 = arith.addi %mul3A_1284, %gather3A_1267 : vector<16xi32>
    %gather3A_1286 = tpu.vector_load_idx %arg13[%add3A_1285] : memref<16xi32, #tpu.memory_space<vmem>>[vector<16xi32>], vector<16xi32>,
    %mul3A_1287 = arith.constant 2 : i32
    %mul3A_1288 = vector.broadcast %mul3A_1287 : i32 to vector<16xi32>
    %mul3A_1289 = arith.muli %get3A_1281, %mul3A_1288 : vector<16xi32>
    %add3A_1290 = arith.addi %mul3A_1289, %gather3A_1286 : vector<16xi32>
    %gather3A_1291 = tpu.vector_load_idx %arg12[%add3A_1290] : memref<16xf32, #tpu.memory_space<vmem>>[vector<16xi32>], vector<16xf32>,
    %min3A_1292 = arith.minimumf %min3A_1273, %gather3A_1291 : vector<16xf32>
    %mul3A_1293 = arith.constant 32 : i32
    %mul3A_1294 = arith.muli %select_n3A_30, %mul3A_1293 : i32
    %add3A_1295 = arith.constant 16 : i32
    %add3A_1296 = arith.addi %mul3A_1294, %add3A_1295 : i32
    %get3A_1297 = arith.constant 11 : i32
    %get3A_1298 = arith.index_cast %get3A_1297 : i32 to index
    %get3A_1299 = arith.index_cast %add3A_1296 : i32 to index
    %get3A_1300 = tpu.vector_load %arg8[%get3A_1298, %get3A_1299] {strides = array<i32>} : memref<50x128xi32, #tpu.memory_space<vmem>>, vector<16xi32>,
    %mul3A_1301 = arith.constant 2 : i32
    %mul3A_1302 = vector.broadcast %mul3A_1301 : i32 to vector<16xi32>
    %mul3A_1303 = arith.muli %get3A_1300, %mul3A_1302 : vector<16xi32>
    %add3A_1304 = arith.addi %mul3A_1303, %gather3A_1286 : vector<16xi32>
    %gather3A_1305 = tpu.vector_load_idx %arg13[%add3A_1304] : memref<16xi32, #tpu.memory_space<vmem>>[vector<16xi32>], vector<16xi32>,
    %mul3A_1306 = arith.constant 2 : i32
    %mul3A_1307 = vector.broadcast %mul3A_1306 : i32 to vector<16xi32>
    %mul3A_1308 = arith.muli %get3A_1300, %mul3A_1307 : vector<16xi32>
    %add3A_1309 = arith.addi %mul3A_1308, %gather3A_1305 : vector<16xi32>
    %gather3A_1310 = tpu.vector_load_idx %arg12[%add3A_1309] : memref<16xf32, #tpu.memory_space<vmem>>[vector<16xi32>], vector<16xf32>,
    %min3A_1311 = arith.minimumf %min3A_1292, %gather3A_1310 : vector<16xf32>
    %mul3A_1312 = arith.constant 32 : i32
    %mul3A_1313 = arith.muli %select_n3A_30, %mul3A_1312 : i32
    %add3A_1314 = arith.constant 16 : i32
    %add3A_1315 = arith.addi %mul3A_1313, %add3A_1314 : i32
    %get3A_1316 = arith.constant 12 : i32
    %get3A_1317 = arith.index_cast %get3A_1316 : i32 to index
    %get3A_1318 = arith.index_cast %add3A_1315 : i32 to index
    %get3A_1319 = tpu.vector_load %arg8[%get3A_1317, %get3A_1318] {strides = array<i32>} : memref<50x128xi32, #tpu.memory_space<vmem>>, vector<16xi32>,
    %mul3A_1320 = arith.constant 2 : i32
    %mul3A_1321 = vector.broadcast %mul3A_1320 : i32 to vector<16xi32>
    %mul3A_1322 = arith.muli %get3A_1319, %mul3A_1321 : vector<16xi32>
    %add3A_1323 = arith.addi %mul3A_1322, %gather3A_1305 : vector<16xi32>
    %gather3A_1324 = tpu.vector_load_idx %arg13[%add3A_1323] : memref<16xi32, #tpu.memory_space<vmem>>[vector<16xi32>], vector<16xi32>,
    %mul3A_1325 = arith.constant 2 : i32
    %mul3A_1326 = vector.broadcast %mul3A_1325 : i32 to vector<16xi32>
    %mul3A_1327 = arith.muli %get3A_1319, %mul3A_1326 : vector<16xi32>
    %add3A_1328 = arith.addi %mul3A_1327, %gather3A_1324 : vector<16xi32>
    %gather3A_1329 = tpu.vector_load_idx %arg12[%add3A_1328] : memref<16xf32, #tpu.memory_space<vmem>>[vector<16xi32>], vector<16xf32>,
    %min3A_1330 = arith.minimumf %min3A_1311, %gather3A_1329 : vector<16xf32>
    %mul3A_1331 = arith.constant 32 : i32
    %mul3A_1332 = arith.muli %select_n3A_30, %mul3A_1331 : i32
    %add3A_1333 = arith.constant 16 : i32
    %add3A_1334 = arith.addi %mul3A_1332, %add3A_1333 : i32
    %get3A_1335 = arith.constant 13 : i32
    %get3A_1336 = arith.index_cast %get3A_1335 : i32 to index
    %get3A_1337 = arith.index_cast %add3A_1334 : i32 to index
    %get3A_1338 = tpu.vector_load %arg8[%get3A_1336, %get3A_1337] {strides = array<i32>} : memref<50x128xi32, #tpu.memory_space<vmem>>, vector<16xi32>,
    %mul3A_1339 = arith.constant 2 : i32
    %mul3A_1340 = vector.broadcast %mul3A_1339 : i32 to vector<16xi32>
    %mul3A_1341 = arith.muli %get3A_1338, %mul3A_1340 : vector<16xi32>
    %add3A_1342 = arith.addi %mul3A_1341, %gather3A_1324 : vector<16xi32>
    %gather3A_1343 = tpu.vector_load_idx %arg13[%add3A_1342] : memref<16xi32, #tpu.memory_space<vmem>>[vector<16xi32>], vector<16xi32>,
    %mul3A_1344 = arith.constant 2 : i32
    %mul3A_1345 = vector.broadcast %mul3A_1344 : i32 to vector<16xi32>
    %mul3A_1346 = arith.muli %get3A_1338, %mul3A_1345 : vector<16xi32>
    %add3A_1347 = arith.addi %mul3A_1346, %gather3A_1343 : vector<16xi32>
    %gather3A_1348 = tpu.vector_load_idx %arg12[%add3A_1347] : memref<16xf32, #tpu.memory_space<vmem>>[vector<16xi32>], vector<16xf32>,
    %min3A_1349 = arith.minimumf %min3A_1330, %gather3A_1348 : vector<16xf32>
    %mul3A_1350 = arith.constant 32 : i32
    %mul3A_1351 = arith.muli %select_n3A_30, %mul3A_1350 : i32
    %add3A_1352 = arith.constant 16 : i32
    %add3A_1353 = arith.addi %mul3A_1351, %add3A_1352 : i32
    %get3A_1354 = arith.constant 14 : i32
    %get3A_1355 = arith.index_cast %get3A_1354 : i32 to index
    %get3A_1356 = arith.index_cast %add3A_1353 : i32 to index
    %get3A_1357 = tpu.vector_load %arg8[%get3A_1355, %get3A_1356] {strides = array<i32>} : memref<50x128xi32, #tpu.memory_space<vmem>>, vector<16xi32>,
    %mul3A_1358 = arith.constant 2 : i32
    %mul3A_1359 = vector.broadcast %mul3A_1358 : i32 to vector<16xi32>
    %mul3A_1360 = arith.muli %get3A_1357, %mul3A_1359 : vector<16xi32>
    %add3A_1361 = arith.addi %mul3A_1360, %gather3A_1343 : vector<16xi32>
    %gather3A_1362 = tpu.vector_load_idx %arg13[%add3A_1361] : memref<16xi32, #tpu.memory_space<vmem>>[vector<16xi32>], vector<16xi32>,
    %mul3A_1363 = arith.constant 2 : i32
    %mul3A_1364 = vector.broadcast %mul3A_1363 : i32 to vector<16xi32>
    %mul3A_1365 = arith.muli %get3A_1357, %mul3A_1364 : vector<16xi32>
    %add3A_1366 = arith.addi %mul3A_1365, %gather3A_1362 : vector<16xi32>
    %gather3A_1367 = tpu.vector_load_idx %arg12[%add3A_1366] : memref<16xf32, #tpu.memory_space<vmem>>[vector<16xi32>], vector<16xf32>,
    %min3A_1368 = arith.minimumf %min3A_1349, %gather3A_1367 : vector<16xf32>
    %mul3A_1369 = arith.constant 32 : i32
    %mul3A_1370 = arith.muli %select_n3A_30, %mul3A_1369 : i32
    %add3A_1371 = arith.constant 16 : i32
    %add3A_1372 = arith.addi %mul3A_1370, %add3A_1371 : i32
    %get3A_1373 = arith.constant 15 : i32
    %get3A_1374 = arith.index_cast %get3A_1373 : i32 to index
    %get3A_1375 = arith.index_cast %add3A_1372 : i32 to index
    %get3A_1376 = tpu.vector_load %arg8[%get3A_1374, %get3A_1375] {strides = array<i32>} : memref<50x128xi32, #tpu.memory_space<vmem>>, vector<16xi32>,
    %mul3A_1377 = arith.constant 2 : i32
    %mul3A_1378 = vector.broadcast %mul3A_1377 : i32 to vector<16xi32>
    %mul3A_1379 = arith.muli %get3A_1376, %mul3A_1378 : vector<16xi32>
    %add3A_1380 = arith.addi %mul3A_1379, %gather3A_1362 : vector<16xi32>
    %gather3A_1381 = tpu.vector_load_idx %arg13[%add3A_1380] : memref<16xi32, #tpu.memory_space<vmem>>[vector<16xi32>], vector<16xi32>,
    %mul3A_1382 = arith.constant 2 : i32
    %mul3A_1383 = vector.broadcast %mul3A_1382 : i32 to vector<16xi32>
    %mul3A_1384 = arith.muli %get3A_1376, %mul3A_1383 : vector<16xi32>
    %add3A_1385 = arith.addi %mul3A_1384, %gather3A_1381 : vector<16xi32>
    %gather3A_1386 = tpu.vector_load_idx %arg12[%add3A_1385] : memref<16xf32, #tpu.memory_space<vmem>>[vector<16xi32>], vector<16xf32>,
    %min3A_1387 = arith.minimumf %min3A_1368, %gather3A_1386 : vector<16xf32>
    %mul3A_1388 = arith.constant 32 : i32
    %mul3A_1389 = arith.muli %select_n3A_30, %mul3A_1388 : i32
    %add3A_1390 = arith.constant 16 : i32
    %add3A_1391 = arith.addi %mul3A_1389, %add3A_1390 : i32
    %get3A_1392 = arith.constant 16 : i32
    %get3A_1393 = arith.index_cast %get3A_1392 : i32 to index
    %get3A_1394 = arith.index_cast %add3A_1391 : i32 to index
    %get3A_1395 = tpu.vector_load %arg8[%get3A_1393, %get3A_1394] {strides = array<i32>} : memref<50x128xi32, #tpu.memory_space<vmem>>, vector<16xi32>,
    %mul3A_1396 = arith.constant 2 : i32
    %mul3A_1397 = vector.broadcast %mul3A_1396 : i32 to vector<16xi32>
    %mul3A_1398 = arith.muli %get3A_1395, %mul3A_1397 : vector<16xi32>
    %add3A_1399 = arith.addi %mul3A_1398, %gather3A_1381 : vector<16xi32>
    %gather3A_1400 = tpu.vector_load_idx %arg13[%add3A_1399] : memref<16xi32, #tpu.memory_space<vmem>>[vector<16xi32>], vector<16xi32>,
    %mul3A_1401 = arith.constant 2 : i32
    %mul3A_1402 = vector.broadcast %mul3A_1401 : i32 to vector<16xi32>
    %mul3A_1403 = arith.muli %get3A_1395, %mul3A_1402 : vector<16xi32>
    %add3A_1404 = arith.addi %mul3A_1403, %gather3A_1400 : vector<16xi32>
    %gather3A_1405 = tpu.vector_load_idx %arg12[%add3A_1404] : memref<16xf32, #tpu.memory_space<vmem>>[vector<16xi32>], vector<16xf32>,
    %min3A_1406 = arith.minimumf %min3A_1387, %gather3A_1405 : vector<16xf32>
    %mul3A_1407 = arith.constant 32 : i32
    %mul3A_1408 = arith.muli %select_n3A_30, %mul3A_1407 : i32
    %add3A_1409 = arith.constant 16 : i32
    %add3A_1410 = arith.addi %mul3A_1408, %add3A_1409 : i32
    %get3A_1411 = arith.constant 17 : i32
    %get3A_1412 = arith.index_cast %get3A_1411 : i32 to index
    %get3A_1413 = arith.index_cast %add3A_1410 : i32 to index
    %get3A_1414 = tpu.vector_load %arg8[%get3A_1412, %get3A_1413] {strides = array<i32>} : memref<50x128xi32, #tpu.memory_space<vmem>>, vector<16xi32>,
    %mul3A_1415 = arith.constant 2 : i32
    %mul3A_1416 = vector.broadcast %mul3A_1415 : i32 to vector<16xi32>
    %mul3A_1417 = arith.muli %get3A_1414, %mul3A_1416 : vector<16xi32>
    %add3A_1418 = arith.addi %mul3A_1417, %gather3A_1400 : vector<16xi32>
    %gather3A_1419 = tpu.vector_load_idx %arg13[%add3A_1418] : memref<16xi32, #tpu.memory_space<vmem>>[vector<16xi32>], vector<16xi32>,
    %mul3A_1420 = arith.constant 2 : i32
    %mul3A_1421 = vector.broadcast %mul3A_1420 : i32 to vector<16xi32>
    %mul3A_1422 = arith.muli %get3A_1414, %mul3A_1421 : vector<16xi32>
    %add3A_1423 = arith.addi %mul3A_1422, %gather3A_1419 : vector<16xi32>
    %gather3A_1424 = tpu.vector_load_idx %arg12[%add3A_1423] : memref<16xf32, #tpu.memory_space<vmem>>[vector<16xi32>], vector<16xf32>,
    %min3A_1425 = arith.minimumf %min3A_1406, %gather3A_1424 : vector<16xf32>
    %mul3A_1426 = arith.constant 32 : i32
    %mul3A_1427 = arith.muli %select_n3A_30, %mul3A_1426 : i32
    %add3A_1428 = arith.constant 16 : i32
    %add3A_1429 = arith.addi %mul3A_1427, %add3A_1428 : i32
    %get3A_1430 = arith.constant 18 : i32
    %get3A_1431 = arith.index_cast %get3A_1430 : i32 to index
    %get3A_1432 = arith.index_cast %add3A_1429 : i32 to index
    %get3A_1433 = tpu.vector_load %arg8[%get3A_1431, %get3A_1432] {strides = array<i32>} : memref<50x128xi32, #tpu.memory_space<vmem>>, vector<16xi32>,
    %mul3A_1434 = arith.constant 2 : i32
    %mul3A_1435 = vector.broadcast %mul3A_1434 : i32 to vector<16xi32>
    %mul3A_1436 = arith.muli %get3A_1433, %mul3A_1435 : vector<16xi32>
    %add3A_1437 = arith.addi %mul3A_1436, %gather3A_1419 : vector<16xi32>
    %gather3A_1438 = tpu.vector_load_idx %arg13[%add3A_1437] : memref<16xi32, #tpu.memory_space<vmem>>[vector<16xi32>], vector<16xi32>,
    %mul3A_1439 = arith.constant 2 : i32
    %mul3A_1440 = vector.broadcast %mul3A_1439 : i32 to vector<16xi32>
    %mul3A_1441 = arith.muli %get3A_1433, %mul3A_1440 : vector<16xi32>
    %add3A_1442 = arith.addi %mul3A_1441, %gather3A_1438 : vector<16xi32>
    %gather3A_1443 = tpu.vector_load_idx %arg12[%add3A_1442] : memref<16xf32, #tpu.memory_space<vmem>>[vector<16xi32>], vector<16xf32>,
    %min3A_1444 = arith.minimumf %min3A_1425, %gather3A_1443 : vector<16xf32>
    %mul3A_1445 = arith.constant 32 : i32
    %mul3A_1446 = arith.muli %select_n3A_30, %mul3A_1445 : i32
    %add3A_1447 = arith.constant 16 : i32
    %add3A_1448 = arith.addi %mul3A_1446, %add3A_1447 : i32
    %get3A_1449 = arith.constant 19 : i32
    %get3A_1450 = arith.index_cast %get3A_1449 : i32 to index
    %get3A_1451 = arith.index_cast %add3A_1448 : i32 to index
    %get3A_1452 = tpu.vector_load %arg8[%get3A_1450, %get3A_1451] {strides = array<i32>} : memref<50x128xi32, #tpu.memory_space<vmem>>, vector<16xi32>,
    %mul3A_1453 = arith.constant 2 : i32
    %mul3A_1454 = vector.broadcast %mul3A_1453 : i32 to vector<16xi32>
    %mul3A_1455 = arith.muli %get3A_1452, %mul3A_1454 : vector<16xi32>
    %add3A_1456 = arith.addi %mul3A_1455, %gather3A_1438 : vector<16xi32>
    %gather3A_1457 = tpu.vector_load_idx %arg13[%add3A_1456] : memref<16xi32, #tpu.memory_space<vmem>>[vector<16xi32>], vector<16xi32>,
    %mul3A_1458 = arith.constant 2 : i32
    %mul3A_1459 = vector.broadcast %mul3A_1458 : i32 to vector<16xi32>
    %mul3A_1460 = arith.muli %get3A_1452, %mul3A_1459 : vector<16xi32>
    %add3A_1461 = arith.addi %mul3A_1460, %gather3A_1457 : vector<16xi32>
    %gather3A_1462 = tpu.vector_load_idx %arg12[%add3A_1461] : memref<16xf32, #tpu.memory_space<vmem>>[vector<16xi32>], vector<16xf32>,
    %min3A_1463 = arith.minimumf %min3A_1444, %gather3A_1462 : vector<16xf32>
    %mul3A_1464 = arith.constant 32 : i32
    %mul3A_1465 = arith.muli %select_n3A_30, %mul3A_1464 : i32
    %add3A_1466 = arith.constant 16 : i32
    %add3A_1467 = arith.addi %mul3A_1465, %add3A_1466 : i32
    %get3A_1468 = arith.constant 20 : i32
    %get3A_1469 = arith.index_cast %get3A_1468 : i32 to index
    %get3A_1470 = arith.index_cast %add3A_1467 : i32 to index
    %get3A_1471 = tpu.vector_load %arg8[%get3A_1469, %get3A_1470] {strides = array<i32>} : memref<50x128xi32, #tpu.memory_space<vmem>>, vector<16xi32>,
    %mul3A_1472 = arith.constant 2 : i32
    %mul3A_1473 = vector.broadcast %mul3A_1472 : i32 to vector<16xi32>
    %mul3A_1474 = arith.muli %get3A_1471, %mul3A_1473 : vector<16xi32>
    %add3A_1475 = arith.addi %mul3A_1474, %gather3A_1457 : vector<16xi32>
    %gather3A_1476 = tpu.vector_load_idx %arg13[%add3A_1475] : memref<16xi32, #tpu.memory_space<vmem>>[vector<16xi32>], vector<16xi32>,
    %mul3A_1477 = arith.constant 2 : i32
    %mul3A_1478 = vector.broadcast %mul3A_1477 : i32 to vector<16xi32>
    %mul3A_1479 = arith.muli %get3A_1471, %mul3A_1478 : vector<16xi32>
    %add3A_1480 = arith.addi %mul3A_1479, %gather3A_1476 : vector<16xi32>
    %gather3A_1481 = tpu.vector_load_idx %arg12[%add3A_1480] : memref<16xf32, #tpu.memory_space<vmem>>[vector<16xi32>], vector<16xf32>,
    %min3A_1482 = arith.minimumf %min3A_1463, %gather3A_1481 : vector<16xf32>
    %mul3A_1483 = arith.constant 32 : i32
    %mul3A_1484 = arith.muli %select_n3A_30, %mul3A_1483 : i32
    %add3A_1485 = arith.constant 16 : i32
    %add3A_1486 = arith.addi %mul3A_1484, %add3A_1485 : i32
    %get3A_1487 = arith.constant 21 : i32
    %get3A_1488 = arith.index_cast %get3A_1487 : i32 to index
    %get3A_1489 = arith.index_cast %add3A_1486 : i32 to index
    %get3A_1490 = tpu.vector_load %arg8[%get3A_1488, %get3A_1489] {strides = array<i32>} : memref<50x128xi32, #tpu.memory_space<vmem>>, vector<16xi32>,
    %mul3A_1491 = arith.constant 2 : i32
    %mul3A_1492 = vector.broadcast %mul3A_1491 : i32 to vector<16xi32>
    %mul3A_1493 = arith.muli %get3A_1490, %mul3A_1492 : vector<16xi32>
    %add3A_1494 = arith.addi %mul3A_1493, %gather3A_1476 : vector<16xi32>
    %gather3A_1495 = tpu.vector_load_idx %arg13[%add3A_1494] : memref<16xi32, #tpu.memory_space<vmem>>[vector<16xi32>], vector<16xi32>,
    %mul3A_1496 = arith.constant 2 : i32
    %mul3A_1497 = vector.broadcast %mul3A_1496 : i32 to vector<16xi32>
    %mul3A_1498 = arith.muli %get3A_1490, %mul3A_1497 : vector<16xi32>
    %add3A_1499 = arith.addi %mul3A_1498, %gather3A_1495 : vector<16xi32>
    %gather3A_1500 = tpu.vector_load_idx %arg12[%add3A_1499] : memref<16xf32, #tpu.memory_space<vmem>>[vector<16xi32>], vector<16xf32>,
    %min3A_1501 = arith.minimumf %min3A_1482, %gather3A_1500 : vector<16xf32>
    %mul3A_1502 = arith.constant 32 : i32
    %mul3A_1503 = arith.muli %select_n3A_30, %mul3A_1502 : i32
    %add3A_1504 = arith.constant 16 : i32
    %add3A_1505 = arith.addi %mul3A_1503, %add3A_1504 : i32
    %get3A_1506 = arith.constant 22 : i32
    %get3A_1507 = arith.index_cast %get3A_1506 : i32 to index
    %get3A_1508 = arith.index_cast %add3A_1505 : i32 to index
    %get3A_1509 = tpu.vector_load %arg8[%get3A_1507, %get3A_1508] {strides = array<i32>} : memref<50x128xi32, #tpu.memory_space<vmem>>, vector<16xi32>,
    %mul3A_1510 = arith.constant 2 : i32
    %mul3A_1511 = vector.broadcast %mul3A_1510 : i32 to vector<16xi32>
    %mul3A_1512 = arith.muli %get3A_1509, %mul3A_1511 : vector<16xi32>
    %add3A_1513 = arith.addi %mul3A_1512, %gather3A_1495 : vector<16xi32>
    %gather3A_1514 = tpu.vector_load_idx %arg13[%add3A_1513] : memref<16xi32, #tpu.memory_space<vmem>>[vector<16xi32>], vector<16xi32>,
    %mul3A_1515 = arith.constant 2 : i32
    %mul3A_1516 = vector.broadcast %mul3A_1515 : i32 to vector<16xi32>
    %mul3A_1517 = arith.muli %get3A_1509, %mul3A_1516 : vector<16xi32>
    %add3A_1518 = arith.addi %mul3A_1517, %gather3A_1514 : vector<16xi32>
    %gather3A_1519 = tpu.vector_load_idx %arg12[%add3A_1518] : memref<16xf32, #tpu.memory_space<vmem>>[vector<16xi32>], vector<16xf32>,
    %min3A_1520 = arith.minimumf %min3A_1501, %gather3A_1519 : vector<16xf32>
    %mul3A_1521 = arith.constant 32 : i32
    %mul3A_1522 = arith.muli %select_n3A_30, %mul3A_1521 : i32
    %add3A_1523 = arith.constant 16 : i32
    %add3A_1524 = arith.addi %mul3A_1522, %add3A_1523 : i32
    %get3A_1525 = arith.constant 23 : i32
    %get3A_1526 = arith.index_cast %get3A_1525 : i32 to index
    %get3A_1527 = arith.index_cast %add3A_1524 : i32 to index
    %get3A_1528 = tpu.vector_load %arg8[%get3A_1526, %get3A_1527] {strides = array<i32>} : memref<50x128xi32, #tpu.memory_space<vmem>>, vector<16xi32>,
    %mul3A_1529 = arith.constant 2 : i32
    %mul3A_1530 = vector.broadcast %mul3A_1529 : i32 to vector<16xi32>
    %mul3A_1531 = arith.muli %get3A_1528, %mul3A_1530 : vector<16xi32>
    %add3A_1532 = arith.addi %mul3A_1531, %gather3A_1514 : vector<16xi32>
    %gather3A_1533 = tpu.vector_load_idx %arg13[%add3A_1532] : memref<16xi32, #tpu.memory_space<vmem>>[vector<16xi32>], vector<16xi32>,
    %mul3A_1534 = arith.constant 2 : i32
    %mul3A_1535 = vector.broadcast %mul3A_1534 : i32 to vector<16xi32>
    %mul3A_1536 = arith.muli %get3A_1528, %mul3A_1535 : vector<16xi32>
    %add3A_1537 = arith.addi %mul3A_1536, %gather3A_1533 : vector<16xi32>
    %gather3A_1538 = tpu.vector_load_idx %arg12[%add3A_1537] : memref<16xf32, #tpu.memory_space<vmem>>[vector<16xi32>], vector<16xf32>,
    %min3A_1539 = arith.minimumf %min3A_1520, %gather3A_1538 : vector<16xf32>
    %mul3A_1540 = arith.constant 32 : i32
    %mul3A_1541 = arith.muli %select_n3A_30, %mul3A_1540 : i32
    %add3A_1542 = arith.constant 16 : i32
    %add3A_1543 = arith.addi %mul3A_1541, %add3A_1542 : i32
    %get3A_1544 = arith.constant 24 : i32
    %get3A_1545 = arith.index_cast %get3A_1544 : i32 to index
    %get3A_1546 = arith.index_cast %add3A_1543 : i32 to index
    %get3A_1547 = tpu.vector_load %arg8[%get3A_1545, %get3A_1546] {strides = array<i32>} : memref<50x128xi32, #tpu.memory_space<vmem>>, vector<16xi32>,
    %mul3A_1548 = arith.constant 2 : i32
    %mul3A_1549 = vector.broadcast %mul3A_1548 : i32 to vector<16xi32>
    %mul3A_1550 = arith.muli %get3A_1547, %mul3A_1549 : vector<16xi32>
    %add3A_1551 = arith.addi %mul3A_1550, %gather3A_1533 : vector<16xi32>
    %gather3A_1552 = tpu.vector_load_idx %arg13[%add3A_1551] : memref<16xi32, #tpu.memory_space<vmem>>[vector<16xi32>], vector<16xi32>,
    %mul3A_1553 = arith.constant 2 : i32
    %mul3A_1554 = vector.broadcast %mul3A_1553 : i32 to vector<16xi32>
    %mul3A_1555 = arith.muli %get3A_1547, %mul3A_1554 : vector<16xi32>
    %add3A_1556 = arith.addi %mul3A_1555, %gather3A_1552 : vector<16xi32>
    %gather3A_1557 = tpu.vector_load_idx %arg12[%add3A_1556] : memref<16xf32, #tpu.memory_space<vmem>>[vector<16xi32>], vector<16xf32>,
    %min3A_1558 = arith.minimumf %min3A_1539, %gather3A_1557 : vector<16xf32>
    %mul3A_1559 = arith.constant 32 : i32
    %mul3A_1560 = arith.muli %select_n3A_30, %mul3A_1559 : i32
    %add3A_1561 = arith.constant 16 : i32
    %add3A_1562 = arith.addi %mul3A_1560, %add3A_1561 : i32
    %get3A_1563 = arith.constant 25 : i32
    %get3A_1564 = arith.index_cast %get3A_1563 : i32 to index
    %get3A_1565 = arith.index_cast %add3A_1562 : i32 to index
    %get3A_1566 = tpu.vector_load %arg8[%get3A_1564, %get3A_1565] {strides = array<i32>} : memref<50x128xi32, #tpu.memory_space<vmem>>, vector<16xi32>,
    %mul3A_1567 = arith.constant 2 : i32
    %mul3A_1568 = vector.broadcast %mul3A_1567 : i32 to vector<16xi32>
    %mul3A_1569 = arith.muli %get3A_1566, %mul3A_1568 : vector<16xi32>
    %add3A_1570 = arith.addi %mul3A_1569, %gather3A_1552 : vector<16xi32>
    %gather3A_1571 = tpu.vector_load_idx %arg13[%add3A_1570] : memref<16xi32, #tpu.memory_space<vmem>>[vector<16xi32>], vector<16xi32>,
    %mul3A_1572 = arith.constant 2 : i32
    %mul3A_1573 = vector.broadcast %mul3A_1572 : i32 to vector<16xi32>
    %mul3A_1574 = arith.muli %get3A_1566, %mul3A_1573 : vector<16xi32>
    %add3A_1575 = arith.addi %mul3A_1574, %gather3A_1571 : vector<16xi32>
    %gather3A_1576 = tpu.vector_load_idx %arg12[%add3A_1575] : memref<16xf32, #tpu.memory_space<vmem>>[vector<16xi32>], vector<16xf32>,
    %min3A_1577 = arith.minimumf %min3A_1558, %gather3A_1576 : vector<16xf32>
    %mul3A_1578 = arith.constant 32 : i32
    %mul3A_1579 = arith.muli %select_n3A_30, %mul3A_1578 : i32
    %add3A_1580 = arith.constant 16 : i32
    %add3A_1581 = arith.addi %mul3A_1579, %add3A_1580 : i32
    %get3A_1582 = arith.constant 26 : i32
    %get3A_1583 = arith.index_cast %get3A_1582 : i32 to index
    %get3A_1584 = arith.index_cast %add3A_1581 : i32 to index
    %get3A_1585 = tpu.vector_load %arg8[%get3A_1583, %get3A_1584] {strides = array<i32>} : memref<50x128xi32, #tpu.memory_space<vmem>>, vector<16xi32>,
    %mul3A_1586 = arith.constant 2 : i32
    %mul3A_1587 = vector.broadcast %mul3A_1586 : i32 to vector<16xi32>
    %mul3A_1588 = arith.muli %get3A_1585, %mul3A_1587 : vector<16xi32>
    %add3A_1589 = arith.addi %mul3A_1588, %gather3A_1571 : vector<16xi32>
    %gather3A_1590 = tpu.vector_load_idx %arg13[%add3A_1589] : memref<16xi32, #tpu.memory_space<vmem>>[vector<16xi32>], vector<16xi32>,
    %mul3A_1591 = arith.constant 2 : i32
    %mul3A_1592 = vector.broadcast %mul3A_1591 : i32 to vector<16xi32>
    %mul3A_1593 = arith.muli %get3A_1585, %mul3A_1592 : vector<16xi32>
    %add3A_1594 = arith.addi %mul3A_1593, %gather3A_1590 : vector<16xi32>
    %gather3A_1595 = tpu.vector_load_idx %arg12[%add3A_1594] : memref<16xf32, #tpu.memory_space<vmem>>[vector<16xi32>], vector<16xf32>,
    %min3A_1596 = arith.minimumf %min3A_1577, %gather3A_1595 : vector<16xf32>
    %mul3A_1597 = arith.constant 32 : i32
    %mul3A_1598 = arith.muli %select_n3A_30, %mul3A_1597 : i32
    %add3A_1599 = arith.constant 16 : i32
    %add3A_1600 = arith.addi %mul3A_1598, %add3A_1599 : i32
    %get3A_1601 = arith.constant 27 : i32
    %get3A_1602 = arith.index_cast %get3A_1601 : i32 to index
    %get3A_1603 = arith.index_cast %add3A_1600 : i32 to index
    %get3A_1604 = tpu.vector_load %arg8[%get3A_1602, %get3A_1603] {strides = array<i32>} : memref<50x128xi32, #tpu.memory_space<vmem>>, vector<16xi32>,
    %mul3A_1605 = arith.constant 2 : i32
    %mul3A_1606 = vector.broadcast %mul3A_1605 : i32 to vector<16xi32>
    %mul3A_1607 = arith.muli %get3A_1604, %mul3A_1606 : vector<16xi32>
    %add3A_1608 = arith.addi %mul3A_1607, %gather3A_1590 : vector<16xi32>
    %gather3A_1609 = tpu.vector_load_idx %arg13[%add3A_1608] : memref<16xi32, #tpu.memory_space<vmem>>[vector<16xi32>], vector<16xi32>,
    %mul3A_1610 = arith.constant 2 : i32
    %mul3A_1611 = vector.broadcast %mul3A_1610 : i32 to vector<16xi32>
    %mul3A_1612 = arith.muli %get3A_1604, %mul3A_1611 : vector<16xi32>
    %add3A_1613 = arith.addi %mul3A_1612, %gather3A_1609 : vector<16xi32>
    %gather3A_1614 = tpu.vector_load_idx %arg12[%add3A_1613] : memref<16xf32, #tpu.memory_space<vmem>>[vector<16xi32>], vector<16xf32>,
    %min3A_1615 = arith.minimumf %min3A_1596, %gather3A_1614 : vector<16xf32>
    %mul3A_1616 = arith.constant 32 : i32
    %mul3A_1617 = arith.muli %select_n3A_30, %mul3A_1616 : i32
    %add3A_1618 = arith.constant 16 : i32
    %add3A_1619 = arith.addi %mul3A_1617, %add3A_1618 : i32
    %get3A_1620 = arith.constant 28 : i32
    %get3A_1621 = arith.index_cast %get3A_1620 : i32 to index
    %get3A_1622 = arith.index_cast %add3A_1619 : i32 to index
    %get3A_1623 = tpu.vector_load %arg8[%get3A_1621, %get3A_1622] {strides = array<i32>} : memref<50x128xi32, #tpu.memory_space<vmem>>, vector<16xi32>,
    %mul3A_1624 = arith.constant 2 : i32
    %mul3A_1625 = vector.broadcast %mul3A_1624 : i32 to vector<16xi32>
    %mul3A_1626 = arith.muli %get3A_1623, %mul3A_1625 : vector<16xi32>
    %add3A_1627 = arith.addi %mul3A_1626, %gather3A_1609 : vector<16xi32>
    %gather3A_1628 = tpu.vector_load_idx %arg13[%add3A_1627] : memref<16xi32, #tpu.memory_space<vmem>>[vector<16xi32>], vector<16xi32>,
    %mul3A_1629 = arith.constant 2 : i32
    %mul3A_1630 = vector.broadcast %mul3A_1629 : i32 to vector<16xi32>
    %mul3A_1631 = arith.muli %get3A_1623, %mul3A_1630 : vector<16xi32>
    %add3A_1632 = arith.addi %mul3A_1631, %gather3A_1628 : vector<16xi32>
    %gather3A_1633 = tpu.vector_load_idx %arg12[%add3A_1632] : memref<16xf32, #tpu.memory_space<vmem>>[vector<16xi32>], vector<16xf32>,
    %min3A_1634 = arith.minimumf %min3A_1615, %gather3A_1633 : vector<16xf32>
    %mul3A_1635 = arith.constant 32 : i32
    %mul3A_1636 = arith.muli %select_n3A_30, %mul3A_1635 : i32
    %add3A_1637 = arith.constant 16 : i32
    %add3A_1638 = arith.addi %mul3A_1636, %add3A_1637 : i32
    %get3A_1639 = arith.constant 29 : i32
    %get3A_1640 = arith.index_cast %get3A_1639 : i32 to index
    %get3A_1641 = arith.index_cast %add3A_1638 : i32 to index
    %get3A_1642 = tpu.vector_load %arg8[%get3A_1640, %get3A_1641] {strides = array<i32>} : memref<50x128xi32, #tpu.memory_space<vmem>>, vector<16xi32>,
    %mul3A_1643 = arith.constant 2 : i32
    %mul3A_1644 = vector.broadcast %mul3A_1643 : i32 to vector<16xi32>
    %mul3A_1645 = arith.muli %get3A_1642, %mul3A_1644 : vector<16xi32>
    %add3A_1646 = arith.addi %mul3A_1645, %gather3A_1628 : vector<16xi32>
    %gather3A_1647 = tpu.vector_load_idx %arg13[%add3A_1646] : memref<16xi32, #tpu.memory_space<vmem>>[vector<16xi32>], vector<16xi32>,
    %mul3A_1648 = arith.constant 2 : i32
    %mul3A_1649 = vector.broadcast %mul3A_1648 : i32 to vector<16xi32>
    %mul3A_1650 = arith.muli %get3A_1642, %mul3A_1649 : vector<16xi32>
    %add3A_1651 = arith.addi %mul3A_1650, %gather3A_1647 : vector<16xi32>
    %gather3A_1652 = tpu.vector_load_idx %arg12[%add3A_1651] : memref<16xf32, #tpu.memory_space<vmem>>[vector<16xi32>], vector<16xf32>,
    %min3A_1653 = arith.minimumf %min3A_1634, %gather3A_1652 : vector<16xf32>
    %mul3A_1654 = arith.constant 32 : i32
    %mul3A_1655 = arith.muli %select_n3A_30, %mul3A_1654 : i32
    %add3A_1656 = arith.constant 16 : i32
    %add3A_1657 = arith.addi %mul3A_1655, %add3A_1656 : i32
    %get3A_1658 = arith.constant 30 : i32
    %get3A_1659 = arith.index_cast %get3A_1658 : i32 to index
    %get3A_1660 = arith.index_cast %add3A_1657 : i32 to index
    %get3A_1661 = tpu.vector_load %arg8[%get3A_1659, %get3A_1660] {strides = array<i32>} : memref<50x128xi32, #tpu.memory_space<vmem>>, vector<16xi32>,
    %mul3A_1662 = arith.constant 2 : i32
    %mul3A_1663 = vector.broadcast %mul3A_1662 : i32 to vector<16xi32>
    %mul3A_1664 = arith.muli %get3A_1661, %mul3A_1663 : vector<16xi32>
    %add3A_1665 = arith.addi %mul3A_1664, %gather3A_1647 : vector<16xi32>
    %gather3A_1666 = tpu.vector_load_idx %arg13[%add3A_1665] : memref<16xi32, #tpu.memory_space<vmem>>[vector<16xi32>], vector<16xi32>,
    %mul3A_1667 = arith.constant 2 : i32
    %mul3A_1668 = vector.broadcast %mul3A_1667 : i32 to vector<16xi32>
    %mul3A_1669 = arith.muli %get3A_1661, %mul3A_1668 : vector<16xi32>
    %add3A_1670 = arith.addi %mul3A_1669, %gather3A_1666 : vector<16xi32>
    %gather3A_1671 = tpu.vector_load_idx %arg12[%add3A_1670] : memref<16xf32, #tpu.memory_space<vmem>>[vector<16xi32>], vector<16xf32>,
    %min3A_1672 = arith.minimumf %min3A_1653, %gather3A_1671 : vector<16xf32>
    %mul3A_1673 = arith.constant 32 : i32
    %mul3A_1674 = arith.muli %select_n3A_30, %mul3A_1673 : i32
    %add3A_1675 = arith.constant 16 : i32
    %add3A_1676 = arith.addi %mul3A_1674, %add3A_1675 : i32
    %get3A_1677 = arith.constant 31 : i32
    %get3A_1678 = arith.index_cast %get3A_1677 : i32 to index
    %get3A_1679 = arith.index_cast %add3A_1676 : i32 to index
    %get3A_1680 = tpu.vector_load %arg8[%get3A_1678, %get3A_1679] {strides = array<i32>} : memref<50x128xi32, #tpu.memory_space<vmem>>, vector<16xi32>,
    %mul3A_1681 = arith.constant 2 : i32
    %mul3A_1682 = vector.broadcast %mul3A_1681 : i32 to vector<16xi32>
    %mul3A_1683 = arith.muli %get3A_1680, %mul3A_1682 : vector<16xi32>
    %add3A_1684 = arith.addi %mul3A_1683, %gather3A_1666 : vector<16xi32>
    %gather3A_1685 = tpu.vector_load_idx %arg13[%add3A_1684] : memref<16xi32, #tpu.memory_space<vmem>>[vector<16xi32>], vector<16xi32>,
    %mul3A_1686 = arith.constant 2 : i32
    %mul3A_1687 = vector.broadcast %mul3A_1686 : i32 to vector<16xi32>
    %mul3A_1688 = arith.muli %get3A_1680, %mul3A_1687 : vector<16xi32>
    %add3A_1689 = arith.addi %mul3A_1688, %gather3A_1685 : vector<16xi32>
    %gather3A_1690 = tpu.vector_load_idx %arg12[%add3A_1689] : memref<16xf32, #tpu.memory_space<vmem>>[vector<16xi32>], vector<16xf32>,
    %min3A_1691 = arith.minimumf %min3A_1672, %gather3A_1690 : vector<16xf32>
    %mul3A_1692 = arith.constant 32 : i32
    %mul3A_1693 = arith.muli %select_n3A_30, %mul3A_1692 : i32
    %add3A_1694 = arith.constant 16 : i32
    %add3A_1695 = arith.addi %mul3A_1693, %add3A_1694 : i32
    %get3A_1696 = arith.constant 32 : i32
    %get3A_1697 = arith.index_cast %get3A_1696 : i32 to index
    %get3A_1698 = arith.index_cast %add3A_1695 : i32 to index
    %get3A_1699 = tpu.vector_load %arg8[%get3A_1697, %get3A_1698] {strides = array<i32>} : memref<50x128xi32, #tpu.memory_space<vmem>>, vector<16xi32>,
    %mul3A_1700 = arith.constant 2 : i32
    %mul3A_1701 = vector.broadcast %mul3A_1700 : i32 to vector<16xi32>
    %mul3A_1702 = arith.muli %get3A_1699, %mul3A_1701 : vector<16xi32>
    %add3A_1703 = arith.addi %mul3A_1702, %gather3A_1685 : vector<16xi32>
    %gather3A_1704 = tpu.vector_load_idx %arg13[%add3A_1703] : memref<16xi32, #tpu.memory_space<vmem>>[vector<16xi32>], vector<16xi32>,
    %mul3A_1705 = arith.constant 2 : i32
    %mul3A_1706 = vector.broadcast %mul3A_1705 : i32 to vector<16xi32>
    %mul3A_1707 = arith.muli %get3A_1699, %mul3A_1706 : vector<16xi32>
    %add3A_1708 = arith.addi %mul3A_1707, %gather3A_1704 : vector<16xi32>
    %gather3A_1709 = tpu.vector_load_idx %arg12[%add3A_1708] : memref<16xf32, #tpu.memory_space<vmem>>[vector<16xi32>], vector<16xf32>,
    %min3A_1710 = arith.minimumf %min3A_1691, %gather3A_1709 : vector<16xf32>
    %mul3A_1711 = arith.constant 32 : i32
    %mul3A_1712 = arith.muli %select_n3A_30, %mul3A_1711 : i32
    %add3A_1713 = arith.constant 16 : i32
    %add3A_1714 = arith.addi %mul3A_1712, %add3A_1713 : i32
    %get3A_1715 = arith.constant 33 : i32
    %get3A_1716 = arith.index_cast %get3A_1715 : i32 to index
    %get3A_1717 = arith.index_cast %add3A_1714 : i32 to index
    %get3A_1718 = tpu.vector_load %arg8[%get3A_1716, %get3A_1717] {strides = array<i32>} : memref<50x128xi32, #tpu.memory_space<vmem>>, vector<16xi32>,
    %mul3A_1719 = arith.constant 2 : i32
    %mul3A_1720 = vector.broadcast %mul3A_1719 : i32 to vector<16xi32>
    %mul3A_1721 = arith.muli %get3A_1718, %mul3A_1720 : vector<16xi32>
    %add3A_1722 = arith.addi %mul3A_1721, %gather3A_1704 : vector<16xi32>
    %gather3A_1723 = tpu.vector_load_idx %arg13[%add3A_1722] : memref<16xi32, #tpu.memory_space<vmem>>[vector<16xi32>], vector<16xi32>,
    %mul3A_1724 = arith.constant 2 : i32
    %mul3A_1725 = vector.broadcast %mul3A_1724 : i32 to vector<16xi32>
    %mul3A_1726 = arith.muli %get3A_1718, %mul3A_1725 : vector<16xi32>
    %add3A_1727 = arith.addi %mul3A_1726, %gather3A_1723 : vector<16xi32>
    %gather3A_1728 = tpu.vector_load_idx %arg12[%add3A_1727] : memref<16xf32, #tpu.memory_space<vmem>>[vector<16xi32>], vector<16xf32>,
    %min3A_1729 = arith.minimumf %min3A_1710, %gather3A_1728 : vector<16xf32>
    %mul3A_1730 = arith.constant 32 : i32
    %mul3A_1731 = arith.muli %select_n3A_30, %mul3A_1730 : i32
    %add3A_1732 = arith.constant 16 : i32
    %add3A_1733 = arith.addi %mul3A_1731, %add3A_1732 : i32
    %get3A_1734 = arith.constant 34 : i32
    %get3A_1735 = arith.index_cast %get3A_1734 : i32 to index
    %get3A_1736 = arith.index_cast %add3A_1733 : i32 to index
    %get3A_1737 = tpu.vector_load %arg8[%get3A_1735, %get3A_1736] {strides = array<i32>} : memref<50x128xi32, #tpu.memory_space<vmem>>, vector<16xi32>,
    %mul3A_1738 = arith.constant 2 : i32
    %mul3A_1739 = vector.broadcast %mul3A_1738 : i32 to vector<16xi32>
    %mul3A_1740 = arith.muli %get3A_1737, %mul3A_1739 : vector<16xi32>
    %add3A_1741 = arith.addi %mul3A_1740, %gather3A_1723 : vector<16xi32>
    %gather3A_1742 = tpu.vector_load_idx %arg13[%add3A_1741] : memref<16xi32, #tpu.memory_space<vmem>>[vector<16xi32>], vector<16xi32>,
    %mul3A_1743 = arith.constant 2 : i32
    %mul3A_1744 = vector.broadcast %mul3A_1743 : i32 to vector<16xi32>
    %mul3A_1745 = arith.muli %get3A_1737, %mul3A_1744 : vector<16xi32>
    %add3A_1746 = arith.addi %mul3A_1745, %gather3A_1742 : vector<16xi32>
    %gather3A_1747 = tpu.vector_load_idx %arg12[%add3A_1746] : memref<16xf32, #tpu.memory_space<vmem>>[vector<16xi32>], vector<16xf32>,
    %min3A_1748 = arith.minimumf %min3A_1729, %gather3A_1747 : vector<16xf32>
    %mul3A_1749 = arith.constant 32 : i32
    %mul3A_1750 = arith.muli %select_n3A_30, %mul3A_1749 : i32
    %add3A_1751 = arith.constant 16 : i32
    %add3A_1752 = arith.addi %mul3A_1750, %add3A_1751 : i32
    %get3A_1753 = arith.constant 35 : i32
    %get3A_1754 = arith.index_cast %get3A_1753 : i32 to index
    %get3A_1755 = arith.index_cast %add3A_1752 : i32 to index
    %get3A_1756 = tpu.vector_load %arg8[%get3A_1754, %get3A_1755] {strides = array<i32>} : memref<50x128xi32, #tpu.memory_space<vmem>>, vector<16xi32>,
    %mul3A_1757 = arith.constant 2 : i32
    %mul3A_1758 = vector.broadcast %mul3A_1757 : i32 to vector<16xi32>
    %mul3A_1759 = arith.muli %get3A_1756, %mul3A_1758 : vector<16xi32>
    %add3A_1760 = arith.addi %mul3A_1759, %gather3A_1742 : vector<16xi32>
    %gather3A_1761 = tpu.vector_load_idx %arg13[%add3A_1760] : memref<16xi32, #tpu.memory_space<vmem>>[vector<16xi32>], vector<16xi32>,
    %mul3A_1762 = arith.constant 2 : i32
    %mul3A_1763 = vector.broadcast %mul3A_1762 : i32 to vector<16xi32>
    %mul3A_1764 = arith.muli %get3A_1756, %mul3A_1763 : vector<16xi32>
    %add3A_1765 = arith.addi %mul3A_1764, %gather3A_1761 : vector<16xi32>
    %gather3A_1766 = tpu.vector_load_idx %arg12[%add3A_1765] : memref<16xf32, #tpu.memory_space<vmem>>[vector<16xi32>], vector<16xf32>,
    %min3A_1767 = arith.minimumf %min3A_1748, %gather3A_1766 : vector<16xf32>
    %mul3A_1768 = arith.constant 32 : i32
    %mul3A_1769 = arith.muli %select_n3A_30, %mul3A_1768 : i32
    %add3A_1770 = arith.constant 16 : i32
    %add3A_1771 = arith.addi %mul3A_1769, %add3A_1770 : i32
    %get3A_1772 = arith.constant 36 : i32
    %get3A_1773 = arith.index_cast %get3A_1772 : i32 to index
    %get3A_1774 = arith.index_cast %add3A_1771 : i32 to index
    %get3A_1775 = tpu.vector_load %arg8[%get3A_1773, %get3A_1774] {strides = array<i32>} : memref<50x128xi32, #tpu.memory_space<vmem>>, vector<16xi32>,
    %mul3A_1776 = arith.constant 2 : i32
    %mul3A_1777 = vector.broadcast %mul3A_1776 : i32 to vector<16xi32>
    %mul3A_1778 = arith.muli %get3A_1775, %mul3A_1777 : vector<16xi32>
    %add3A_1779 = arith.addi %mul3A_1778, %gather3A_1761 : vector<16xi32>
    %gather3A_1780 = tpu.vector_load_idx %arg13[%add3A_1779] : memref<16xi32, #tpu.memory_space<vmem>>[vector<16xi32>], vector<16xi32>,
    %mul3A_1781 = arith.constant 2 : i32
    %mul3A_1782 = vector.broadcast %mul3A_1781 : i32 to vector<16xi32>
    %mul3A_1783 = arith.muli %get3A_1775, %mul3A_1782 : vector<16xi32>
    %add3A_1784 = arith.addi %mul3A_1783, %gather3A_1780 : vector<16xi32>
    %gather3A_1785 = tpu.vector_load_idx %arg12[%add3A_1784] : memref<16xf32, #tpu.memory_space<vmem>>[vector<16xi32>], vector<16xf32>,
    %min3A_1786 = arith.minimumf %min3A_1767, %gather3A_1785 : vector<16xf32>
    %mul3A_1787 = arith.constant 32 : i32
    %mul3A_1788 = arith.muli %select_n3A_30, %mul3A_1787 : i32
    %add3A_1789 = arith.constant 16 : i32
    %add3A_1790 = arith.addi %mul3A_1788, %add3A_1789 : i32
    %get3A_1791 = arith.constant 37 : i32
    %get3A_1792 = arith.index_cast %get3A_1791 : i32 to index
    %get3A_1793 = arith.index_cast %add3A_1790 : i32 to index
    %get3A_1794 = tpu.vector_load %arg8[%get3A_1792, %get3A_1793] {strides = array<i32>} : memref<50x128xi32, #tpu.memory_space<vmem>>, vector<16xi32>,
    %mul3A_1795 = arith.constant 2 : i32
    %mul3A_1796 = vector.broadcast %mul3A_1795 : i32 to vector<16xi32>
    %mul3A_1797 = arith.muli %get3A_1794, %mul3A_1796 : vector<16xi32>
    %add3A_1798 = arith.addi %mul3A_1797, %gather3A_1780 : vector<16xi32>
    %gather3A_1799 = tpu.vector_load_idx %arg13[%add3A_1798] : memref<16xi32, #tpu.memory_space<vmem>>[vector<16xi32>], vector<16xi32>,
    %mul3A_1800 = arith.constant 2 : i32
    %mul3A_1801 = vector.broadcast %mul3A_1800 : i32 to vector<16xi32>
    %mul3A_1802 = arith.muli %get3A_1794, %mul3A_1801 : vector<16xi32>
    %add3A_1803 = arith.addi %mul3A_1802, %gather3A_1799 : vector<16xi32>
    %gather3A_1804 = tpu.vector_load_idx %arg12[%add3A_1803] : memref<16xf32, #tpu.memory_space<vmem>>[vector<16xi32>], vector<16xf32>,
    %min3A_1805 = arith.minimumf %min3A_1786, %gather3A_1804 : vector<16xf32>
    %mul3A_1806 = arith.constant 32 : i32
    %mul3A_1807 = arith.muli %select_n3A_30, %mul3A_1806 : i32
    %add3A_1808 = arith.constant 16 : i32
    %add3A_1809 = arith.addi %mul3A_1807, %add3A_1808 : i32
    %get3A_1810 = arith.constant 38 : i32
    %get3A_1811 = arith.index_cast %get3A_1810 : i32 to index
    %get3A_1812 = arith.index_cast %add3A_1809 : i32 to index
    %get3A_1813 = tpu.vector_load %arg8[%get3A_1811, %get3A_1812] {strides = array<i32>} : memref<50x128xi32, #tpu.memory_space<vmem>>, vector<16xi32>,
    %mul3A_1814 = arith.constant 2 : i32
    %mul3A_1815 = vector.broadcast %mul3A_1814 : i32 to vector<16xi32>
    %mul3A_1816 = arith.muli %get3A_1813, %mul3A_1815 : vector<16xi32>
    %add3A_1817 = arith.addi %mul3A_1816, %gather3A_1799 : vector<16xi32>
    %gather3A_1818 = tpu.vector_load_idx %arg13[%add3A_1817] : memref<16xi32, #tpu.memory_space<vmem>>[vector<16xi32>], vector<16xi32>,
    %mul3A_1819 = arith.constant 2 : i32
    %mul3A_1820 = vector.broadcast %mul3A_1819 : i32 to vector<16xi32>
    %mul3A_1821 = arith.muli %get3A_1813, %mul3A_1820 : vector<16xi32>
    %add3A_1822 = arith.addi %mul3A_1821, %gather3A_1818 : vector<16xi32>
    %gather3A_1823 = tpu.vector_load_idx %arg12[%add3A_1822] : memref<16xf32, #tpu.memory_space<vmem>>[vector<16xi32>], vector<16xf32>,
    %min3A_1824 = arith.minimumf %min3A_1805, %gather3A_1823 : vector<16xf32>
    %mul3A_1825 = arith.constant 32 : i32
    %mul3A_1826 = arith.muli %select_n3A_30, %mul3A_1825 : i32
    %add3A_1827 = arith.constant 16 : i32
    %add3A_1828 = arith.addi %mul3A_1826, %add3A_1827 : i32
    %get3A_1829 = arith.constant 39 : i32
    %get3A_1830 = arith.index_cast %get3A_1829 : i32 to index
    %get3A_1831 = arith.index_cast %add3A_1828 : i32 to index
    %get3A_1832 = tpu.vector_load %arg8[%get3A_1830, %get3A_1831] {strides = array<i32>} : memref<50x128xi32, #tpu.memory_space<vmem>>, vector<16xi32>,
    %mul3A_1833 = arith.constant 2 : i32
    %mul3A_1834 = vector.broadcast %mul3A_1833 : i32 to vector<16xi32>
    %mul3A_1835 = arith.muli %get3A_1832, %mul3A_1834 : vector<16xi32>
    %add3A_1836 = arith.addi %mul3A_1835, %gather3A_1818 : vector<16xi32>
    %gather3A_1837 = tpu.vector_load_idx %arg13[%add3A_1836] : memref<16xi32, #tpu.memory_space<vmem>>[vector<16xi32>], vector<16xi32>,
    %mul3A_1838 = arith.constant 2 : i32
    %mul3A_1839 = vector.broadcast %mul3A_1838 : i32 to vector<16xi32>
    %mul3A_1840 = arith.muli %get3A_1832, %mul3A_1839 : vector<16xi32>
    %add3A_1841 = arith.addi %mul3A_1840, %gather3A_1837 : vector<16xi32>
    %gather3A_1842 = tpu.vector_load_idx %arg12[%add3A_1841] : memref<16xf32, #tpu.memory_space<vmem>>[vector<16xi32>], vector<16xf32>,
    %min3A_1843 = arith.minimumf %min3A_1824, %gather3A_1842 : vector<16xf32>
    %mul3A_1844 = arith.constant 32 : i32
    %mul3A_1845 = arith.muli %select_n3A_30, %mul3A_1844 : i32
    %add3A_1846 = arith.constant 16 : i32
    %add3A_1847 = arith.addi %mul3A_1845, %add3A_1846 : i32
    %get3A_1848 = arith.constant 40 : i32
    %get3A_1849 = arith.index_cast %get3A_1848 : i32 to index
    %get3A_1850 = arith.index_cast %add3A_1847 : i32 to index
    %get3A_1851 = tpu.vector_load %arg8[%get3A_1849, %get3A_1850] {strides = array<i32>} : memref<50x128xi32, #tpu.memory_space<vmem>>, vector<16xi32>,
    %mul3A_1852 = arith.constant 2 : i32
    %mul3A_1853 = vector.broadcast %mul3A_1852 : i32 to vector<16xi32>
    %mul3A_1854 = arith.muli %get3A_1851, %mul3A_1853 : vector<16xi32>
    %add3A_1855 = arith.addi %mul3A_1854, %gather3A_1837 : vector<16xi32>
    %gather3A_1856 = tpu.vector_load_idx %arg13[%add3A_1855] : memref<16xi32, #tpu.memory_space<vmem>>[vector<16xi32>], vector<16xi32>,
    %mul3A_1857 = arith.constant 2 : i32
    %mul3A_1858 = vector.broadcast %mul3A_1857 : i32 to vector<16xi32>
    %mul3A_1859 = arith.muli %get3A_1851, %mul3A_1858 : vector<16xi32>
    %add3A_1860 = arith.addi %mul3A_1859, %gather3A_1856 : vector<16xi32>
    %gather3A_1861 = tpu.vector_load_idx %arg12[%add3A_1860] : memref<16xf32, #tpu.memory_space<vmem>>[vector<16xi32>], vector<16xf32>,
    %min3A_1862 = arith.minimumf %min3A_1843, %gather3A_1861 : vector<16xf32>
    %mul3A_1863 = arith.constant 32 : i32
    %mul3A_1864 = arith.muli %select_n3A_30, %mul3A_1863 : i32
    %add3A_1865 = arith.constant 16 : i32
    %add3A_1866 = arith.addi %mul3A_1864, %add3A_1865 : i32
    %get3A_1867 = arith.constant 41 : i32
    %get3A_1868 = arith.index_cast %get3A_1867 : i32 to index
    %get3A_1869 = arith.index_cast %add3A_1866 : i32 to index
    %get3A_1870 = tpu.vector_load %arg8[%get3A_1868, %get3A_1869] {strides = array<i32>} : memref<50x128xi32, #tpu.memory_space<vmem>>, vector<16xi32>,
    %mul3A_1871 = arith.constant 2 : i32
    %mul3A_1872 = vector.broadcast %mul3A_1871 : i32 to vector<16xi32>
    %mul3A_1873 = arith.muli %get3A_1870, %mul3A_1872 : vector<16xi32>
    %add3A_1874 = arith.addi %mul3A_1873, %gather3A_1856 : vector<16xi32>
    %gather3A_1875 = tpu.vector_load_idx %arg13[%add3A_1874] : memref<16xi32, #tpu.memory_space<vmem>>[vector<16xi32>], vector<16xi32>,
    %mul3A_1876 = arith.constant 2 : i32
    %mul3A_1877 = vector.broadcast %mul3A_1876 : i32 to vector<16xi32>
    %mul3A_1878 = arith.muli %get3A_1870, %mul3A_1877 : vector<16xi32>
    %add3A_1879 = arith.addi %mul3A_1878, %gather3A_1875 : vector<16xi32>
    %gather3A_1880 = tpu.vector_load_idx %arg12[%add3A_1879] : memref<16xf32, #tpu.memory_space<vmem>>[vector<16xi32>], vector<16xf32>,
    %min3A_1881 = arith.minimumf %min3A_1862, %gather3A_1880 : vector<16xf32>
    %mul3A_1882 = arith.constant 32 : i32
    %mul3A_1883 = arith.muli %select_n3A_30, %mul3A_1882 : i32
    %add3A_1884 = arith.constant 16 : i32
    %add3A_1885 = arith.addi %mul3A_1883, %add3A_1884 : i32
    %get3A_1886 = arith.constant 42 : i32
    %get3A_1887 = arith.index_cast %get3A_1886 : i32 to index
    %get3A_1888 = arith.index_cast %add3A_1885 : i32 to index
    %get3A_1889 = tpu.vector_load %arg8[%get3A_1887, %get3A_1888] {strides = array<i32>} : memref<50x128xi32, #tpu.memory_space<vmem>>, vector<16xi32>,
    %mul3A_1890 = arith.constant 2 : i32
    %mul3A_1891 = vector.broadcast %mul3A_1890 : i32 to vector<16xi32>
    %mul3A_1892 = arith.muli %get3A_1889, %mul3A_1891 : vector<16xi32>
    %add3A_1893 = arith.addi %mul3A_1892, %gather3A_1875 : vector<16xi32>
    %gather3A_1894 = tpu.vector_load_idx %arg13[%add3A_1893] : memref<16xi32, #tpu.memory_space<vmem>>[vector<16xi32>], vector<16xi32>,
    %mul3A_1895 = arith.constant 2 : i32
    %mul3A_1896 = vector.broadcast %mul3A_1895 : i32 to vector<16xi32>
    %mul3A_1897 = arith.muli %get3A_1889, %mul3A_1896 : vector<16xi32>
    %add3A_1898 = arith.addi %mul3A_1897, %gather3A_1894 : vector<16xi32>
    %gather3A_1899 = tpu.vector_load_idx %arg12[%add3A_1898] : memref<16xf32, #tpu.memory_space<vmem>>[vector<16xi32>], vector<16xf32>,
    %min3A_1900 = arith.minimumf %min3A_1881, %gather3A_1899 : vector<16xf32>
    %mul3A_1901 = arith.constant 32 : i32
    %mul3A_1902 = arith.muli %select_n3A_30, %mul3A_1901 : i32
    %add3A_1903 = arith.constant 16 : i32
    %add3A_1904 = arith.addi %mul3A_1902, %add3A_1903 : i32
    %get3A_1905 = arith.constant 43 : i32
    %get3A_1906 = arith.index_cast %get3A_1905 : i32 to index
    %get3A_1907 = arith.index_cast %add3A_1904 : i32 to index
    %get3A_1908 = tpu.vector_load %arg8[%get3A_1906, %get3A_1907] {strides = array<i32>} : memref<50x128xi32, #tpu.memory_space<vmem>>, vector<16xi32>,
    %mul3A_1909 = arith.constant 2 : i32
    %mul3A_1910 = vector.broadcast %mul3A_1909 : i32 to vector<16xi32>
    %mul3A_1911 = arith.muli %get3A_1908, %mul3A_1910 : vector<16xi32>
    %add3A_1912 = arith.addi %mul3A_1911, %gather3A_1894 : vector<16xi32>
    %gather3A_1913 = tpu.vector_load_idx %arg13[%add3A_1912] : memref<16xi32, #tpu.memory_space<vmem>>[vector<16xi32>], vector<16xi32>,
    %mul3A_1914 = arith.constant 2 : i32
    %mul3A_1915 = vector.broadcast %mul3A_1914 : i32 to vector<16xi32>
    %mul3A_1916 = arith.muli %get3A_1908, %mul3A_1915 : vector<16xi32>
    %add3A_1917 = arith.addi %mul3A_1916, %gather3A_1913 : vector<16xi32>
    %gather3A_1918 = tpu.vector_load_idx %arg12[%add3A_1917] : memref<16xf32, #tpu.memory_space<vmem>>[vector<16xi32>], vector<16xf32>,
    %min3A_1919 = arith.minimumf %min3A_1900, %gather3A_1918 : vector<16xf32>
    %mul3A_1920 = arith.constant 32 : i32
    %mul3A_1921 = arith.muli %select_n3A_30, %mul3A_1920 : i32
    %add3A_1922 = arith.constant 16 : i32
    %add3A_1923 = arith.addi %mul3A_1921, %add3A_1922 : i32
    %get3A_1924 = arith.constant 44 : i32
    %get3A_1925 = arith.index_cast %get3A_1924 : i32 to index
    %get3A_1926 = arith.index_cast %add3A_1923 : i32 to index
    %get3A_1927 = tpu.vector_load %arg8[%get3A_1925, %get3A_1926] {strides = array<i32>} : memref<50x128xi32, #tpu.memory_space<vmem>>, vector<16xi32>,
    %mul3A_1928 = arith.constant 2 : i32
    %mul3A_1929 = vector.broadcast %mul3A_1928 : i32 to vector<16xi32>
    %mul3A_1930 = arith.muli %get3A_1927, %mul3A_1929 : vector<16xi32>
    %add3A_1931 = arith.addi %mul3A_1930, %gather3A_1913 : vector<16xi32>
    %gather3A_1932 = tpu.vector_load_idx %arg13[%add3A_1931] : memref<16xi32, #tpu.memory_space<vmem>>[vector<16xi32>], vector<16xi32>,
    %mul3A_1933 = arith.constant 2 : i32
    %mul3A_1934 = vector.broadcast %mul3A_1933 : i32 to vector<16xi32>
    %mul3A_1935 = arith.muli %get3A_1927, %mul3A_1934 : vector<16xi32>
    %add3A_1936 = arith.addi %mul3A_1935, %gather3A_1932 : vector<16xi32>
    %gather3A_1937 = tpu.vector_load_idx %arg12[%add3A_1936] : memref<16xf32, #tpu.memory_space<vmem>>[vector<16xi32>], vector<16xf32>,
    %min3A_1938 = arith.minimumf %min3A_1919, %gather3A_1937 : vector<16xf32>
    %mul3A_1939 = arith.constant 32 : i32
    %mul3A_1940 = arith.muli %select_n3A_30, %mul3A_1939 : i32
    %add3A_1941 = arith.constant 16 : i32
    %add3A_1942 = arith.addi %mul3A_1940, %add3A_1941 : i32
    %get3A_1943 = arith.constant 45 : i32
    %get3A_1944 = arith.index_cast %get3A_1943 : i32 to index
    %get3A_1945 = arith.index_cast %add3A_1942 : i32 to index
    %get3A_1946 = tpu.vector_load %arg8[%get3A_1944, %get3A_1945] {strides = array<i32>} : memref<50x128xi32, #tpu.memory_space<vmem>>, vector<16xi32>,
    %mul3A_1947 = arith.constant 2 : i32
    %mul3A_1948 = vector.broadcast %mul3A_1947 : i32 to vector<16xi32>
    %mul3A_1949 = arith.muli %get3A_1946, %mul3A_1948 : vector<16xi32>
    %add3A_1950 = arith.addi %mul3A_1949, %gather3A_1932 : vector<16xi32>
    %gather3A_1951 = tpu.vector_load_idx %arg13[%add3A_1950] : memref<16xi32, #tpu.memory_space<vmem>>[vector<16xi32>], vector<16xi32>,
    %mul3A_1952 = arith.constant 2 : i32
    %mul3A_1953 = vector.broadcast %mul3A_1952 : i32 to vector<16xi32>
    %mul3A_1954 = arith.muli %get3A_1946, %mul3A_1953 : vector<16xi32>
    %add3A_1955 = arith.addi %mul3A_1954, %gather3A_1951 : vector<16xi32>
    %gather3A_1956 = tpu.vector_load_idx %arg12[%add3A_1955] : memref<16xf32, #tpu.memory_space<vmem>>[vector<16xi32>], vector<16xf32>,
    %min3A_1957 = arith.minimumf %min3A_1938, %gather3A_1956 : vector<16xf32>
    %mul3A_1958 = arith.constant 32 : i32
    %mul3A_1959 = arith.muli %select_n3A_30, %mul3A_1958 : i32
    %add3A_1960 = arith.constant 16 : i32
    %add3A_1961 = arith.addi %mul3A_1959, %add3A_1960 : i32
    %get3A_1962 = arith.constant 46 : i32
    %get3A_1963 = arith.index_cast %get3A_1962 : i32 to index
    %get3A_1964 = arith.index_cast %add3A_1961 : i32 to index
    %get3A_1965 = tpu.vector_load %arg8[%get3A_1963, %get3A_1964] {strides = array<i32>} : memref<50x128xi32, #tpu.memory_space<vmem>>, vector<16xi32>,
    %mul3A_1966 = arith.constant 2 : i32
    %mul3A_1967 = vector.broadcast %mul3A_1966 : i32 to vector<16xi32>
    %mul3A_1968 = arith.muli %get3A_1965, %mul3A_1967 : vector<16xi32>
    %add3A_1969 = arith.addi %mul3A_1968, %gather3A_1951 : vector<16xi32>
    %gather3A_1970 = tpu.vector_load_idx %arg13[%add3A_1969] : memref<16xi32, #tpu.memory_space<vmem>>[vector<16xi32>], vector<16xi32>,
    %mul3A_1971 = arith.constant 2 : i32
    %mul3A_1972 = vector.broadcast %mul3A_1971 : i32 to vector<16xi32>
    %mul3A_1973 = arith.muli %get3A_1965, %mul3A_1972 : vector<16xi32>
    %add3A_1974 = arith.addi %mul3A_1973, %gather3A_1970 : vector<16xi32>
    %gather3A_1975 = tpu.vector_load_idx %arg12[%add3A_1974] : memref<16xf32, #tpu.memory_space<vmem>>[vector<16xi32>], vector<16xf32>,
    %min3A_1976 = arith.minimumf %min3A_1957, %gather3A_1975 : vector<16xf32>
    %mul3A_1977 = arith.constant 32 : i32
    %mul3A_1978 = arith.muli %select_n3A_30, %mul3A_1977 : i32
    %add3A_1979 = arith.constant 16 : i32
    %add3A_1980 = arith.addi %mul3A_1978, %add3A_1979 : i32
    %get3A_1981 = arith.constant 47 : i32
    %get3A_1982 = arith.index_cast %get3A_1981 : i32 to index
    %get3A_1983 = arith.index_cast %add3A_1980 : i32 to index
    %get3A_1984 = tpu.vector_load %arg8[%get3A_1982, %get3A_1983] {strides = array<i32>} : memref<50x128xi32, #tpu.memory_space<vmem>>, vector<16xi32>,
    %mul3A_1985 = arith.constant 2 : i32
    %mul3A_1986 = vector.broadcast %mul3A_1985 : i32 to vector<16xi32>
    %mul3A_1987 = arith.muli %get3A_1984, %mul3A_1986 : vector<16xi32>
    %add3A_1988 = arith.addi %mul3A_1987, %gather3A_1970 : vector<16xi32>
    %gather3A_1989 = tpu.vector_load_idx %arg13[%add3A_1988] : memref<16xi32, #tpu.memory_space<vmem>>[vector<16xi32>], vector<16xi32>,
    %mul3A_1990 = arith.constant 2 : i32
    %mul3A_1991 = vector.broadcast %mul3A_1990 : i32 to vector<16xi32>
    %mul3A_1992 = arith.muli %get3A_1984, %mul3A_1991 : vector<16xi32>
    %add3A_1993 = arith.addi %mul3A_1992, %gather3A_1989 : vector<16xi32>
    %gather3A_1994 = tpu.vector_load_idx %arg12[%add3A_1993] : memref<16xf32, #tpu.memory_space<vmem>>[vector<16xi32>], vector<16xf32>,
    %min3A_1995 = arith.minimumf %min3A_1976, %gather3A_1994 : vector<16xf32>
    %mul3A_1996 = arith.constant 32 : i32
    %mul3A_1997 = arith.muli %select_n3A_30, %mul3A_1996 : i32
    %add3A_1998 = arith.constant 16 : i32
    %add3A_1999 = arith.addi %mul3A_1997, %add3A_1998 : i32
    %get3A_2000 = arith.constant 48 : i32
    %get3A_2001 = arith.index_cast %get3A_2000 : i32 to index
    %get3A_2002 = arith.index_cast %add3A_1999 : i32 to index
    %get3A_2003 = tpu.vector_load %arg8[%get3A_2001, %get3A_2002] {strides = array<i32>} : memref<50x128xi32, #tpu.memory_space<vmem>>, vector<16xi32>,
    %mul3A_2004 = arith.constant 2 : i32
    %mul3A_2005 = vector.broadcast %mul3A_2004 : i32 to vector<16xi32>
    %mul3A_2006 = arith.muli %get3A_2003, %mul3A_2005 : vector<16xi32>
    %add3A_2007 = arith.addi %mul3A_2006, %gather3A_1989 : vector<16xi32>
    %gather3A_2008 = tpu.vector_load_idx %arg13[%add3A_2007] : memref<16xi32, #tpu.memory_space<vmem>>[vector<16xi32>], vector<16xi32>,
    %mul3A_2009 = arith.constant 2 : i32
    %mul3A_2010 = vector.broadcast %mul3A_2009 : i32 to vector<16xi32>
    %mul3A_2011 = arith.muli %get3A_2003, %mul3A_2010 : vector<16xi32>
    %add3A_2012 = arith.addi %mul3A_2011, %gather3A_2008 : vector<16xi32>
    %gather3A_2013 = tpu.vector_load_idx %arg12[%add3A_2012] : memref<16xf32, #tpu.memory_space<vmem>>[vector<16xi32>], vector<16xf32>,
    %min3A_2014 = arith.minimumf %min3A_1995, %gather3A_2013 : vector<16xf32>
    %mul3A_2015 = arith.constant 32 : i32
    %mul3A_2016 = arith.muli %select_n3A_30, %mul3A_2015 : i32
    %add3A_2017 = arith.constant 16 : i32
    %add3A_2018 = arith.addi %mul3A_2016, %add3A_2017 : i32
    %get3A_2019 = arith.constant 49 : i32
    %get3A_2020 = arith.index_cast %get3A_2019 : i32 to index
    %get3A_2021 = arith.index_cast %add3A_2018 : i32 to index
    %get3A_2022 = tpu.vector_load %arg8[%get3A_2020, %get3A_2021] {strides = array<i32>} : memref<50x128xi32, #tpu.memory_space<vmem>>, vector<16xi32>,
    %mul3A_2023 = arith.constant 2 : i32
    %mul3A_2024 = vector.broadcast %mul3A_2023 : i32 to vector<16xi32>
    %mul3A_2025 = arith.muli %get3A_2022, %mul3A_2024 : vector<16xi32>
    %add3A_2026 = arith.addi %mul3A_2025, %gather3A_2008 : vector<16xi32>
    %gather3A_2027 = tpu.vector_load_idx %arg13[%add3A_2026] : memref<16xi32, #tpu.memory_space<vmem>>[vector<16xi32>], vector<16xi32>,
    %mul3A_2028 = arith.constant 2 : i32
    %mul3A_2029 = vector.broadcast %mul3A_2028 : i32 to vector<16xi32>
    %mul3A_2030 = arith.muli %get3A_2022, %mul3A_2029 : vector<16xi32>
    %add3A_2031 = arith.addi %mul3A_2030, %gather3A_2027 : vector<16xi32>
    %gather3A_2032 = tpu.vector_load_idx %arg12[%add3A_2031] : memref<16xf32, #tpu.memory_space<vmem>>[vector<16xi32>], vector<16xf32>,
    %min3A_2033 = arith.minimumf %min3A_2014, %gather3A_2032 : vector<16xf32>
    %get3A_2034 = arith.constant 16 : index
    %get3A_2035 = tpu.vector_load %arg9[%get3A_2034] {strides = array<i32>} : memref<32xf32, #tpu.memory_space<vmem>>, vector<16xf32>,
    %min3A_2036 = arith.minimumf %min3A_2033, %get3A_2035 : vector<16xf32>
    %swap3A_2037 = arith.constant 16 : index
    %swap3A_2038 = tpu.vector_load %arg14[%swap3A_2037] {strides = array<i32>} : memref<32xf32, #tpu.memory_space<vmem>>, vector<16xf32>,
    tpu.vector_store %arg14[%swap3A_2037], %min3A_2036 {strides = array<i32>} : memref<32xf32, #tpu.memory_space<vmem>>, vector<16xf32>,
    %swap3A_2039 = arith.constant 16 : index
    %swap3A_2040 = tpu.vector_load %arg15[%swap3A_2039] {strides = array<i32>} : memref<32xi32, #tpu.memory_space<vmem>>, vector<16xi32>,
    tpu.vector_store %arg15[%swap3A_2039], %gather3A_2027 {strides = array<i32>} : memref<32xi32, #tpu.memory_space<vmem>>, vector<16xi32>,
    "tpu.region"() ({
      %run_scoped3A_2041 = tpu.sem_alloc : memref<!tpu.dma_semaphore, #tpu.memory_space<semaphore_mem>>
      %dma_start3A = tpu.memref_slice %arg6[%add3A_35] : memref<1024xf32, #tpu.memory_space<hbm>> -> memref<32xf32, #tpu.memory_space<hbm>>
      %dma_start3A_2042 = tpu.memref_slice %arg6[%add3A_35] : memref<1024xf32, #tpu.memory_space<hbm>> -> memref<32xf32, #tpu.memory_space<hbm>>
      tpu.enqueue_dma source(%arg14 : memref<32xf32, #tpu.memory_space<vmem>>) target(%dma_start3A_2042 : memref<32xf32, #tpu.memory_space<hbm>>) target_semaphore(%run_scoped3A_2041 : memref<!tpu.dma_semaphore, #tpu.memory_space<semaphore_mem>>)
      %dma_wait3A = tpu.memref_slice %arg6[%add3A_35] : memref<1024xf32, #tpu.memory_space<hbm>> -> memref<32xf32, #tpu.memory_space<hbm>>
      %dma_wait3A_2043 = tpu.memref_slice %arg6[%add3A_35] : memref<1024xf32, #tpu.memory_space<hbm>> -> memref<32xf32, #tpu.memory_space<hbm>>
      tpu.wait_dma2 semaphore(%run_scoped3A_2041 : memref<!tpu.dma_semaphore, #tpu.memory_space<semaphore_mem>>) src(%arg14 : memref<32xf32, #tpu.memory_space<vmem>>) dst(%dma_wait3A_2043 : memref<32xf32, #tpu.memory_space<hbm>>)
      tpu.yield
    }) : () -> ()
    "tpu.region"() ({
      %run_scoped3A_2041 = tpu.sem_alloc : memref<!tpu.dma_semaphore, #tpu.memory_space<semaphore_mem>>
      %dma_start3A = tpu.memref_slice %arg7[%add3A_35] : memref<1024xi32, #tpu.memory_space<hbm>> -> memref<32xi32, #tpu.memory_space<hbm>>
      %dma_start3A_2042 = tpu.memref_slice %arg7[%add3A_35] : memref<1024xi32, #tpu.memory_space<hbm>> -> memref<32xi32, #tpu.memory_space<hbm>>
      tpu.enqueue_dma source(%arg15 : memref<32xi32, #tpu.memory_space<vmem>>) target(%dma_start3A_2042 : memref<32xi32, #tpu.memory_space<hbm>>) target_semaphore(%run_scoped3A_2041 : memref<!tpu.dma_semaphore, #tpu.memory_space<semaphore_mem>>)
      %dma_wait3A = tpu.memref_slice %arg7[%add3A_35] : memref<1024xi32, #tpu.memory_space<hbm>> -> memref<32xi32, #tpu.memory_space<hbm>>
      %dma_wait3A_2043 = tpu.memref_slice %arg7[%add3A_35] : memref<1024xi32, #tpu.memory_space<hbm>> -> memref<32xi32, #tpu.memory_space<hbm>>
      tpu.wait_dma2 semaphore(%run_scoped3A_2041 : memref<!tpu.dma_semaphore, #tpu.memory_space<semaphore_mem>>) src(%arg15 : memref<32xi32, #tpu.memory_space<vmem>>) dst(%dma_wait3A_2043 : memref<32xi32, #tpu.memory_space<hbm>>)
      tpu.yield
    }) : () -> ()
    return
  }
}

module attributes {stable_mosaic.version = 14 : i64} {
  func.func @_tc_body(%arg0: i32, %arg1: memref<1x784x1024xf32, #tpu.memory_space<vmem>>, %arg2: memref<784x2xf32, #tpu.memory_space<vmem>>, %arg3: memref<2x1xf32, #tpu.memory_space<vmem>>, %arg4: memref<1x1x1024xi32, #tpu.memory_space<vmem>>, %arg5: memref<1x1024xf32, #tpu.memory_space<vmem>>) attributes {dimension_semantics = [#tpu.dimension_semantics<arbitrary>], iteration_bounds = array<i64: 50>, scalar_prefetch = 0 : i64, scratch_operands = 0 : i64, tpu.core_type = #tpu.core_type<tc>, window_params = [{transform_indices = @transform_0, window_bounds = array<i64: 1, 784, 1024>}, {pipeline_mode = #tpu.pipeline_mode<synchronous>, transform_indices = @transform_1, window_bounds = array<i64: 784, 2>}, {pipeline_mode = #tpu.pipeline_mode<synchronous>, transform_indices = @transform_2, window_bounds = array<i64: 2, 1>}, {transform_indices = @transform_3, window_bounds = array<i64: 1, 1, 1024>}, {pipeline_mode = #tpu.pipeline_mode<synchronous>, transform_indices = @transform_4, window_bounds = array<i64: 1, 1024>}]} {
    %get3A = arith.constant 0 : index
    %get3A_0 = arith.constant 0 : index
    %get3A_1 = arith.constant 0 : index
    %get3A_2 = vector.load %arg1[%get3A, %get3A_0, %get3A_1] : memref<1x784x1024xf32, #tpu.memory_space<vmem>>, vector<1x784x1024xf32>
    %get3A_3 = vector.shape_cast %get3A_2 : vector<1x784x1024xf32> to vector<784x1024xf32>
    %get3A_4 = arith.constant 0 : index
    %get3A_5 = arith.constant 0 : index
    %get3A_6 = vector.load %arg2[%get3A_4, %get3A_5] : memref<784x2xf32, #tpu.memory_space<vmem>>, vector<784x2xf32>
    %dot_general3A = arith.constant dense<0.000000e+00> : vector<2x1024xf32>
    %dot_general3A_7 = tpu.matmul %get3A_6, %get3A_3, %dot_general3A {dimension_numbers = #tpu.dot_dimension_numbers<[0], [0], [1], [1], [0, 1, 1, 1], [], []>, transpose_lhs_hint = false} : vector<784x2xf32>, vector<784x1024xf32>, vector<2x1024xf32> -> vector<2x1024xf32>
    %get3A_8 = arith.constant 0 : index
    %get3A_9 = arith.constant 0 : index
    %get3A_10 = vector.load %arg3[%get3A_8, %get3A_9] : memref<2x1xf32, #tpu.memory_space<vmem>>, vector<2x1xf32>
    %add3A = vector.broadcast %get3A_10 : vector<2x1xf32> to vector<2x1024xf32>
    %add3A_11 = arith.addf %dot_general3A_7, %add3A : vector<2x1024xf32>
    %slice3A = vector.extract_strided_slice %add3A_11 {offsets = [0, 0], sizes = [1, 1024], strides = [1, 1]} : vector<2x1024xf32> to vector<1x1024xf32>
    %squeeze3A = vector.shape_cast %slice3A : vector<1x1024xf32> to vector<1024xf32>
    %slice3A_12 = vector.extract_strided_slice %add3A_11 {offsets = [1, 0], sizes = [1, 1024], strides = [1, 1]} : vector<2x1024xf32> to vector<1x1024xf32>
    %squeeze3A_13 = vector.shape_cast %slice3A_12 : vector<1x1024xf32> to vector<1024xf32>
    %max3A = arith.maximumf %squeeze3A, %squeeze3A_13 : vector<1024xf32>
    %gt3A = arith.cmpf ogt, %squeeze3A_13, %squeeze3A : vector<1024xf32>
    %convert_element_type3A = arith.extui %gt3A : vector<1024xi1> to vector<1024xi32>
    %swap3A = arith.constant 0 : index
    %swap3A_14 = arith.constant 0 : index
    %swap3A_15 = arith.constant 0 : index
    %swap3A_16 = vector.load %arg4[%swap3A, %swap3A_14, %swap3A_15] : memref<1x1x1024xi32, #tpu.memory_space<vmem>>, vector<1x1x1024xi32>
    %swap3A_17 = vector.shape_cast %swap3A_16 : vector<1x1x1024xi32> to vector<1024xi32>
    %swap3A_18 = vector.shape_cast %convert_element_type3A : vector<1024xi32> to vector<1x1x1024xi32>
    tpu.vector_store %arg4[%swap3A, %swap3A_14, %swap3A_15], %swap3A_18 {strides = array<i32>} : memref<1x1x1024xi32, #tpu.memory_space<vmem>>, vector<1x1x1024xi32>,
    %eq3A = arith.constant 0 : i32
    %eq3A_19 = arith.cmpi eq, %arg0, %eq3A : i32
    %convert_element_type3A_20 = arith.extui %eq3A_19 : i1 to i32
    %cond3A = arith.constant 0 : i32
    %cond3A_21 = arith.cmpi ne, %convert_element_type3A_20, %cond3A : i32
    scf.if %cond3A_21 {
      %swap3A_27 = arith.constant 0 : index
      %swap3A_28 = arith.constant 0 : index
      %swap3A_29 = vector.load %arg5[%swap3A_27, %swap3A_28] : memref<1x1024xf32, #tpu.memory_space<vmem>>, vector<1x1024xf32>
      %swap3A_30 = vector.shape_cast %swap3A_29 : vector<1x1024xf32> to vector<1024xf32>
      %swap3A_31 = vector.shape_cast %max3A : vector<1024xf32> to vector<1x1024xf32>
      tpu.vector_store %arg5[%swap3A_27, %swap3A_28], %swap3A_31 {strides = array<i32>} : memref<1x1024xf32, #tpu.memory_space<vmem>>, vector<1x1024xf32>,
    } else {
    }
    %gt3A_22 = arith.constant 0 : i32
    %gt3A_23 = arith.cmpi sgt, %arg0, %gt3A_22 : i32
    %convert_element_type3A_24 = arith.extui %gt3A_23 : i1 to i32
    %cond3A_25 = arith.constant 0 : i32
    %cond3A_26 = arith.cmpi ne, %convert_element_type3A_24, %cond3A_25 : i32
    scf.if %cond3A_26 {
      %get3A_27 = arith.constant 0 : index
      %get3A_28 = arith.constant 0 : index
      %get3A_29 = vector.load %arg5[%get3A_27, %get3A_28] : memref<1x1024xf32, #tpu.memory_space<vmem>>, vector<1x1024xf32>
      %get3A_30 = vector.shape_cast %get3A_29 : vector<1x1024xf32> to vector<1024xf32>
      %min3A = arith.minimumf %get3A_30, %max3A : vector<1024xf32>
      %swap3A_31 = arith.constant 0 : index
      %swap3A_32 = arith.constant 0 : index
      %swap3A_33 = vector.load %arg5[%swap3A_31, %swap3A_32] : memref<1x1024xf32, #tpu.memory_space<vmem>>, vector<1x1024xf32>
      %swap3A_34 = vector.shape_cast %swap3A_33 : vector<1x1024xf32> to vector<1024xf32>
      %swap3A_35 = vector.shape_cast %min3A : vector<1024xf32> to vector<1x1024xf32>
      tpu.vector_store %arg5[%swap3A_31, %swap3A_32], %swap3A_35 {strides = array<i32>} : memref<1x1024xf32, #tpu.memory_space<vmem>>, vector<1x1024xf32>,
    } else {
    }
    return
  }
  func.func @transform_0(%arg0: i32) -> (i32, i32, i32) {
    %c0_i32 = arith.constant 0 : i32
    %c0_i32_0 = arith.constant 0 : i32
    %c0_i32_1 = arith.constant 0 : i32
    return %arg0, %c0_i32, %c0_i32_0 : i32, i32, i32
  }
  func.func @transform_1(%arg0: i32) -> (i32, i32) {
    %c0_i32 = arith.constant 0 : i32
    %c0_i32_0 = arith.constant 0 : i32
    %c0_i32_1 = arith.constant 0 : i32
    return %c0_i32, %c0_i32_0 : i32, i32
  }
  func.func @transform_2(%arg0: i32) -> (i32, i32) {
    %c0_i32 = arith.constant 0 : i32
    %c0_i32_0 = arith.constant 0 : i32
    %c0_i32_1 = arith.constant 0 : i32
    return %c0_i32, %c0_i32_0 : i32, i32
  }
  func.func @transform_3(%arg0: i32) -> (i32, i32, i32) {
    %c0_i32 = arith.constant 0 : i32
    %c0_i32_0 = arith.constant 0 : i32
    %c0_i32_1 = arith.constant 0 : i32
    return %arg0, %c0_i32, %c0_i32_0 : i32, i32, i32
  }
  func.func @transform_4(%arg0: i32) -> (i32, i32) {
    %c0_i32 = arith.constant 0 : i32
    %c0_i32_0 = arith.constant 0 : i32
    %c0_i32_1 = arith.constant 0 : i32
    return %c0_i32, %c0_i32_0 : i32, i32
  }
}

</mosaic_0001>

<sc_bundles>
// kernel: kernel.4.cloned.1.call-start
scs
__scs_entry_jumppad:
0x0: {  	(pc) =	sbr.rel $0x88, $3  }
0x1: {  	(tag) =	ssettag $0x0;
	lr =	simm.s32 $0x1  }
0x2: {  	[smem:$0x3F9C] =	sst lr;
	_ =	strace $0xD0000000  }
0x3: {  	_ = 	snop  }
0x4: {  	_ = 	snop  }
0x5: {  	_ = 	snop  }
0x6: {  	_ = 	snop  }
0x7: {  	_ = 	snop  }
__scs_overlays_trampoline_lowered:
0x8: {  	[smem:$0x3FAB] =	sst s0  }
0x9: {  	[smem:$0x3FAC] =	sst s1  }
0xa: {  	[smem:$0x3FAD] =	sst s2  }
0xb: {  	[smem:$0x3FAE] =	sst s3  }
0xc: {  	[smem:$0x3FAF] =	sst s4  }
0xd: {  	[smem:$0x3FB0] =	sst s5  }
0xe: {  	[smem:$0x3FB1] =	sst s6  }
0xf: {  	[smem:$0x3FB2] =	sst s7  }
0x10: {  	[smem:$0x3FB3] =	sst s8  }
0x11: {  	[smem:$0x3FB4] =	sst s9;
	s0 =	simm.s32 @!p0 $0x0  }
0x12: {  	s1 =	sld [smem:$0x3F9A];
	s0 =	simm.s32 @p0 $0x1  }
0x13: {  	[smem:$0x3FB5] =	sst s0;
	s0 =	simm.s32 @!p1 $0x0  }
0x14: {  	s2 =	sld [smem:$0x3F99];
	s0 =	simm.s32 @p1 $0x1  }
0x15: {  	[smem:$0x3FB6] =	sst s0;
	s0 =	simm.s32 @!p2 $0x0  }
0x16: {  	s3 =	sld [smem:$0x3FDB];
	s0 =	simm.s32 @p2 $0x1  }
0x17: {  	s4 =	simm.s32 $0x1BF5;
	[smem:$0x3FB8] =	sst s0  }
0x18: {  	s0 =	sld [smem:$0x3F9B];
	_ =	swait.ge [sflag:s4], $0x0  }
0x19: {  	s7 =	sld [smem:$0x3F9C]  }
0x1a: {  	s8 =	sadd.s32 $0xFFFFE003, lr  }
0x1b: {  	s9 =	sadd.s32 $0xFFFFFEF7, lr;
	s5 =	simm.s32 $0xFFFFFFFF;
	p2 =	slt.u32 s8, $0xFFFFF086  }
0x1c: {  	p1 =	slt.u32 s9, $0xF7A;
	s5 =	simm.s32 @!p2 $0x0  }
0x1d: {  	s5 =	simm.s32 @p1 $0x1;
	p0 =	seq.s32 s7, s2  }
0x1e: {  	s7 =	smul.u32 @!p0 $0xF7A, s2;
	p2 =	seq.s32 @!p0 s5, $0x0  }
0x1f: {  	s9 =	smul.u32 $0xF7A, s1;
	s8 =	simm.s32 @!p0 $0x1BF5;
	p2 =	por !p2, p0  }
0x20: {  	[sflag:s8] =	ssyncset.s32 @!p0 $0xFFFFF086;
	s6 =	sadd.s32 @!p0 s3, s7;
	s7 =	simm.s32 @!p0 $0x108  }
0x21: {  	s3 =	sadd.s32 s3, s9;
	s6 =	sadd.s32 @!p0 $0x88, s6;
	s7 =	simm.s32 @p2 $0x1082  }
0x22: {  	[simem:s7], [sflag:s8] =	dma.local @!p0 [hbm:s6], $0xF7A  }
0x23: {  	s9 =	sor.u32 $0xD0000000, s2;
	s6 =	simm.s32 $0x108;
	_ =	swait.ge @!p0 [sflag:s8], $0x0  }
0x24: {  	s3 =	sadd.s32 $0x88, s3;
	s6 =	simm.s32 @!p1 $0x1082;
	[sflag:s4] =	ssyncset.s32 $0xFFFFF086  }
0x25: {  	[simem:s6], [sflag:s4] =	dma.local [hbm:s3], $0xF7A  }
0x26: {  	[smem:$0x3F9C] =	sst s1;
	(tag) =	ssettag s2;
	_ =	strace s9  }
0x27: {  	s1 =	sld [smem:$0x3FAC]  }
0x28: {  	s2 =	sld [smem:$0x3FAD]  }
0x29: {  	s4 =	sld [smem:$0x3FAF]  }
0x2a: {  	p0 =	seq.s32 s5, $0x0;
	s5 =	sld [smem:$0x3FB0]  }
0x2b: {  	s6 =	sld [smem:$0x3FB1]  }
0x2c: {  	s7 =	sld [smem:$0x3FB2]  }
0x2d: {  	s3 =	simm.s32 $0x108;
	s8 =	sld [smem:$0x3FB3]  }
0x2e: {  	s3 =	simm.s32 @!p0 $0x1082;
	s9 =	sld [smem:$0x3FB4]  }
0x2f: {  	lr =	sadd.s32 s0, s3;
	s0 =	sld [smem:$0x3FAB]  }
0x30: {  	s3 =	sld [smem:$0x3FAE]  }
0x31: {  	[smem:$0x3FB7] =	sst s10  }
0x32: {  	s10 =	sld [smem:$0x3FB5];
	_ =	sdelay $0x3  }
0x33: {  	p0 =	seq.s32 s10, $0x1;
	s10 =	sld [smem:$0x3FB7];
	_ =	sdelay $0x3  }
0x34: {  	[smem:$0x3FB7] =	sst s10  }
0x35: {  	s10 =	sld [smem:$0x3FB6];
	_ =	sdelay $0x3  }
0x36: {  	p1 =	seq.s32 s10, $0x1;
	s10 =	sld [smem:$0x3FB7];
	_ =	sdelay $0x3  }
0x37: {  	[smem:$0x3FB7] =	sst s10  }
0x38: {  	s10 =	sld [smem:$0x3FB8]  }
0x39: {  	_ = 	snop;
	(pc) =	sbr.ind lr, $3  }
0x3a: {  	_ = 	snop  }
0x3b: {  	_ = 	snop  }
0x3c: {  	p2 =	seq.s32 s10, $0x1;
	s10 =	sld [smem:$0x3FB7]  }
0x3d: {  	_ =	shalt  }
0x3e: {  	_ =	shalt  }
0x3f: {  	_ =	shalt  }
0x40: {  	_ =	shalt  }
0x41: {  	_ =	shalt  }
0x42: {  	_ =	shalt  }
0x43: {  	_ =	shalt  }
0x44: {  	_ =	shalt  }
0x45: {  	_ =	shalt  }
0x46: {  	_ =	shalt  }
0x47: {  	_ =	shalt  }
0x48: {  	_ =	shalt  }
0x49: {  	_ =	shalt  }
0x4a: {  	_ =	shalt  }
0x4b: {  	_ =	shalt  }
0x4c: {  	_ =	shalt  }
0x4d: {  	_ =	shalt  }
0x4e: {  	_ =	shalt  }
0x4f: {  	_ =	shalt  }
0x50: {  	_ =	shalt  }
0x51: {  	_ =	shalt  }
0x52: {  	_ =	shalt  }
0x53: {  	_ =	shalt  }
0x54: {  	_ =	shalt  }
0x55: {  	_ =	shalt  }
0x56: {  	_ =	shalt  }
0x57: {  	_ =	shalt  }
0x58: {  	_ =	shalt  }
0x59: {  	_ =	shalt  }
0x5a: {  	_ =	shalt  }
0x5b: {  	_ =	shalt  }
0x5c: {  	_ =	shalt  }
0x5d: {  	_ =	shalt  }
0x5e: {  	_ =	shalt  }
0x5f: {  	_ =	shalt  }
0x60: {  	_ =	shalt  }
0x61: {  	_ =	shalt  }
0x62: {  	_ =	shalt  }
0x63: {  	_ =	shalt  }
0x64: {  	_ =	shalt  }
0x65: {  	_ =	shalt  }
0x66: {  	_ =	shalt  }
0x67: {  	_ =	shalt  }
0x68: {  	_ =	shalt  }
0x69: {  	_ =	shalt  }
0x6a: {  	_ =	shalt  }
0x6b: {  	_ =	shalt  }
0x6c: {  	_ =	shalt  }
0x6d: {  	_ =	shalt  }
0x6e: {  	_ =	shalt  }
0x6f: {  	_ =	shalt  }
0x70: {  	_ =	shalt  }
0x71: {  	_ =	shalt  }
0x72: {  	_ =	shalt  }
0x73: {  	_ =	shalt  }
0x74: {  	_ =	shalt  }
0x75: {  	_ =	shalt  }
0x76: {  	_ =	shalt  }
0x77: {  	_ =	shalt  }
0x78: {  	_ =	shalt  }
0x79: {  	_ =	shalt  }
0x7a: {  	_ =	shalt  }
0x7b: {  	_ =	shalt  }
0x7c: {  	_ =	shalt  }
0x7d: {  	_ =	shalt  }
0x7e: {  	_ =	shalt  }
0x7f: {  	_ =	shalt  }
0x80: {  	_ =	shalt  }
0x81: {  	_ =	shalt  }
0x82: {  	_ =	shalt  }
0x83: {  	_ =	shalt  }
0x84: {  	_ =	shalt  }
0x85: {  	_ =	shalt  }
0x86: {  	_ =	shalt  }
0x87: {  	_ =	shalt  }
.Lfunc_end0:
.L_simem_size_0:
called_computation_lowered:
.L_overlay_start_0:
0x88: {  	s2 =	sld [smem:$0x3FD9]  }
0x89: {  	s3 =	sld [smem:$0x3FFE];
	_ =	sdelay $0x1  }
0x8a: {  	s1 =	srdreg.scid  }
0x8b: {  	s0 =	sand.u32 $0x1, s1  }
0x8c: {  	s14 =	sshll.u32 s0, $0xA;
	s2 =	sadd.s32 s3, s2  }
0x8d: {  	s2 =	sadd.s32 s2, s14  }
0x8e: {  	[smem:$0x3FC3] =	sst s2  }
0x8f: {  	_ = 	snop  }
0x90: {  	s2 =	sld [smem:$0x3FD0];
	_ =	sdelay $0x1  }
0x91: {  	s15 =	sld [smem:$0x3FC8]  }
0x92: {  	s5 =	simm.s32 $0xA;
	s6 =	simm.s32 $0x10;
	s4 =	sld [smem:$0x3FC7]  }
0x93: {  	[smem:s6], [sflag:s5] =	dma.local [hbm:s2], $0x1  }
0x94: {  	_ =	swait.eq [sflag:s5], $0x1  }
0x95: {  	[sflag:s5] =	ssyncset.done $0x0  }
0x96: {  	s16 =	sld [smem:$0x10];
	[sflag:s5] =	ssyncadd.s32 $0xFFFFFFFF  }
0x97: {  	s17 =	sld [smem:$0x11];
	(tm) =	ssettm $0x1  }
0x98: {  	s18 =	sld [smem:$0x3FFB];
	_ =	sdelay $0x3  }
0x99: {  	_ =	strace s18  }
0x9a: {  	s6 =	sld [smem:$0x3FFC];
	_ =	sdelay $0x3  }
0x9b: {  	_ =	strace s6  }
0x9c: {  	s6 =	sld [smem:$0x3FFD];
	_ =	sdelay $0x3  }
0x9d: {  	_ =	strace s6  }
0x9e: {  	_ =	strace $0x8FFFFFFF  }
0x9f: {  	s19 =	sld [smem:$0x3FDB];
	_ =	sdelay $0x1  }
0xa0: {  	s7 =	simm.s32 $_scs_section_size  }
0xa1: {  	s8 =	simm.s32 $_size__tile_overlayer_lowered;
	s9 =	simm.s32 $_tile_overlayer_lowered  }
0xa2: {  	s22 =	simm.s32 $0x1BFF;
	s21 =	sshll.u32 s9, $0x1;
	s6 =	sadd.s32 s7, s19  }
0xa3: {  	s10 =	simm.s32 $0x0;
	s20 =	sshll.u32 s8, $0x1;
	s8 =	sadd.s32 s21, s6  }
0xa4: {  	[timem:s10], [sflag:s22] =	dma.local [hbm:s8], s20  }
0xa5: {  	_ =	swait.ge [sflag:s22], s20  }
0xa6: {  	s7 =	ssub.s32 $0x0, s20;
	[sflag:s22] =	ssyncset.done $0x0  }
0xa7: {  	[sflag:s22] =	ssyncadd.s32 s7;
	_ =	sdelay $0x1  }
0xa8: {  	s23 =	simm.s32 $0x1B8B  }
0xa9: {  	_ =	swait.ge [sflag:s23], $0x1  }
0xaa: {  	[sflag:s23] =	ssyncset.done $0x0  }
0xab: {  	s25 =	simm.s32 $0x1B8E;
	s24 =	sld [smem:$0x3FFE];
	[sflag:s23] =	ssyncadd.s32 $0xFFFFFFFF  }
0xac: {  	s26 =	simm.s32 $execute0_lowered;
	[smem:$0x3FD2] =	sst s25  }
0xad: {  	s8 =	sshll.u32 s26, $0x1;
	_ =	strace $0x80000046;
	[dreg:$0x1] =	wrdreg $0xFFFFFFFF  }
0xae: {  	s28 =	simm.s32 $_size_execute0_lowered;
	s6 =	sadd.s32 s6, s8;
	[dreg:$0x0] =	wrdreg $0x0  }
0xaf: {  	s8 =	sshll.u32 s28, $0x1;
	[dreg:$0x2] =	wrdreg s6  }
0xb0: {  	[dreg:$0x3] =	wrdreg s8  }
0xb1: {  	[dreg:$0x4] =	wrdreg $0xC0  }
0xb2: {  	_ =	task [dreg:s10], $0x5FFFF  }
0xb3: {  	[dreg:$0x1] =	wrdreg $0xFFFFFFFF  }
0xb4: {  	[dreg:$0x0] =	wrdreg $0x60  }
0xb5: {  	[dreg:$0x2] =	wrdreg s24  }
0xb6: {  	[dreg:$0x3] =	wrdreg s4  }
0xb7: {  	[dreg:$0x4] =	wrdreg s15  }
0xb8: {  	[dreg:$0x5] =	wrdreg s16  }
0xb9: {  	[dreg:$0x6] =	wrdreg s17  }
0xba: {  	[dreg:$0x7] =	wrdreg $0x9  }
0xbb: {  	_ =	task.clear_ibuf [dreg:s10], $0x8FFFF;
	_ =	strace $0x90000046  }
0xbc: {  	s29 =	simm.s32 $0x9;
	_ =	strace $0x80000048  }
0xbd: {  	_ =	swait.ge [sflag:s29], $0x1  }
0xbe: {  	[sflag:s29] =	ssyncadd.s32 $0xFFFFFFFF  }
0xbf: {  	_ =	strace $0x90000048  }
0xc0: {  	_ =	sfence  }
0xc1: {  	s30 =	sld [smem:$0x0];
	_ =	sdelay $0x2  }
0xc2: {  	s31 =	sshll.u32 s1, $0xD;
	s1 =	sshrl.u32 s1, $0x2  }
0xc3: {  	s3 =	sand.u32 $0x4000, s31;
	s1 =	sadd.s32 s1, s30  }
0xc4: {  	s0 =	sor.u32 s3, s0;
	s1 =	sshll.u32 s1, $0x11  }
0xc5: {  	s0 =	sor.u32 s1, s0  }
0xc6: {  	s0 =	sadd.s32 $0x8F2B, s0  }
0xc7: {  	[sflag:s0] =	ssyncadd.remote.s32 $0x1  }
0xc8: {  	_ =	sfence.sel $0xFFFF  }
0xc9: {  	[dreg:$0x0] =	wrdreg $0xFFFFFFFF;
	(pc) =	sbr.abs _section_cstart, $3  }
0xca: {  	[dreg:$0x1] =	wrdreg $0xFFFFFFFF  }
0xcb: {  	_ =	task.clear_ibuf [dreg:s10], $0x2FFFF;
	_ =	strace $0x9FFFFFFF  }
0xcc: {  	(tm) =	ssettm $0x7FFFFFFF  }
0xcd: {  	_ =	shalt  }
tec
execute0_lowered:
.L_overlay_start_1:
0x0: {  	(tag) =	ssettag $0x1  }
0x1: {  	s6 =	rddreg [dreg:$0x0]  }
0x2: {  	s1 =	rddreg [dreg:$0x1]  }
0x3: {  	s3 =	rddreg [dreg:$0x2]  }
0x4: {  	s8 =	rddreg [dreg:$0x3]  }
0x5: {  	s0 =	stileid.u32;
	s9 =	rddreg [dreg:$0x4]  }
0x6: {  	s4 =	srdreg.scid;
	s2 =	rddreg [dreg:$0x5];
	v0 =	vimm.s32 $0x180;
	vm0 =	vcmask $0x300  }
0x7: {  	v1 =	vimm.s32 $0x181;
	vm1 =	vcmask $0x704;
	s14 =	simm.s32 $0x80;
	s15 =	simm.s32 $0x400;
	s16 =	simm.s32 $0x1C00;
	v0 =	vsel vm0, $0x0, v0  }
0x8: {  	s17 =	simm.s32 $0x1F00;
	s18 =	simm.s32 $0x1F80;
	s19 =	simm.s32 $0x2000;
	v1 =	vsel vm0, $0x1, v1;
	vm0 =	vcmask $0xB08;
	v0 =	vsel vm1, $0x80, v0  }
0x9: {  	s20 =	simm.s32 $0x2080;
	s5 =	sshll.u32 s0, $0x1;
	s7 =	sand.u32 $0x1, s4;
	v1 =	vsel vm1, $0x81, v1;
	vm1 =	vcmask $0x1310;
	v0 =	vsel vm0, $0x100, v0  }
0xa: {  	s4 =	simm.s32 $0x0;
	s10 =	sshrl.u32 s0, $0x1;
	s5 =	sand.u32 $0x2, s5;
	v1 =	vsel vm0, $0x101, v1;
	vm0 =	vcmask $0x1B18;
	v0 =	vsel vm1, $0x100, v0  }
0xb: {  	[smem:$0x7FF] =	sst s4;
	s11 =	sshll.u32 s10, $0x7;
	s5 =	sor.u32 s7, s5;
	v1 =	vsel vm1, $0x101, v1;
	vm1 =	vcmask $0x2320;
	v0 =	vsel vm0, $0x100, v0  }
0xc: {  	s10 =	sshll.u32 s10, $0x4;
	s7 =	ssub.s32 $0x2, s7;
	s5 =	sshll.u32 s5, $0x5;
	v1 =	vsel vm0, $0x101, v1;
	vm0 =	vcmask $0x2B28;
	v0 =	vsel vm1, $0x100, v0  }
0xd: {  	_ =	strace $0x80000047;
	s12 =	sshrl.u32 s7, $0x1;
	s11 =	sor.u32 s11, s5;
	v1 =	vsel vm1, $0x101, v1;
	vm1 =	vcmask $0x3330;
	v0 =	vsel vm0, $0x100, v0  }
0xe: {  	s10 =	sadd.s32 s10, s6;
	s12 =	ssub.s32 s7, s12;
	s11 =	sshrl.u32 s11, $0x3;
	v1 =	vsel vm0, $0x101, v1;
	vm0 =	vcmask $0x3B38;
	v0 =	vsel vm1, $0x100, v0  }
0xf: {  	s13 =	sadd.s32 s11, s6;
	s6 =	sadd.s32 $0xE00, s10;
	s8 =	sadd.s32 s8, s11;
	v1 =	vsel vm1, $0x101, v1;
	v0 =	vsel vm0, $0x100, v0  }
0x10: {  	s9 =	sadd.s32 s9, s11;
	s10 =	smax.u32 s12, $0x1;
	s11 =	simm.s32 $0x1C80;
	v63 =	vsel vm0, $0x101, v1;
	[tilespmem:$0x1FFE0] =	vst v0  }
0x11: {  	s12 =	simm.s32 $0x1;
	s7 =	sadd.s32 $0x2800, s13;
	s13 =	simm.s32 $0x1E80;
	vm0 =	vcmask $0xF14;
	[tilespmem:$0x1FFF0] =	vst v63  }
.LBB2_1:
0x12: {  	[tilespmem:s11], [sflag:$0x1] =	stream.linear.gather [hbm4b:s1+s4], $0x200, $0x38;
	[tilespmem:$0x2100] =	vst v63  }
0x13: {  	_ =	swait.ge [sflag:s12], $0x200  }
0x14: {  	[sflag:s12] =	ssyncset.done $0x0  }
0x15: {  	[sflag:s12] =	ssyncadd.s32 $0xFFFFFE00  }
0x16: {  	[tilespmem:s13], [sflag:$0x1] =	stream.linear.gather [hbm4b:s3+s4], $0x80, $0x38;
	[tilespmem:$0x2100] =	vst v63  }
0x17: {  	_ =	swait.ge [sflag:s12], $0x80  }
0x18: {  	[sflag:s12] =	ssyncset.done $0x0  }
0x19: {  	[sflag:s12] =	ssyncadd.s32 $0xFFFFFF80  }
0x1a: {  	[tilespmem:s4], [sflag:$0x1] =	stream.strided.gather [hbm4b:s6+s14], $0x1900, s15, s14, $0x38;
	[tilespmem:$0x2100] =	vst v63  }
0x1b: {  	_ =	swait.ge [sflag:s12], $0x1900  }
0x1c: {  	[sflag:s12] =	ssyncset.done $0x0  }
0x1d: {  	[sflag:s12] =	ssyncadd.s32 $0xFFFFE700  }
0x1e: {  	[tilespmem:s16], [sflag:$0x1] =	stream.linear.gather [hbm4b:s7+s4], $0x20, $0x38;
	[tilespmem:$0x2100] =	vst v63  }
0x1f: {  	_ =	swait.ge [sflag:s12], $0x20  }
0x20: {  	v0 =	vld [tilespmem:$0x1FFE0]  }
0x21: {  	v1 =	vld [tilespmem:$0x1FFF0]  }
0x22: {  	v3 =	vimm.s32 $0x1;
	_ =	sdelay $0x1  }
0x23: {  	[sflag:s12] =	ssyncset.done $0x0  }
0x24: {  	[sflag:s12] =	ssyncadd.s32 $0xFFFFFFE0  }
0x25: {  	v2 =	vld.msk [tilespmem:s13+$0x0], $0xffff  }
0x26: {  	v3 =	vld.idx.msk [tilespmem:v3+s13+$0x0], $0xffff  }
0x27: {  	v0 =	vld.idx.msk [tilespmem:v0+s11+$0x0], $0xffff  }
0x28: {  	v1 =	vld.idx.msk [tilespmem:v1+s11+$0x0], $0xffff;
	_ =	sdelay $0x4  }
0x29: {  	v0 =	vsel vm0, v0, v2;
	v1 =	vsel vm0, v1, v3  }
0x2a: {  	v2 =	vsub.f32 v0, v1;
	_ =	sdelay $0x1  }
0x2b: {  	v2 =	vand.u32 $0x7FFFFFFF, v2  }
0x2c: {  	v2 =	vsub.f32 $0.0e+00, v2;
	_ =	sdelay $0x1  }
0x2d: {  	v2 =	vmul.f32 $1.442695020e+00, v2;
	_ =	sdelay $0x1  }
0x2e: {  	(erf) = vpow2.f32 v2;
	_ =	sdelay $0x8  }
0x2f: {  	v2 =	vpop (erf)  }
0x30: {  	v2 =	vadd.f32 $1.000000000e+00, v2;
	_ =	sdelay $0x1  }
0x31: {  	(erf) = vrcp.f32 v2;
	_ =	sdelay $0x6  }
0x32: {  	v58 =	vimm.s32 $0x0;
	v59 =	vimm.s32 $0x4;
	vm1 =	vgt.f32 v1, v0  }
0x33: {  	v0 =	vsel vm1, $0x1, v58  }
0x34: {  	[tilespmem:$0x1F80] =	vst v0;
	v2 =	vpop (erf)  }
0x35: {  	[tilespmem:$0x1F00] =	vst v2  }
0x36: {  	v0 =	vld [tilespmem:s5+$0x0]  }
0x37: {  	v1 =	vld.idx.msk [tilespmem:v59+s18+$0x0], $0xffff;
	_ =	sdelay $0x3  }
0x38: {  	v2 =	vshll.u32 v0, $0x1  }
0x39: {  	v0 =	vadd.s32 v1, v2;
	_ =	sdelay $0x3  }
0x3a: {  	v60 =	vld [tilespmem:s5+$0x80]  }
0x3b: {  	v3 =	vld.idx.msk [tilespmem:v0+s18+$0x0], $0xffff;
	_ =	sdelay $0x3  }
0x3c: {  	v4 =	vshll.u32 v60, $0x1  }
0x3d: {  	v0 =	vadd.s32 v3, v4;
	_ =	sdelay $0x3  }
0x3e: {  	v61 =	vld [tilespmem:s5+$0x100]  }
0x3f: {  	v5 =	vld.idx.msk [tilespmem:v0+s18+$0x0], $0xffff;
	_ =	sdelay $0x3  }
0x40: {  	v6 =	vshll.u32 v61, $0x1  }
0x41: {  	v0 =	vadd.s32 v5, v6;
	_ =	sdelay $0x3  }
0x42: {  	v62 =	vld [tilespmem:s5+$0x180]  }
0x43: {  	v7 =	vld.idx.msk [tilespmem:v0+s18+$0x0], $0xffff;
	_ =	sdelay $0x3  }
0x44: {  	v8 =	vshll.u32 v62, $0x1  }
0x45: {  	v0 =	vadd.s32 v7, v8;
	_ =	sdelay $0x3  }
0x46: {  	v63 =	vld [tilespmem:s5+$0x200]  }
0x47: {  	v10 =	vld.idx.msk [tilespmem:v0+s18+$0x0], $0xffff;
	_ =	sdelay $0x3  }
0x48: {  	v9 =	vshll.u32 v63, $0x1  }
0x49: {  	v0 =	vadd.s32 v10, v9;
	_ =	sdelay $0x3  }
0x4a: {  	v11 =	vld [tilespmem:s5+$0x280]  }
0x4b: {  	v12 =	vld.idx.msk [tilespmem:v0+s18+$0x0], $0xffff;
	_ =	sdelay $0x3  }
0x4c: {  	v11 =	vshll.u32 v11, $0x1  }
0x4d: {  	v0 =	vadd.s32 v12, v11;
	_ =	sdelay $0x3  }
0x4e: {  	v14 =	vld [tilespmem:s5+$0x300]  }
0x4f: {  	v16 =	vld.idx.msk [tilespmem:v0+s18+$0x0], $0xffff;
	_ =	sdelay $0x3  }
0x50: {  	v13 =	vshll.u32 v14, $0x1  }
0x51: {  	v0 =	vadd.s32 v16, v13;
	_ =	sdelay $0x3  }
0x52: {  	v15 =	vld [tilespmem:s5+$0x380]  }
0x53: {  	v0 =	vld.idx.msk [tilespmem:v0+s18+$0x0], $0xffff;
	_ =	sdelay $0x3  }
0x54: {  	v18 =	vshll.u32 v15, $0x1  }
0x55: {  	[tilespmem:$0x1FC60] =	vst v0;
	v0 =	vadd.s32 v0, v18;
	_ =	sdelay $0x3  }
0x56: {  	v17 =	vld [tilespmem:s5+$0x400]  }
0x57: {  	v0 =	vld.idx.msk [tilespmem:v0+s18+$0x0], $0xffff;
	_ =	sdelay $0x3  }
0x58: {  	v15 =	vshll.u32 v17, $0x1  }
0x59: {  	[tilespmem:$0x1FC70] =	vst v0;
	v0 =	vadd.s32 v0, v15;
	_ =	sdelay $0x3  }
0x5a: {  	v19 =	vld [tilespmem:s5+$0x480]  }
0x5b: {  	v0 =	vld.idx.msk [tilespmem:v0+s18+$0x0], $0xffff;
	_ =	sdelay $0x3  }
0x5c: {  	v17 =	vshll.u32 v19, $0x1  }
0x5d: {  	[tilespmem:$0x1FC80] =	vst v0;
	v0 =	vadd.s32 v0, v17;
	_ =	sdelay $0x3  }
0x5e: {  	v20 =	vld [tilespmem:s5+$0x500]  }
0x5f: {  	v14 =	vld.idx.msk [tilespmem:v0+s18+$0x0], $0xffff;
	_ =	sdelay $0x3  }
0x60: {  	v21 =	vshll.u32 v20, $0x1  }
0x61: {  	v0 =	vadd.s32 v14, v21;
	_ =	sdelay $0x3  }
0x62: {  	v22 =	vld [tilespmem:s5+$0x580]  }
0x63: {  	[tilespmem:$0x1FC90] =	vst v14;
	v14 =	vld.idx.msk [tilespmem:v0+s18+$0x0], $0xffff;
	_ =	sdelay $0x3  }
0x64: {  	v23 =	vshll.u32 v22, $0x1  }
0x65: {  	v0 =	vadd.s32 v14, v23;
	_ =	sdelay $0x3  }
0x66: {  	v24 =	vld [tilespmem:s5+$0x600]  }
0x67: {  	[tilespmem:$0x1FCB0] =	vst v14;
	v14 =	vld.idx.msk [tilespmem:v0+s18+$0x0], $0xffff;
	_ =	sdelay $0x3  }
0x68: {  	v25 =	vshll.u32 v24, $0x1  }
0x69: {  	v0 =	vadd.s32 v14, v25;
	_ =	sdelay $0x3  }
0x6a: {  	v26 =	vld [tilespmem:s5+$0x680]  }
0x6b: {  	[tilespmem:$0x1FCD0] =	vst v14;
	v14 =	vld.idx.msk [tilespmem:v0+s18+$0x0], $0xffff;
	_ =	sdelay $0x3  }
0x6c: {  	v27 =	vshll.u32 v26, $0x1  }
0x6d: {  	v0 =	vadd.s32 v14, v27;
	_ =	sdelay $0x3  }
0x6e: {  	v28 =	vld [tilespmem:s5+$0x700]  }
0x6f: {  	v50 =	vld.idx.msk [tilespmem:v0+s18+$0x0], $0xffff;
	_ =	sdelay $0x3  }
0x70: {  	[tilespmem:$0x1FCF0] =	vst v14;
	v14 =	vshll.u32 v28, $0x1  }
0x71: {  	v0 =	vadd.s32 v50, v14;
	_ =	sdelay $0x3  }
0x72: {  	v29 =	vld [tilespmem:s5+$0x780]  }
0x73: {  	v52 =	vld.idx.msk [tilespmem:v0+s18+$0x0], $0xffff;
	_ =	sdelay $0x3  }
0x74: {  	v30 =	vshll.u32 v29, $0x1  }
0x75: {  	v0 =	vadd.s32 v52, v30;
	_ =	sdelay $0x3  }
0x76: {  	v31 =	vld [tilespmem:s5+$0x800]  }
0x77: {  	v19 =	vld.idx.msk [tilespmem:v0+s18+$0x0], $0xffff;
	_ =	sdelay $0x3  }
0x78: {  	v32 =	vshll.u32 v31, $0x1  }
0x79: {  	v0 =	vadd.s32 v19, v32;
	_ =	sdelay $0x3  }
0x7a: {  	v33 =	vld [tilespmem:s5+$0x880]  }
0x7b: {  	[tilespmem:$0x1FD20] =	vst v19;
	v19 =	vld.idx.msk [tilespmem:v0+s18+$0x0], $0xffff;
	_ =	sdelay $0x3  }
0x7c: {  	v34 =	vshll.u32 v33, $0x1  }
0x7d: {  	v0 =	vadd.s32 v19, v34;
	_ =	sdelay $0x3  }
0x7e: {  	v35 =	vld [tilespmem:s5+$0x900]  }
0x7f: {  	[tilespmem:$0x1FD40] =	vst v19;
	v19 =	vld.idx.msk [tilespmem:v0+s18+$0x0], $0xffff;
	_ =	sdelay $0x3  }
0x80: {  	v36 =	vshll.u32 v35, $0x1  }
0x81: {  	v0 =	vadd.s32 v19, v36;
	_ =	sdelay $0x3  }
0x82: {  	v37 =	vld [tilespmem:s5+$0x980]  }
0x83: {  	v53 =	vld.idx.msk [tilespmem:v0+s18+$0x0], $0xffff;
	_ =	sdelay $0x3  }
0x84: {  	v38 =	vshll.u32 v37, $0x1  }
0x85: {  	v0 =	vadd.s32 v53, v38;
	_ =	sdelay $0x3  }
0x86: {  	v39 =	vld [tilespmem:s5+$0xA00]  }
0x87: {  	v59 =	vld.idx.msk [tilespmem:v0+s18+$0x0], $0xffff;
	_ =	sdelay $0x3  }
0x88: {  	v40 =	vshll.u32 v39, $0x1  }
0x89: {  	v0 =	vadd.s32 v59, v40;
	_ =	sdelay $0x3  }
0x8a: {  	v41 =	vld [tilespmem:s5+$0xA80]  }
0x8b: {  	v44 =	vld.idx.msk [tilespmem:v0+s18+$0x0], $0xffff;
	_ =	sdelay $0x3  }
0x8c: {  	v54 =	vshll.u32 v41, $0x1  }
0x8d: {  	v0 =	vadd.s32 v44, v54;
	_ =	sdelay $0x3  }
0x8e: {  	v45 =	vld [tilespmem:s5+$0xB00]  }
0x8f: {  	[tilespmem:$0x1FD90] =	vst v40;
	v40 =	vld.idx.msk [tilespmem:v0+s18+$0x0], $0xffff;
	_ =	sdelay $0x3  }
0x90: {  	v60 =	vshll.u32 v45, $0x1  }
0x91: {  	v0 =	vadd.s32 v40, v60;
	_ =	sdelay $0x3  }
0x92: {  	v46 =	vld [tilespmem:s5+$0xB80]  }
0x93: {  	v35 =	vld.idx.msk [tilespmem:v0+s18+$0x0], $0xffff;
	_ =	sdelay $0x3  }
0x94: {  	v47 =	vshll.u32 v46, $0x1  }
0x95: {  	v0 =	vadd.s32 v35, v47;
	_ =	sdelay $0x3  }
0x96: {  	v48 =	vld [tilespmem:s5+$0xC00]  }
0x97: {  	v49 =	vld.idx.msk [tilespmem:v0+s18+$0x0], $0xffff;
	_ =	sdelay $0x3  }
0x98: {  	v51 =	vshll.u32 v48, $0x1  }
0x99: {  	v0 =	vadd.s32 v49, v51;
	_ =	sdelay $0x3  }
0x9a: {  	v55 =	vld [tilespmem:s5+$0xC80]  }
0x9b: {  	[tilespmem:$0x1FD60] =	vst v19;
	v19 =	vld.idx.msk [tilespmem:v0+s18+$0x0], $0xffff;
	_ =	sdelay $0x3  }
0x9c: {  	v56 =	vshll.u32 v55, $0x1  }
0x9d: {  	v0 =	vadd.s32 v19, v56;
	_ =	sdelay $0x3  }
0x9e: {  	v57 =	vld [tilespmem:s5+$0xD00]  }
0x9f: {  	v55 =	vld.idx.msk [tilespmem:v0+s18+$0x0], $0xffff;
	_ =	sdelay $0x3  }
0xa0: {  	v58 =	vshll.u32 v57, $0x1  }
0xa1: {  	v0 =	vadd.s32 v55, v58;
	_ =	sdelay $0x3  }
0xa2: {  	v61 =	vld [tilespmem:s5+$0xD80]  }
0xa3: {  	v45 =	vld.idx.msk [tilespmem:v0+s18+$0x0], $0xffff;
	_ =	sdelay $0x3  }
0xa4: {  	[tilespmem:$0x1FDE0] =	vst v56;
	v56 =	vshll.u32 v61, $0x1  }
0xa5: {  	v0 =	vadd.s32 v45, v56;
	_ =	sdelay $0x3  }
0xa6: {  	v62 =	vld [tilespmem:s5+$0xE00]  }
0xa7: {  	v41 =	vld.idx.msk [tilespmem:v0+s18+$0x0], $0xffff;
	_ =	sdelay $0x3  }
0xa8: {  	v57 =	vshll.u32 v62, $0x1  }
0xa9: {  	v0 =	vadd.s32 v41, v57;
	_ =	sdelay $0x3  }
0xaa: {  	v63 =	vld [tilespmem:s5+$0xE80]  }
0xab: {  	v42 =	vld.idx.msk [tilespmem:v0+s18+$0x0], $0xffff;
	_ =	sdelay $0x3  }
0xac: {  	v61 =	vshll.u32 v63, $0x1  }
0xad: {  	v0 =	vadd.s32 v42, v61;
	_ =	sdelay $0x3  }
0xae: {  	[tilespmem:$0x1FDD0] =	vst v19;
	v19 =	vld [tilespmem:s5+$0xF00]  }
0xaf: {  	[tilespmem:$0x1FD70] =	vst v36;
	v36 =	vld.idx.msk [tilespmem:v0+s18+$0x0], $0xffff;
	_ =	sdelay $0x3  }
0xb0: {  	[tilespmem:$0x1FDB0] =	vst v49;
	v49 =	vshll.u32 v19, $0x1  }
0xb1: {  	v0 =	vadd.s32 v36, v49;
	_ =	sdelay $0x3  }
0xb2: {  	v20 =	vld [tilespmem:s5+$0xF80]  }
0xb3: {  	[tilespmem:$0x1FD10] =	vst v30;
	v30 =	vld.idx.msk [tilespmem:v0+s18+$0x0], $0xffff;
	_ =	sdelay $0x3  }
0xb4: {  	[tilespmem:$0x1FCA0] =	vst v21;
	v21 =	vshll.u32 v20, $0x1  }
0xb5: {  	v0 =	vadd.s32 v30, v21;
	_ =	sdelay $0x3  }
0xb6: {  	v22 =	vld [tilespmem:s5+$0x1000]  }
0xb7: {  	[tilespmem:$0x1FDF0] =	vst v58;
	v58 =	vld.idx.msk [tilespmem:v0+s18+$0x0], $0xffff;
	_ =	sdelay $0x3  }
0xb8: {  	[tilespmem:$0x1FCC0] =	vst v23;
	v23 =	vshll.u32 v22, $0x1  }
0xb9: {  	v0 =	vadd.s32 v58, v23;
	_ =	sdelay $0x3  }
0xba: {  	v24 =	vld [tilespmem:s5+$0x1080]  }
0xbb: {  	v62 =	vld.idx.msk [tilespmem:v0+s18+$0x0], $0xffff;
	_ =	sdelay $0x3  }
0xbc: {  	[tilespmem:$0x1FDC0] =	vst v51;
	v51 =	vshll.u32 v24, $0x1  }
0xbd: {  	v0 =	vadd.s32 v62, v51;
	_ =	sdelay $0x3  }
0xbe: {  	[tilespmem:$0x1FCE0] =	vst v25;
	v25 =	vld [tilespmem:s5+$0x1100]  }
0xbf: {  	v43 =	vld.idx.msk [tilespmem:v0+s18+$0x0], $0xffff;
	_ =	sdelay $0x3  }
0xc0: {  	v63 =	vshll.u32 v25, $0x1  }
0xc1: {  	v0 =	vadd.s32 v43, v63;
	_ =	sdelay $0x3  }
0xc2: {  	v26 =	vld [tilespmem:s5+$0x1180]  }
0xc3: {  	v37 =	vld.idx.msk [tilespmem:v0+s18+$0x0], $0xffff;
	_ =	sdelay $0x3  }
0xc4: {  	v46 =	vshll.u32 v26, $0x1  }
0xc5: {  	v0 =	vadd.s32 v37, v46;
	_ =	sdelay $0x3  }
0xc6: {  	[tilespmem:$0x1FD00] =	vst v27;
	v27 =	vld [tilespmem:s5+$0x1200]  }
0xc7: {  	v31 =	vld.idx.msk [tilespmem:v0+s18+$0x0], $0xffff;
	_ =	sdelay $0x3  }
0xc8: {  	[tilespmem:$0x1FDA0] =	vst v47;
	v47 =	vshll.u32 v27, $0x1  }
0xc9: {  	v0 =	vadd.s32 v31, v47;
	_ =	sdelay $0x3  }
0xca: {  	v29 =	vld [tilespmem:s5+$0x1280]  }
0xcb: {  	[tilespmem:$0x1FD30] =	vst v32;
	v32 =	vld.idx.msk [tilespmem:v0+s18+$0x0], $0xffff;
	_ =	sdelay $0x3  }
0xcc: {  	[tilespmem:$0x1FD80] =	vst v38;
	v38 =	vshll.u32 v29, $0x1  }
0xcd: {  	v0 =	vadd.s32 v32, v38;
	_ =	sdelay $0x3  }
0xce: {  	[tilespmem:$0x1FD50] =	vst v34;
	v34 =	vld [tilespmem:s5+$0x1300]  }
0xcf: {  	v26 =	vld.idx.msk [tilespmem:v0+s18+$0x0], $0xffff;
	_ =	sdelay $0x3  }
0xd0: {  	v33 =	vshll.u32 v34, $0x1  }
0xd1: {  	v0 =	vadd.s32 v26, v33;
	_ =	sdelay $0x3  }
0xd2: {  	v39 =	vld [tilespmem:s5+$0x1380]  }
0xd3: {  	v24 =	vld.idx.msk [tilespmem:v0+s18+$0x0], $0xffff;
	_ =	sdelay $0x3  }
0xd4: {  	v27 =	vshll.u32 v39, $0x1  }
0xd5: {  	v0 =	vadd.s32 v24, v27;
	_ =	sdelay $0x3  }
0xd6: {  	v48 =	vld [tilespmem:s5+$0x1400]  }
0xd7: {  	v20 =	vld.idx.msk [tilespmem:v0+s18+$0x0], $0xffff;
	_ =	sdelay $0x3  }
0xd8: {  	v48 =	vshll.u32 v48, $0x1  }
0xd9: {  	v0 =	vadd.s32 v20, v48;
	_ =	sdelay $0x3  }
0xda: {  	v22 =	vld [tilespmem:s5+$0x1480]  }
0xdb: {  	v28 =	vld.idx.msk [tilespmem:v0+s18+$0x0], $0xffff;
	_ =	sdelay $0x3  }
0xdc: {  	v39 =	vshll.u32 v22, $0x1  }
0xdd: {  	v0 =	vadd.s32 v28, v39;
	_ =	sdelay $0x3  }
0xde: {  	[tilespmem:$0x1FE10] =	vst v23;
	v23 =	vld [tilespmem:s5+$0x1500]  }
0xdf: {  	v25 =	vld.idx.msk [tilespmem:v0+s18+$0x0], $0xffff;
	_ =	sdelay $0x3  }
0xe0: {  	v34 =	vshll.u32 v23, $0x1  }
0xe1: {  	v0 =	vadd.s32 v25, v34;
	_ =	sdelay $0x3  }
0xe2: {  	v29 =	vld [tilespmem:s5+$0x1580]  }
0xe3: {  	v22 =	vld.idx.msk [tilespmem:v0+s18+$0x0], $0xffff;
	_ =	sdelay $0x3  }
0xe4: {  	v29 =	vshll.u32 v29, $0x1  }
0xe5: {  	v0 =	vadd.s32 v22, v29  }
0xe6: {  	v1 =	vadd.s32 v3, v2;
	_ =	sdelay $0x1  }
0xe7: {  	v2 =	vadd.s32 v5, v4;
	v5 =	vld [tilespmem:s5+$0x1680];
	v3 =	vadd.s32 v7, v6  }
0xe8: {  	v19 =	vld [tilespmem:s5+$0x1600]  }
0xe9: {  	[tilespmem:$0x1FE00] =	vst v21;
	v21 =	vld.idx.msk [tilespmem:v0+s18+$0x0], $0xffff  }
0xea: {  	v4 =	vadd.s32 v10, v8;
	v8 =	vld.idx.msk [tilespmem:v1+s17+$0x0], $0xffff  }
0xeb: {  	v6 =	vadd.s32 v12, v9;
	v12 =	vld [tilespmem:$0x1FC60]  }
0xec: {  	v10 =	vld.idx.msk [tilespmem:v3+s17+$0x0], $0xffff  }
0xed: {  	v3 =	vld [tilespmem:$0x1FCC0];
	v23 =	vshll.u32 v19, $0x1  }
0xee: {  	v9 =	vld.idx.msk [tilespmem:v2+s17+$0x0], $0xffff;
	v0 =	vadd.s32 v21, v23  }
0xef: {  	v7 =	vadd.s32 v16, v11;
	v11 =	vld.idx.msk [tilespmem:v4+s17+$0x0], $0xffff  }
0xf0: {  	v1 =	vadd.s32 v12, v13;
	v13 =	vld [tilespmem:$0x1FC70]  }
0xf1: {  	v12 =	vld.idx.msk [tilespmem:v6+s17+$0x0], $0xffff  }
0xf2: {  	v4 =	vld [tilespmem:$0x1FC90]  }
0xf3: {  	v19 =	vld.idx.msk [tilespmem:v0+s18+$0x0], $0xffff  }
0xf4: {  	v6 =	vld [tilespmem:$0x1FCA0]  }
0xf5: {  	v2 =	vadd.s32 v13, v18;
	v13 =	vld.idx.msk [tilespmem:v7+s17+$0x0], $0xffff  }
0xf6: {  	v16 =	vld [tilespmem:$0x1FC80]  }
0xf7: {  	v18 =	vshll.u32 v5, $0x1;
	v7 =	vld [tilespmem:$0x1FCB0]  }
0xf8: {  	v4 =	vadd.s32 v4, v17;
	v17 =	vld [tilespmem:$0x1FCD0];
	v0 =	vadd.s32 v19, v18;
	_ =	sdelay $0x2  }
0xf9: {  	v5 =	vadd.s32 v16, v15;
	v15 =	vld.idx.msk [tilespmem:v1+s17+$0x0], $0xffff  }
0xfa: {  	v1 =	vadd.s32 v7, v6;
	v6 =	vld [tilespmem:$0x1FCF0]  }
0xfb: {  	v3 =	vadd.s32 v17, v3;
	v17 =	vld.idx.msk [tilespmem:v0+s18+$0x0], $0xffff  }
0xfc: {  	v7 =	vimm.s32 $0x4;
	v0 =	vld [tilespmem:$0x1FCE0];
	_ =	sdelay $0x4  }
0xfd: {  	v6 =	vadd.s32 v6, v0;
	v0 =	vld.idx.msk [tilespmem:v7+s17+$0x0], $0xffff  }
0xfe: {  	v7 =	vld [tilespmem:$0x1FD00];
	_ =	sdelay $0x3  }
0xff: {  	v0 =	vmin.f32 v0, v8;
	v8 =	vld [tilespmem:$0x1FD10]  }
0x100: {  	v7 =	vadd.s32 v50, v7;
	v50 =	vld [tilespmem:$0x1FD20];
	_ =	sdelay $0x1  }
0x101: {  	v16 =	vld.idx.msk [tilespmem:v2+s17+$0x0], $0xffff  }
0x102: {  	v2 =	vld [tilespmem:s5+$0x1700]  }
0x103: {  	v0 =	vmin.f32 v0, v9;
	v9 =	vld [tilespmem:$0x1FD30]  }
0x104: {  	v8 =	vadd.s32 v50, v8;
	v50 =	vld [tilespmem:$0x1FD40];
	_ =	sdelay $0x1  }
0x105: {  	v5 =	vld.idx.msk [tilespmem:v5+s17+$0x0], $0xffff  }
0x106: {  	v4 =	vld.idx.msk [tilespmem:v4+s17+$0x0], $0xffff;
	v52 =	vadd.s32 v52, v14  }
0x107: {  	v0 =	vmin.f32 v0, v10;
	v10 =	vld [tilespmem:$0x1FD50]  }
0x108: {  	v2 =	vshll.u32 v2, $0x1;
	v0 =	vmin.f32 v0, v11;
	v9 =	vadd.s32 v50, v9;
	v50 =	vld [tilespmem:$0x1FD60]  }
0x109: {  	v14 =	vld.idx.msk [tilespmem:v1+s17+$0x0], $0xffff;
	v1 =	vadd.s32 v17, v2;
	v0 =	vmin.f32 v0, v12  }
0x10a: {  	v3 =	vld.idx.msk [tilespmem:v3+s17+$0x0], $0xffff;
	v0 =	vmin.f32 v0, v13  }
0x10b: {  	v52 =	vld.idx.msk [tilespmem:v52+s17+$0x0], $0xffff;
	v0 =	vmin.f32 v0, v15  }
0x10c: {  	v60 =	vadd.s32 v35, v60;
	v6 =	vld.idx.msk [tilespmem:v6+s17+$0x0], $0xffff;
	v0 =	vmin.f32 v0, v16  }
0x10d: {  	v0 =	vmin.f32 v0, v5;
	v10 =	vadd.s32 v50, v10;
	v50 =	vld [tilespmem:$0x1FD70]  }
0x10e: {  	v1 =	vld.idx.msk [tilespmem:v1+s18+$0x0], $0xffff;
	v0 =	vmin.f32 v0, v4  }
0x10f: {  	v7 =	vld.idx.msk [tilespmem:v7+s17+$0x0], $0xffff;
	v0 =	vmin.f32 v0, v14  }
0x110: {  	v8 =	vld.idx.msk [tilespmem:v8+s17+$0x0], $0xffff;
	v0 =	vmin.f32 v0, v3  }
0x111: {  	v0 =	vmin.f32 v0, v6;
	v6 =	vld.idx.msk [tilespmem:v60+s17+$0x0], $0xffff  }
0x112: {  	v11 =	vadd.s32 v53, v50;
	v50 =	vld [tilespmem:$0x1FD80]  }
0x113: {  	v60 =	vadd.s32 v41, v56;
	v56 =	vld [tilespmem:$0x1FE00]  }
0x114: {  	v9 =	vld.idx.msk [tilespmem:v9+s17+$0x0], $0xffff  }
0x115: {  	v53 =	vld [tilespmem:s5+$0x1780]  }
0x116: {  	v10 =	vld.idx.msk [tilespmem:v10+s17+$0x0], $0xffff  }
0x117: {  	v12 =	vadd.s32 v59, v50;
	v50 =	vld [tilespmem:$0x1FD90]  }
0x118: {  	v5 =	vld.idx.msk [tilespmem:v11+s17+$0x0], $0xffff  }
0x119: {  	v59 =	vadd.s32 v40, v54;
	v54 =	vld [tilespmem:$0x1FDE0]  }
0x11a: {  	v40 =	vld [tilespmem:$0x1FDA0]  }
0x11b: {  	v11 =	vshll.u32 v53, $0x1;
	v53 =	vld [tilespmem:$0x1FDD0]  }
0x11c: {  	v13 =	vadd.s32 v44, v50;
	v44 =	vld [tilespmem:$0x1FDB0]  }
0x11d: {  	v4 =	vld.idx.msk [tilespmem:v12+s17+$0x0], $0xffff  }
0x11e: {  	v12 =	vadd.s32 v1, v11;
	v16 =	vadd.s32 v55, v54;
	v55 =	vld [tilespmem:$0x1FDF0]  }
0x11f: {  	v50 =	vld [tilespmem:$0x1FDC0]  }
0x120: {  	v3 =	vld.idx.msk [tilespmem:v59+s17+$0x0], $0xffff  }
0x121: {  	v59 =	vld [tilespmem:s5+$0x1800];
	v14 =	vadd.s32 v44, v40  }
0x122: {  	v13 =	vld.idx.msk [tilespmem:v13+s17+$0x0], $0xffff  }
0x123: {  	v0 =	vmin.f32 v0, v7;
	v7 =	vadd.s32 v45, v55;
	v12 =	vld.idx.msk [tilespmem:v12+s18+$0x0], $0xffff  }
0x124: {  	v0 =	vmin.f32 v0, v52;
	v15 =	vadd.s32 v53, v50;
	v45 =	vld.idx.msk [tilespmem:v16+s17+$0x0], $0xffff  }
0x125: {  	v41 =	vadd.s32 v42, v57;
	v0 =	vmin.f32 v0, v8;
	v53 =	vld.idx.msk [tilespmem:v60+s17+$0x0], $0xffff  }
0x126: {  	v0 =	vmin.f32 v0, v9;
	v44 =	vadd.s32 v36, v61;
	v8 =	vld.idx.msk [tilespmem:v14+s17+$0x0], $0xffff  }
0x127: {  	v0 =	vmin.f32 v0, v10;
	v50 =	vadd.s32 v30, v49;
	v14 =	vadd.s32 v58, v56;
	v58 =	vld [tilespmem:$0x1FE10]  }
0x128: {  	v0 =	vmin.f32 v0, v5;
	v52 =	vld.idx.msk [tilespmem:v7+s17+$0x0], $0xffff;
	v7 =	vshll.u32 v59, $0x1  }
0x129: {  	v0 =	vmin.f32 v0, v4;
	v42 =	vld.idx.msk [tilespmem:v15+s17+$0x0], $0xffff;
	v54 =	vadd.s32 v12, v7  }
0x12a: {  	v55 =	vld.idx.msk [tilespmem:v41+s17+$0x0], $0xffff;
	v61 =	vadd.s32 v37, v63;
	v63 =	vadd.s32 v31, v46;
	v0 =	vmin.f32 v0, v13  }
0x12b: {  	v57 =	vld.idx.msk [tilespmem:v44+s17+$0x0], $0xffff;
	v0 =	vmin.f32 v0, v3  }
0x12c: {  	v59 =	vld.idx.msk [tilespmem:v50+s17+$0x0], $0xffff;
	v0 =	vmin.f32 v0, v6;
	v15 =	vadd.s32 v62, v58  }
0x12d: {  	v60 =	vadd.s32 v43, v51;
	v0 =	vmin.f32 v0, v8;
	v62 =	vld [tilespmem:s5+$0x1880]  }
0x12e: {  	v0 =	vmin.f32 v0, v42;
	v30 =	vld.idx.msk [tilespmem:v54+s18+$0x0], $0xffff  }
0x12f: {  	v37 =	vadd.s32 v32, v47;
	v46 =	vld.idx.msk [tilespmem:v63+s17+$0x0], $0xffff;
	v0 =	vmin.f32 v0, v45  }
0x130: {  	v41 =	vadd.s32 v26, v38;
	v36 =	vld.idx.msk [tilespmem:v14+s17+$0x0], $0xffff;
	v0 =	vmin.f32 v0, v52  }
0x131: {  	v43 =	vadd.s32 v24, v33;
	v0 =	vmin.f32 v0, v53;
	v40 =	vld.idx.msk [tilespmem:v15+s17+$0x0], $0xffff  }
0x132: {  	v44 =	vadd.s32 v20, v27;
	v42 =	vld.idx.msk [tilespmem:v60+s17+$0x0], $0xffff;
	v0 =	vmin.f32 v0, v55;
	v45 =	vshll.u32 v62, $0x1  }
0x133: {  	v8 =	vld.idx.msk [tilespmem:v61+s17+$0x0], $0xffff;
	v0 =	vmin.f32 v0, v57;
	v47 =	vadd.s32 v30, v45  }
0x134: {  	v49 =	vld.idx.msk [tilespmem:v37+s17+$0x0], $0xffff;
	v50 =	vadd.s32 v28, v48;
	v0 =	vmin.f32 v0, v59  }
0x135: {  	v51 =	vld.idx.msk [tilespmem:v41+s17+$0x0], $0xffff;
	v52 =	vadd.s32 v25, v39;
	v0 =	vmin.f32 v0, v36  }
0x136: {  	v54 =	vadd.s32 v22, v34;
	v53 =	vld.idx.msk [tilespmem:v43+s17+$0x0], $0xffff;
	v0 =	vmin.f32 v0, v40  }
0x137: {  	v56 =	vadd.s32 v21, v29;
	v55 =	vld.idx.msk [tilespmem:v44+s17+$0x0], $0xffff;
	v0 =	vmin.f32 v0, v42  }
0x138: {  	v57 =	vadd.s32 v19, v23;
	v9 =	vld.idx.msk [tilespmem:v47+s18+$0x0], $0xffff;
	v0 =	vmin.f32 v0, v8  }
0x139: {  	v58 =	vld.idx.msk [tilespmem:v50+s17+$0x0], $0xffff;
	v59 =	vadd.s32 v17, v18;
	v0 =	vmin.f32 v0, v46  }
0x13a: {  	v1 =	vadd.s32 v1, v2;
	v60 =	vld.idx.msk [tilespmem:v52+s17+$0x0], $0xffff;
	v0 =	vmin.f32 v0, v49  }
0x13b: {  	v62 =	vadd.s32 v12, v11;
	v61 =	vld.idx.msk [tilespmem:v54+s17+$0x0], $0xffff;
	v0 =	vmin.f32 v0, v51  }
0x13c: {  	v63 =	vld.idx.msk [tilespmem:v56+s17+$0x0], $0xffff;
	v7 =	vadd.s32 v30, v7;
	v0 =	vmin.f32 v0, v53  }
0x13d: {  	v12 =	vld.idx.msk [tilespmem:v57+s17+$0x0], $0xffff;
	v13 =	vadd.s32 v9, v45;
	v0 =	vmin.f32 v0, v55  }
0x13e: {  	v15 =	vld.idx.msk [tilespmem:v59+s17+$0x0], $0xffff;
	v0 =	vmin.f32 v0, v58  }
0x13f: {  	v1 =	vld.idx.msk [tilespmem:v1+s17+$0x0], $0xffff;
	v0 =	vmin.f32 v0, v60  }
0x140: {  	v16 =	vld.idx.msk [tilespmem:v62+s17+$0x0], $0xffff;
	v0 =	vmin.f32 v0, v61  }
0x141: {  	v17 =	vld.idx.msk [tilespmem:v7+s17+$0x0], $0xffff;
	v0 =	vmin.f32 v0, v63  }
0x142: {  	v18 =	vld.idx.msk [tilespmem:v13+s17+$0x0], $0xffff;
	v0 =	vmin.f32 v0, v12  }
0x143: {  	v19 =	vld [tilespmem:$0x1C00];
	v0 =	vmin.f32 v0, v15  }
0x144: {  	v0 =	vmin.f32 v0, v1  }
0x145: {  	v0 =	vmin.f32 v0, v16  }
0x146: {  	v20 =	vimm.s32 $0x4;
	v0 =	vmin.f32 v0, v17  }
0x147: {  	v0 =	vmin.f32 v0, v18  }
0x148: {  	[tilespmem:$0x2080] =	vst v9;
	v0 =	vmin.f32 v0, v19  }
0x149: {  	[tilespmem:$0x2000] =	vst v0  }
0x14a: {  	v0 =	vld [tilespmem:s5+$0x10]  }
0x14b: {  	v1 =	vld.idx.msk [tilespmem:v20+s18+$0x0], $0xffff;
	_ =	sdelay $0x3  }
0x14c: {  	v2 =	vshll.u32 v0, $0x1  }
0x14d: {  	v0 =	vadd.s32 v1, v2;
	_ =	sdelay $0x3  }
0x14e: {  	v21 =	vld [tilespmem:s5+$0x90]  }
0x14f: {  	v3 =	vld.idx.msk [tilespmem:v0+s18+$0x0], $0xffff;
	_ =	sdelay $0x3  }
0x150: {  	v4 =	vshll.u32 v21, $0x1  }
0x151: {  	v0 =	vadd.s32 v3, v4;
	_ =	sdelay $0x3  }
0x152: {  	v22 =	vld [tilespmem:s5+$0x110]  }
0x153: {  	v5 =	vld.idx.msk [tilespmem:v0+s18+$0x0], $0xffff;
	_ =	sdelay $0x3  }
0x154: {  	v6 =	vshll.u32 v22, $0x1  }
0x155: {  	v0 =	vadd.s32 v5, v6;
	_ =	sdelay $0x3  }
0x156: {  	v23 =	vld [tilespmem:s5+$0x190]  }
0x157: {  	v7 =	vld.idx.msk [tilespmem:v0+s18+$0x0], $0xffff;
	_ =	sdelay $0x3  }
0x158: {  	v8 =	vshll.u32 v23, $0x1  }
0x159: {  	v0 =	vadd.s32 v7, v8;
	_ =	sdelay $0x3  }
0x15a: {  	v24 =	vld [tilespmem:s5+$0x210]  }
0x15b: {  	v10 =	vld.idx.msk [tilespmem:v0+s18+$0x0], $0xffff;
	_ =	sdelay $0x3  }
0x15c: {  	v9 =	vshll.u32 v24, $0x1  }
0x15d: {  	v0 =	vadd.s32 v10, v9;
	_ =	sdelay $0x3  }
0x15e: {  	v25 =	vld [tilespmem:s5+$0x290]  }
0x15f: {  	v12 =	vld.idx.msk [tilespmem:v0+s18+$0x0], $0xffff;
	_ =	sdelay $0x3  }
0x160: {  	v11 =	vshll.u32 v25, $0x1  }
0x161: {  	v0 =	vadd.s32 v12, v11;
	_ =	sdelay $0x3  }
0x162: {  	v26 =	vld [tilespmem:s5+$0x310]  }
0x163: {  	v16 =	vld.idx.msk [tilespmem:v0+s18+$0x0], $0xffff;
	_ =	sdelay $0x3  }
0x164: {  	v13 =	vshll.u32 v26, $0x1  }
0x165: {  	v0 =	vadd.s32 v16, v13;
	_ =	sdelay $0x3  }
0x166: {  	v27 =	vld [tilespmem:s5+$0x390]  }
0x167: {  	v0 =	vld.idx.msk [tilespmem:v0+s18+$0x0], $0xffff;
	_ =	sdelay $0x3  }
0x168: {  	v18 =	vshll.u32 v27, $0x1  }
0x169: {  	[tilespmem:$0x1FE20] =	vst v0;
	v0 =	vadd.s32 v0, v18;
	_ =	sdelay $0x3  }
0x16a: {  	v28 =	vld [tilespmem:s5+$0x410]  }
0x16b: {  	v0 =	vld.idx.msk [tilespmem:v0+s18+$0x0], $0xffff;
	_ =	sdelay $0x3  }
0x16c: {  	v15 =	vshll.u32 v28, $0x1  }
0x16d: {  	[tilespmem:$0x1FE30] =	vst v0;
	v0 =	vadd.s32 v0, v15;
	_ =	sdelay $0x3  }
0x16e: {  	v29 =	vld [tilespmem:s5+$0x490]  }
0x16f: {  	v0 =	vld.idx.msk [tilespmem:v0+s18+$0x0], $0xffff;
	_ =	sdelay $0x3  }
0x170: {  	v17 =	vshll.u32 v29, $0x1  }
0x171: {  	[tilespmem:$0x1FE40] =	vst v0;
	v0 =	vadd.s32 v0, v17;
	_ =	sdelay $0x3  }
0x172: {  	v30 =	vld [tilespmem:s5+$0x510]  }
0x173: {  	v31 =	vld.idx.msk [tilespmem:v0+s18+$0x0], $0xffff;
	_ =	sdelay $0x3  }
0x174: {  	v32 =	vshll.u32 v30, $0x1  }
0x175: {  	v0 =	vadd.s32 v31, v32;
	_ =	sdelay $0x3  }
0x176: {  	v33 =	vld [tilespmem:s5+$0x590]  }
0x177: {  	v14 =	vld.idx.msk [tilespmem:v0+s18+$0x0], $0xffff;
	_ =	sdelay $0x3  }
0x178: {  	v34 =	vshll.u32 v33, $0x1  }
0x179: {  	v0 =	vadd.s32 v14, v34;
	_ =	sdelay $0x3  }
0x17a: {  	v35 =	vld [tilespmem:s5+$0x610]  }
0x17b: {  	[tilespmem:$0x1FE70] =	vst v14;
	v14 =	vld.idx.msk [tilespmem:v0+s18+$0x0], $0xffff;
	_ =	sdelay $0x3  }
0x17c: {  	v36 =	vshll.u32 v35, $0x1  }
0x17d: {  	v0 =	vadd.s32 v14, v36;
	_ =	sdelay $0x3  }
0x17e: {  	v37 =	vld [tilespmem:s5+$0x690]  }
0x17f: {  	[tilespmem:$0x1FE90] =	vst v14;
	v14 =	vld.idx.msk [tilespmem:v0+s18+$0x0], $0xffff;
	_ =	sdelay $0x3  }
0x180: {  	v38 =	vshll.u32 v37, $0x1  }
0x181: {  	v0 =	vadd.s32 v14, v38;
	_ =	sdelay $0x3  }
0x182: {  	v39 =	vld [tilespmem:s5+$0x710]  }
0x183: {  	v51 =	vld.idx.msk [tilespmem:v0+s18+$0x0], $0xffff;
	_ =	sdelay $0x3  }
0x184: {  	[tilespmem:$0x1FEB0] =	vst v14;
	v14 =	vshll.u32 v39, $0x1  }
0x185: {  	v0 =	vadd.s32 v51, v14;
	_ =	sdelay $0x3  }
0x186: {  	v40 =	vld [tilespmem:s5+$0x790]  }
0x187: {  	v50 =	vld.idx.msk [tilespmem:v0+s18+$0x0], $0xffff;
	_ =	sdelay $0x3  }
0x188: {  	v41 =	vshll.u32 v40, $0x1  }
0x189: {  	v0 =	vadd.s32 v50, v41;
	_ =	sdelay $0x3  }
0x18a: {  	v42 =	vld [tilespmem:s5+$0x810]  }
0x18b: {  	v43 =	vld.idx.msk [tilespmem:v0+s18+$0x0], $0xffff;
	_ =	sdelay $0x3  }
0x18c: {  	v44 =	vshll.u32 v42, $0x1  }
0x18d: {  	v0 =	vadd.s32 v43, v44;
	_ =	sdelay $0x3  }
0x18e: {  	v45 =	vld [tilespmem:s5+$0x890]  }
0x18f: {  	v19 =	vld.idx.msk [tilespmem:v0+s18+$0x0], $0xffff;
	_ =	sdelay $0x3  }
0x190: {  	v46 =	vshll.u32 v45, $0x1  }
0x191: {  	v0 =	vadd.s32 v19, v46;
	_ =	sdelay $0x3  }
0x192: {  	v47 =	vld [tilespmem:s5+$0x910]  }
0x193: {  	[tilespmem:$0x1FF00] =	vst v19;
	v19 =	vld.idx.msk [tilespmem:v0+s18+$0x0], $0xffff;
	_ =	sdelay $0x3  }
0x194: {  	v48 =	vshll.u32 v47, $0x1  }
0x195: {  	v0 =	vadd.s32 v19, v48;
	_ =	sdelay $0x3  }
0x196: {  	v49 =	vld [tilespmem:s5+$0x990]  }
0x197: {  	[tilespmem:$0x1FF20] =	vst v19;
	v19 =	vld.idx.msk [tilespmem:v0+s18+$0x0], $0xffff;
	_ =	sdelay $0x3  }
0x198: {  	v52 =	vshll.u32 v49, $0x1  }
0x199: {  	v0 =	vadd.s32 v19, v52;
	_ =	sdelay $0x3  }
0x19a: {  	v53 =	vld [tilespmem:s5+$0xA10]  }
0x19b: {  	v56 =	vld.idx.msk [tilespmem:v0+s18+$0x0], $0xffff;
	_ =	sdelay $0x3  }
0x19c: {  	v54 =	vshll.u32 v53, $0x1  }
0x19d: {  	v0 =	vadd.s32 v56, v54;
	_ =	sdelay $0x3  }
0x19e: {  	v55 =	vld [tilespmem:s5+$0xA90]  }
0x19f: {  	v45 =	vld.idx.msk [tilespmem:v0+s18+$0x0], $0xffff;
	_ =	sdelay $0x3  }
0x1a0: {  	[tilespmem:$0x1FF50] =	vst v52;
	v52 =	vshll.u32 v55, $0x1  }
0x1a1: {  	v0 =	vadd.s32 v45, v52;
	_ =	sdelay $0x3  }
0x1a2: {  	v57 =	vld [tilespmem:s5+$0xB10]  }
0x1a3: {  	v62 =	vld.idx.msk [tilespmem:v0+s18+$0x0], $0xffff;
	_ =	sdelay $0x3  }
0x1a4: {  	v57 =	vshll.u32 v57, $0x1  }
0x1a5: {  	v0 =	vadd.s32 v62, v57;
	_ =	sdelay $0x3  }
0x1a6: {  	v58 =	vld [tilespmem:s5+$0xB90]  }
0x1a7: {  	v40 =	vld.idx.msk [tilespmem:v0+s18+$0x0], $0xffff;
	_ =	sdelay $0x3  }
0x1a8: {  	v59 =	vshll.u32 v58, $0x1  }
0x1a9: {  	v0 =	vadd.s32 v40, v59;
	_ =	sdelay $0x3  }
0x1aa: {  	v60 =	vld [tilespmem:s5+$0xC10]  }
0x1ab: {  	v61 =	vld.idx.msk [tilespmem:v0+s18+$0x0], $0xffff;
	_ =	sdelay $0x3  }
0x1ac: {  	v63 =	vshll.u32 v60, $0x1  }
0x1ad: {  	v0 =	vadd.s32 v61, v63;
	_ =	sdelay $0x3  }
0x1ae: {  	[tilespmem:$0x1FF40] =	vst v19;
	v19 =	vld [tilespmem:s5+$0xC90]  }
0x1af: {  	v53 =	vld.idx.msk [tilespmem:v0+s18+$0x0], $0xffff;
	_ =	sdelay $0x3  }
0x1b0: {  	v20 =	vshll.u32 v19, $0x1  }
0x1b1: {  	v0 =	vadd.s32 v53, v20;
	_ =	sdelay $0x3  }
0x1b2: {  	v21 =	vld [tilespmem:s5+$0xD10]  }
0x1b3: {  	v58 =	vld.idx.msk [tilespmem:v0+s18+$0x0], $0xffff;
	_ =	sdelay $0x3  }
0x1b4: {  	v22 =	vshll.u32 v21, $0x1  }
0x1b5: {  	v0 =	vadd.s32 v58, v22;
	_ =	sdelay $0x3  }
0x1b6: {  	v23 =	vld [tilespmem:s5+$0xD90]  }
0x1b7: {  	[tilespmem:$0x1FF10] =	vst v46;
	v46 =	vld.idx.msk [tilespmem:v0+s18+$0x0], $0xffff;
	_ =	sdelay $0x3  }
0x1b8: {  	[tilespmem:$0x1FF60] =	vst v54;
	v54 =	vshll.u32 v23, $0x1  }
0x1b9: {  	v0 =	vadd.s32 v46, v54;
	_ =	sdelay $0x3  }
0x1ba: {  	v24 =	vld [tilespmem:s5+$0xE10]  }
0x1bb: {  	[tilespmem:$0x1FF90] =	vst v63;
	v63 =	vld.idx.msk [tilespmem:v0+s18+$0x0], $0xffff;
	_ =	sdelay $0x3  }
0x1bc: {  	[tilespmem:$0x1FF70] =	vst v59;
	v59 =	vshll.u32 v24, $0x1  }
0x1bd: {  	v0 =	vadd.s32 v63, v59;
	_ =	sdelay $0x3  }
0x1be: {  	v25 =	vld [tilespmem:s5+$0xE90]  }
0x1bf: {  	[tilespmem:$0x1FEA0] =	vst v36;
	v36 =	vld.idx.msk [tilespmem:v0+s18+$0x0], $0xffff;
	_ =	sdelay $0x3  }
0x1c0: {  	v47 =	vshll.u32 v25, $0x1  }
0x1c1: {  	v0 =	vadd.s32 v36, v47;
	_ =	sdelay $0x3  }
0x1c2: {  	v26 =	vld [tilespmem:s5+$0xF10]  }
0x1c3: {  	[tilespmem:$0x1FE60] =	vst v32;
	v32 =	vld.idx.msk [tilespmem:v0+s18+$0x0], $0xffff;
	_ =	sdelay $0x3  }
0x1c4: {  	[tilespmem:$0x1FEF0] =	vst v44;
	v44 =	vshll.u32 v26, $0x1  }
0x1c5: {  	v0 =	vadd.s32 v32, v44;
	_ =	sdelay $0x3  }
0x1c6: {  	v27 =	vld [tilespmem:s5+$0xF90]  }
0x1c7: {  	v30 =	vld.idx.msk [tilespmem:v0+s18+$0x0], $0xffff;
	_ =	sdelay $0x3  }
0x1c8: {  	v28 =	vshll.u32 v27, $0x1  }
0x1c9: {  	v0 =	vadd.s32 v30, v28;
	_ =	sdelay $0x3  }
0x1ca: {  	v29 =	vld [tilespmem:s5+$0x1010]  }
0x1cb: {  	v60 =	vld.idx.msk [tilespmem:v0+s18+$0x0], $0xffff;
	_ =	sdelay $0x3  }
0x1cc: {  	[tilespmem:$0x1FE50] =	vst v31;
	v31 =	vshll.u32 v29, $0x1  }
0x1cd: {  	v0 =	vadd.s32 v60, v31;
	_ =	sdelay $0x3  }
0x1ce: {  	v33 =	vld [tilespmem:s5+$0x1090]  }
0x1cf: {  	[tilespmem:$0x1FF30] =	vst v48;
	v48 =	vld.idx.msk [tilespmem:v0+s18+$0x0], $0xffff;
	_ =	sdelay $0x3  }
0x1d0: {  	v55 =	vshll.u32 v33, $0x1  }
0x1d1: {  	v0 =	vadd.s32 v48, v55;
	_ =	sdelay $0x3  }
0x1d2: {  	[tilespmem:$0x1FE80] =	vst v34;
	v34 =	vld [tilespmem:s5+$0x1110]  }
0x1d3: {  	[tilespmem:$0x1FED0] =	vst v41;
	v41 =	vld.idx.msk [tilespmem:v0+s18+$0x0], $0xffff;
	_ =	sdelay $0x3  }
0x1d4: {  	[tilespmem:$0x1FF80] =	vst v61;
	v61 =	vshll.u32 v34, $0x1  }
0x1d5: {  	v0 =	vadd.s32 v41, v61;
	_ =	sdelay $0x3  }
0x1d6: {  	v35 =	vld [tilespmem:s5+$0x1190]  }
0x1d7: {  	v37 =	vld.idx.msk [tilespmem:v0+s18+$0x0], $0xffff;
	_ =	sdelay $0x3  }
0x1d8: {  	v49 =	vshll.u32 v35, $0x1  }
0x1d9: {  	v0 =	vadd.s32 v37, v49;
	_ =	sdelay $0x3  }
0x1da: {  	[tilespmem:$0x1FEC0] =	vst v38;
	v38 =	vld [tilespmem:s5+$0x1210]  }
0x1db: {  	v33 =	vld.idx.msk [tilespmem:v0+s18+$0x0], $0xffff;
	_ =	sdelay $0x3  }
0x1dc: {  	v42 =	vshll.u32 v38, $0x1  }
0x1dd: {  	v0 =	vadd.s32 v33, v42;
	_ =	sdelay $0x3  }
0x1de: {  	v39 =	vld [tilespmem:s5+$0x1290]  }
0x1df: {  	[tilespmem:$0x1FFD0] =	vst v31;
	v31 =	vld.idx.msk [tilespmem:v0+s18+$0x0], $0xffff;
	_ =	sdelay $0x3  }
0x1e0: {  	v38 =	vshll.u32 v39, $0x1  }
0x1e1: {  	v0 =	vadd.s32 v31, v38;
	_ =	sdelay $0x3  }
0x1e2: {  	[tilespmem:$0x1FEE0] =	vst v43;
	v43 =	vld [tilespmem:s5+$0x1310]  }
0x1e3: {  	v24 =	vld.idx.msk [tilespmem:v0+s18+$0x0], $0xffff;
	_ =	sdelay $0x3  }
0x1e4: {  	v34 =	vshll.u32 v43, $0x1  }
0x1e5: {  	v0 =	vadd.s32 v24, v34;
	_ =	sdelay $0x3  }
0x1e6: {  	v19 =	vld [tilespmem:s5+$0x1390]  }
0x1e7: {  	[tilespmem:$0x1FFB0] =	vst v22;
	v22 =	vld.idx.msk [tilespmem:v0+s18+$0x0], $0xffff;
	_ =	sdelay $0x3  }
0x1e8: {  	v27 =	vshll.u32 v19, $0x1  }
0x1e9: {  	v0 =	vadd.s32 v22, v27;
	_ =	sdelay $0x3  }
0x1ea: {  	v25 =	vld [tilespmem:s5+$0x1410]  }
0x1eb: {  	[tilespmem:$0x1FFA0] =	vst v20;
	v20 =	vld.idx.msk [tilespmem:v0+s18+$0x0], $0xffff;
	_ =	sdelay $0x3  }
0x1ec: {  	v43 =	vshll.u32 v25, $0x1  }
0x1ed: {  	v0 =	vadd.s32 v20, v43;
	_ =	sdelay $0x3  }
0x1ee: {  	v26 =	vld [tilespmem:s5+$0x1490]  }
0x1ef: {  	[tilespmem:$0x1FFC0] =	vst v28;
	v28 =	vld.idx.msk [tilespmem:v0+s18+$0x0], $0xffff;
	_ =	sdelay $0x3  }
0x1f0: {  	v39 =	vshll.u32 v26, $0x1  }
0x1f1: {  	v0 =	vadd.s32 v28, v39;
	_ =	sdelay $0x3  }
0x1f2: {  	v35 =	vld [tilespmem:s5+$0x1510]  }
0x1f3: {  	v25 =	vld.idx.msk [tilespmem:v0+s18+$0x0], $0xffff;
	_ =	sdelay $0x3  }
0x1f4: {  	v35 =	vshll.u32 v35, $0x1  }
0x1f5: {  	v0 =	vadd.s32 v25, v35;
	_ =	sdelay $0x3  }
0x1f6: {  	v19 =	vld [tilespmem:s5+$0x1590]  }
0x1f7: {  	v23 =	vld.idx.msk [tilespmem:v0+s18+$0x0], $0xffff;
	_ =	sdelay $0x3  }
0x1f8: {  	v29 =	vshll.u32 v19, $0x1  }
0x1f9: {  	v0 =	vadd.s32 v23, v29  }
0x1fa: {  	v1 =	vadd.s32 v3, v2;
	_ =	sdelay $0x1  }
0x1fb: {  	v2 =	vadd.s32 v5, v4;
	v5 =	vld [tilespmem:s5+$0x1690];
	v3 =	vadd.s32 v7, v6  }
0x1fc: {  	v26 =	vld [tilespmem:s5+$0x1610]  }
0x1fd: {  	v21 =	vld.idx.msk [tilespmem:v0+s18+$0x0], $0xffff  }
0x1fe: {  	v4 =	vadd.s32 v10, v8;
	v8 =	vld.idx.msk [tilespmem:v1+s17+$0x0], $0xffff  }
0x1ff: {  	v6 =	vadd.s32 v12, v9;
	v12 =	vld [tilespmem:$0x1FE20]  }
0x200: {  	v10 =	vld.idx.msk [tilespmem:v3+s17+$0x0], $0xffff  }
0x201: {  	v3 =	vld [tilespmem:$0x1FE80];
	v26 =	vshll.u32 v26, $0x1  }
0x202: {  	v9 =	vld.idx.msk [tilespmem:v2+s17+$0x0], $0xffff;
	v0 =	vadd.s32 v21, v26  }
0x203: {  	v7 =	vadd.s32 v16, v11;
	v11 =	vld.idx.msk [tilespmem:v4+s17+$0x0], $0xffff  }
0x204: {  	v1 =	vadd.s32 v12, v13;
	v13 =	vld [tilespmem:$0x1FE30]  }
0x205: {  	v12 =	vld.idx.msk [tilespmem:v6+s17+$0x0], $0xffff  }
0x206: {  	v4 =	vld [tilespmem:$0x1FE50]  }
0x207: {  	v19 =	vld.idx.msk [tilespmem:v0+s18+$0x0], $0xffff  }
0x208: {  	v6 =	vld [tilespmem:$0x1FE60]  }
0x209: {  	v2 =	vadd.s32 v13, v18;
	v13 =	vld.idx.msk [tilespmem:v7+s17+$0x0], $0xffff  }
0x20a: {  	v16 =	vld [tilespmem:$0x1FE40]  }
0x20b: {  	v18 =	vshll.u32 v5, $0x1;
	v7 =	vld [tilespmem:$0x1FE70]  }
0x20c: {  	v4 =	vadd.s32 v4, v17;
	v17 =	vld [tilespmem:$0x1FE90];
	v0 =	vadd.s32 v19, v18;
	_ =	sdelay $0x2  }
0x20d: {  	v5 =	vadd.s32 v16, v15;
	v15 =	vld.idx.msk [tilespmem:v1+s17+$0x0], $0xffff  }
0x20e: {  	v1 =	vadd.s32 v7, v6;
	v6 =	vld [tilespmem:$0x1FEB0]  }
0x20f: {  	v3 =	vadd.s32 v17, v3;
	v17 =	vld.idx.msk [tilespmem:v0+s18+$0x0], $0xffff  }
0x210: {  	v7 =	vimm.s32 $0x4;
	v0 =	vld [tilespmem:$0x1FEA0];
	_ =	sdelay $0x3  }
0x211: {  	v16 =	vld.idx.msk [tilespmem:v2+s17+$0x0], $0xffff  }
0x212: {  	v6 =	vadd.s32 v6, v0;
	v0 =	vld.idx.msk [tilespmem:v7+s17+$0x0], $0xffff  }
0x213: {  	v7 =	vld [tilespmem:$0x1FEC0]  }
0x214: {  	v2 =	vld [tilespmem:s5+$0x1710]  }
0x215: {  	v5 =	vld.idx.msk [tilespmem:v5+s17+$0x0], $0xffff  }
0x216: {  	v4 =	vld.idx.msk [tilespmem:v4+s17+$0x0], $0xffff;
	v50 =	vadd.s32 v50, v14  }
0x217: {  	v0 =	vmin.f32 v0, v8;
	v8 =	vld [tilespmem:$0x1FED0]  }
0x218: {  	v7 =	vadd.s32 v51, v7;
	v51 =	vld [tilespmem:$0x1FEE0]  }
0x219: {  	v3 =	vld.idx.msk [tilespmem:v3+s17+$0x0], $0xffff  }
0x21a: {  	v14 =	vld.idx.msk [tilespmem:v1+s17+$0x0], $0xffff  }
0x21b: {  	v50 =	vld.idx.msk [tilespmem:v50+s17+$0x0], $0xffff  }
0x21c: {  	v0 =	vmin.f32 v0, v9;
	v9 =	vld [tilespmem:$0x1FEF0]  }
0x21d: {  	v2 =	vshll.u32 v2, $0x1;
	v8 =	vadd.s32 v51, v8;
	v51 =	vld [tilespmem:$0x1FF00]  }
0x21e: {  	v62 =	vadd.s32 v62, v52;
	v52 =	vld [tilespmem:$0x1FF80];
	v1 =	vadd.s32 v17, v2;
	v0 =	vmin.f32 v0, v10  }
0x21f: {  	v6 =	vld.idx.msk [tilespmem:v6+s17+$0x0], $0xffff;
	v0 =	vmin.f32 v0, v11  }
0x220: {  	v0 =	vmin.f32 v0, v12;
	v12 =	vld [tilespmem:$0x1FF50]  }
0x221: {  	v10 =	vld [tilespmem:$0x1FF10]  }
0x222: {  	v9 =	vadd.s32 v51, v9;
	v51 =	vld [tilespmem:$0x1FF20]  }
0x223: {  	v1 =	vld.idx.msk [tilespmem:v1+s18+$0x0], $0xffff  }
0x224: {  	v11 =	vld [tilespmem:$0x1FF30]  }
0x225: {  	v12 =	vadd.s32 v56, v12;
	v56 =	vld [tilespmem:$0x1FF60]  }
0x226: {  	v7 =	vld.idx.msk [tilespmem:v7+s17+$0x0], $0xffff  }
0x227: {  	v0 =	vmin.f32 v0, v13;
	v10 =	vadd.s32 v51, v10;
	v51 =	vld [tilespmem:$0x1FF40]  }
0x228: {  	v0 =	vmin.f32 v0, v15;
	v15 =	vld.idx.msk [tilespmem:v62+s17+$0x0], $0xffff  }
0x229: {  	v62 =	vld [tilespmem:s5+$0x1810]  }
0x22a: {  	v0 =	vmin.f32 v0, v16;
	v13 =	vadd.s32 v45, v56;
	v45 =	vadd.s32 v40, v57;
	v57 =	vld [tilespmem:$0x1FFA0]  }
0x22b: {  	v0 =	vmin.f32 v0, v5;
	v8 =	vld.idx.msk [tilespmem:v8+s17+$0x0], $0xffff  }
0x22c: {  	v0 =	vmin.f32 v0, v4;
	v56 =	vld [tilespmem:$0x1FF90];
	v11 =	vadd.s32 v51, v11  }
0x22d: {  	v0 =	vmin.f32 v0, v14;
	v51 =	vld [tilespmem:s5+$0x1790]  }
0x22e: {  	v0 =	vmin.f32 v0, v3;
	v4 =	vld.idx.msk [tilespmem:v12+s17+$0x0], $0xffff  }
0x22f: {  	v0 =	vmin.f32 v0, v6;
	v6 =	vadd.s32 v58, v57;
	v58 =	vld [tilespmem:$0x1FFB0]  }
0x230: {  	v9 =	vld.idx.msk [tilespmem:v9+s17+$0x0], $0xffff  }
0x231: {  	v3 =	vadd.s32 v53, v56;
	v5 =	vld.idx.msk [tilespmem:v11+s17+$0x0], $0xffff  }
0x232: {  	v11 =	vshll.u32 v51, $0x1;
	v51 =	vld [tilespmem:$0x1FF70]  }
0x233: {  	v13 =	vld.idx.msk [tilespmem:v13+s17+$0x0], $0xffff;
	v12 =	vadd.s32 v1, v11  }
0x234: {  	v0 =	vmin.f32 v0, v7;
	v16 =	vld.idx.msk [tilespmem:v45+s17+$0x0], $0xffff;
	v7 =	vadd.s32 v46, v58  }
0x235: {  	v10 =	vld.idx.msk [tilespmem:v10+s17+$0x0], $0xffff  }
0x236: {  	v3 =	vld.idx.msk [tilespmem:v3+s17+$0x0], $0xffff  }
0x237: {  	v6 =	vld.idx.msk [tilespmem:v6+s17+$0x0], $0xffff;
	v14 =	vadd.s32 v52, v51  }
0x238: {  	v0 =	vmin.f32 v0, v50;
	v53 =	vadd.s32 v32, v47;
	v12 =	vld.idx.msk [tilespmem:v12+s18+$0x0], $0xffff  }
0x239: {  	v0 =	vmin.f32 v0, v8;
	v56 =	vld.idx.msk [tilespmem:v7+s17+$0x0], $0xffff  }
0x23a: {  	v0 =	vmin.f32 v0, v9;
	v51 =	vadd.s32 v63, v54;
	v52 =	vadd.s32 v36, v59;
	v59 =	vld [tilespmem:$0x1FFC0]  }
0x23b: {  	v0 =	vmin.f32 v0, v10;
	v7 =	vshll.u32 v62, $0x1;
	v62 =	vld [tilespmem:$0x1FFD0]  }
0x23c: {  	v54 =	vadd.s32 v30, v44;
	v0 =	vmin.f32 v0, v5;
	v14 =	vld.idx.msk [tilespmem:v14+s17+$0x0], $0xffff  }
0x23d: {  	v9 =	vld.idx.msk [tilespmem:v53+s17+$0x0], $0xffff;
	v0 =	vmin.f32 v0, v4;
	v58 =	vadd.s32 v12, v7  }
0x23e: {  	v63 =	vadd.s32 v41, v55;
	v36 =	vadd.s32 v37, v61;
	v37 =	vld [tilespmem:s5+$0x1890];
	v0 =	vmin.f32 v0, v13  }
0x23f: {  	v0 =	vmin.f32 v0, v15;
	v57 =	vld.idx.msk [tilespmem:v51+s17+$0x0], $0xffff;
	v13 =	vadd.s32 v60, v59  }
0x240: {  	v15 =	vadd.s32 v48, v62;
	v0 =	vmin.f32 v0, v16;
	v8 =	vld.idx.msk [tilespmem:v52+s17+$0x0], $0xffff  }
0x241: {  	v41 =	vadd.s32 v31, v42;
	v42 =	vadd.s32 v24, v38;
	v10 =	vld.idx.msk [tilespmem:v54+s17+$0x0], $0xffff;
	v0 =	vmin.f32 v0, v14  }
0x242: {  	v0 =	vmin.f32 v0, v3;
	v30 =	vld.idx.msk [tilespmem:v58+s18+$0x0], $0xffff  }
0x243: {  	v40 =	vadd.s32 v33, v49;
	v16 =	vld.idx.msk [tilespmem:v63+s17+$0x0], $0xffff;
	v0 =	vmin.f32 v0, v6  }
0x244: {  	v13 =	vld.idx.msk [tilespmem:v13+s17+$0x0], $0xffff;
	v0 =	vmin.f32 v0, v56  }
0x245: {  	v44 =	vadd.s32 v22, v34;
	v15 =	vld.idx.msk [tilespmem:v15+s17+$0x0], $0xffff;
	v0 =	vmin.f32 v0, v57  }
0x246: {  	v45 =	vadd.s32 v20, v27;
	v46 =	vshll.u32 v37, $0x1;
	v5 =	vld.idx.msk [tilespmem:v42+s17+$0x0], $0xffff;
	v0 =	vmin.f32 v0, v8  }
0x247: {  	v14 =	vld.idx.msk [tilespmem:v36+s17+$0x0], $0xffff;
	v0 =	vmin.f32 v0, v9;
	v47 =	vadd.s32 v30, v46  }
0x248: {  	v48 =	vadd.s32 v28, v43;
	v3 =	vld.idx.msk [tilespmem:v40+s17+$0x0], $0xffff;
	v0 =	vmin.f32 v0, v10  }
0x249: {  	v49 =	vadd.s32 v25, v39;
	v6 =	vld.idx.msk [tilespmem:v41+s17+$0x0], $0xffff;
	v0 =	vmin.f32 v0, v13  }
0x24a: {  	v50 =	vadd.s32 v23, v35;
	v4 =	vld.idx.msk [tilespmem:v44+s17+$0x0], $0xffff;
	v0 =	vmin.f32 v0, v15  }
0x24b: {  	v51 =	vadd.s32 v21, v29;
	v8 =	vld.idx.msk [tilespmem:v45+s17+$0x0], $0xffff;
	v0 =	vmin.f32 v0, v16  }
0x24c: {  	v52 =	vadd.s32 v19, v26;
	v0 =	vmin.f32 v0, v14;
	v9 =	vld.idx.msk [tilespmem:v47+s18+$0x0], $0xffff  }
0x24d: {  	v53 =	vadd.s32 v17, v18;
	v10 =	vld.idx.msk [tilespmem:v48+s17+$0x0], $0xffff;
	v0 =	vmin.f32 v0, v3  }
0x24e: {  	v1 =	vadd.s32 v1, v2;
	v54 =	vld.idx.msk [tilespmem:v49+s17+$0x0], $0xffff;
	v0 =	vmin.f32 v0, v6  }
0x24f: {  	v55 =	vadd.s32 v12, v11;
	v56 =	vld.idx.msk [tilespmem:v50+s17+$0x0], $0xffff;
	v0 =	vmin.f32 v0, v5  }
0x250: {  	v58 =	vld.idx.msk [tilespmem:v51+s17+$0x0], $0xffff;
	v57 =	vadd.s32 v30, v7;
	v0 =	vmin.f32 v0, v4  }
0x251: {  	v59 =	vld.idx.msk [tilespmem:v52+s17+$0x0], $0xffff;
	v0 =	vmin.f32 v0, v8;
	v60 =	vadd.s32 v9, v46  }
0x252: {  	v3 =	vld.idx.msk [tilespmem:v53+s17+$0x0], $0xffff;
	v0 =	vmin.f32 v0, v10  }
0x253: {  	v1 =	vld.idx.msk [tilespmem:v1+s17+$0x0], $0xffff;
	v0 =	vmin.f32 v0, v54  }
0x254: {  	v61 =	vld.idx.msk [tilespmem:v55+s17+$0x0], $0xffff;
	v0 =	vmin.f32 v0, v56  }
0x255: {  	v4 =	vld.idx.msk [tilespmem:v57+s17+$0x0], $0xffff;
	v0 =	vmin.f32 v0, v58  }
0x256: {  	v0 =	vmin.f32 v0, v59;
	v62 =	vld.idx.msk [tilespmem:v60+s17+$0x0], $0xffff  }
0x257: {  	v63 =	vld [tilespmem:$0x1C10];
	v0 =	vmin.f32 v0, v3  }
0x258: {  	v0 =	vmin.f32 v0, v1  }
0x259: {  	v0 =	vmin.f32 v0, v61  }
0x25a: {  	v0 =	vmin.f32 v0, v4  }
0x25b: {  	v0 =	vmin.f32 v0, v62  }
0x25c: {  	[tilespmem:$0x2090] =	vst v9;
	v0 =	vmin.f32 v0, v63  }
0x25d: {  	[tilespmem:$0x2010] =	vst v0  }
0x25e: {  	[hbm4b:s8+s4] =	stream.linear.scatter [tilespmem:s19], [sflag:$0x1], $0x20, $0x38;
	[tilespmem:$0x2100] =	vst v63  }
0x25f: {  	_ =	swait.ge [sflag:s12], $0x20  }
0x260: {  	p0 =	sne.s32 s10, $0x1;
	[sflag:s12] =	ssyncset.done $0x0  }
.Ltmp0:
0x261: {  	[sflag:s12] =	ssyncadd.s32 $0xFFFFFFE0;
	(pc) =	sbr.rel @p0 .LBB2_1-.Ltmp0, $4  }
0x262: {  	[hbm4b:s9+s4] =	stream.linear.scatter [tilespmem:s20], [sflag:$0x1], $0x20, $0x38;
	[tilespmem:$0x2100] =	vst v63  }
0x263: {  	_ =	swait.ge [sflag:s12], $0x20  }
0x264: {  	[sflag:s12] =	ssyncset.done $0x0  }
0x265: {  	s10 =	sadd.s32 $0xFFFFFFFF, s10;
	[sflag:s12] =	ssyncadd.s32 $0xFFFFFFE0  }
0x266: {  	_ =	sfence.sel $0x180000  }
0x267: {  	[bflag:$0x0] =	sbarrier.arrive $0xFFFF  }
0x268: {  	p0 =	sne.s32 s0, $0x0;
	_ =	strace $0x90000047  }
0x269: {  	s0 =	sadd.s32 @!p0 $0x100000, s2;
	[bflag:$0x2] =	sbarrier.arrive $0xFFFF  }
0x26a: {  	[sflag:s0] =	ssyncadd.tile.s32 @!p0 $0x1;
	_ =	shalt  }
.Lfunc_end2:
_tile_overlayer_lowered:
.L_overlay_start_2:
0x26b: {  	(tag) =	ssettag $0x2  }
0x26c: {  	s0 =	rddreg [dreg:$0x0];
	s2 =	stileid.u32  }
0x26d: {  	s1 =	rddreg [dreg:$0x1];
	p0 =	sne.s32 s2, $0x0  }
0x26e: {  	s3 =	rddreg [dreg:$0x2];
	[bflag:$0x3] =	sbarrier.arrive $0xFFFF;
	s2 =	simm.s32 @!p0 $0x1C01  }
0x26f: {  	[timem:s3], [sflag:s2] =	dma.local @!p0 [hbm:s0], s1  }
0x270: {  	s0 =	simm.s32 @!p0 $0x1  }
0x271: {  	_ =	swait.ge @!p0 [sflag:s0], s1  }
0x272: {  	s1 =	ssub.s32 @!p0 $0x0, s1;
	[sflag:s0] =	ssyncset.done @!p0 $0x0  }
0x273: {  	[sflag:s0] =	ssyncadd.s32 @!p0 s1  }
0x274: {  	[bflag:$0x3] =	sbarrier.arrive $0xFFFF  }
0x275: {  	_ =	shalt  }

</sc_bundles>
